<compile_context>
chip_gen: v7x
topology: tpu7x:2x2x1
jax: 0.10.2.dev20260603
libtpu: 0.0.44.dev20260713+nightly
codegen_flags: <defaults>
</compile_context>

<pallas_src>
import functools

import jax
import jax.numpy as jnp
from jax import lax
from jax.experimental import pallas as pl
from jax.experimental.pallas import tpu as pltpu
from jax.experimental.pallas import tpu_sc as plsc

N = 10000
E = 160000
D = 256
H = 64
C = 10

NC = 2
NS = 16
N_PAD = 10240
ROWS_PER_TILE = N_PAD // NS
CH = 128
EPT = 5120
NCHUNK = EPT // CH
NCHUNK_LAST = (E - 31 * EPT) // CH
NROWS2 = E // CH
DEG_W = 16

RB = 2000
GRID = N // RB

_mesh = plsc.VectorSubcoreMesh(core_axis_name="c", subcore_axis_name="s")
_sc_params = pltpu.CompilerParams(use_tc_tiling_on_sc=False)


def _zero_fill(ref, ncols):
    def body(r, _):
        for j in range(ncols // 16):
            ref[r, pl.ds(j * 16, 16)] = jnp.zeros((16,), jnp.float32)
        return 0
    lax.fori_loop(0, CH, body, 0)


@functools.partial(
    pl.kernel,
    out_type=jax.ShapeDtypeStruct((NC, N_PAD, DEG_W), jnp.float32),
    mesh=_mesh,
    compiler_params=_sc_params,
    scratch_types=[
        pltpu.VMEM((NCHUNK, CH), jnp.int32),
        pltpu.VMEM((CH, DEG_W), jnp.float32),
        pltpu.VMEM_SHARED((N_PAD, DEG_W), jnp.float32),
    ],
)
def _sc_degree(dst2_hbm, out_hbm, didx_all, ones_v, acc):
    c = lax.axis_index("c")
    s = lax.axis_index("s")
    w = c * NS + s
    nch = jnp.where(w == NC * NS - 1, NCHUNK_LAST, NCHUNK)
    cbase = pl.multiple_of(w * NCHUNK, 8)

    @pl.when(w < NC * NS - 1)
    def _():
        pltpu.sync_copy(dst2_hbm.at[pl.ds(cbase, NCHUNK)], didx_all)

    @pl.when(w == NC * NS - 1)
    def _():
        pltpu.sync_copy(dst2_hbm.at[pl.ds(cbase, NCHUNK_LAST)],
                        didx_all.at[pl.ds(0, NCHUNK_LAST)])
    _zero_fill(ones_v, DEG_W)
    for k in range(ROWS_PER_TILE // CH):
        pltpu.sync_copy(ones_v, acc.at[pl.ds(s * ROWS_PER_TILE + k * CH, CH)])
    def fill1(r, _):
        ones_v[r, pl.ds(0, 16)] = jnp.full((16,), 1.0, jnp.float32)
        return 0
    lax.fori_loop(0, CH, fill1, 0)
    plsc.subcore_barrier()

    def chunk(i, _):
        pltpu.sync_copy(ones_v, acc.at[didx_all.at[i]], add=True)
        return 0
    lax.fori_loop(0, nch, chunk, 0)
    plsc.subcore_barrier()
    pltpu.sync_copy(
        acc.at[pl.ds(s * ROWS_PER_TILE, ROWS_PER_TILE)],
        out_hbm.at[c, pl.ds(s * ROWS_PER_TILE, ROWS_PER_TILE)],
    )


@functools.partial(
    pl.kernel,
    out_type=jax.ShapeDtypeStruct((NC, N_PAD, H), jnp.float32),
    mesh=_mesh,
    compiler_params=_sc_params,
    scratch_types=[
        pltpu.VMEM((NCHUNK, CH), jnp.int32),
        pltpu.VMEM((NCHUNK, CH), jnp.int32),
        pltpu.VMEM((CH, H), jnp.float32),
        pltpu.VMEM((CH, H), jnp.float32),
        pltpu.VMEM_SHARED((N_PAD, H), jnp.float32),
        pltpu.SemaphoreType.DMA,
        pltpu.SemaphoreType.DMA,
    ],
)
def _sc_aggregate(g_hbm, src2_hbm, dst2_hbm, out_hbm,
                  sidx_all, didx_all, rows0, rows1, acc, sem0, sem1):
    c = lax.axis_index("c")
    s = lax.axis_index("s")
    w = c * NS + s
    nch = jnp.where(w == NC * NS - 1, NCHUNK_LAST, NCHUNK)
    cbase = pl.multiple_of(w * NCHUNK, 8)

    @pl.when(w < NC * NS - 1)
    def _():
        pltpu.sync_copy(src2_hbm.at[pl.ds(cbase, NCHUNK)], sidx_all)
        pltpu.sync_copy(dst2_hbm.at[pl.ds(cbase, NCHUNK)], didx_all)

    @pl.when(w == NC * NS - 1)
    def _():
        pltpu.sync_copy(src2_hbm.at[pl.ds(cbase, NCHUNK_LAST)],
                        sidx_all.at[pl.ds(0, NCHUNK_LAST)])
        pltpu.sync_copy(dst2_hbm.at[pl.ds(cbase, NCHUNK_LAST)],
                        didx_all.at[pl.ds(0, NCHUNK_LAST)])
    _zero_fill(rows0, H)
    for k in range(ROWS_PER_TILE // CH):
        pltpu.sync_copy(rows0, acc.at[pl.ds(s * ROWS_PER_TILE + k * CH, CH)])
    plsc.subcore_barrier()

    def gather(i, buf, sem):
        return pltpu.async_copy(g_hbm.at[sidx_all.at[i]], buf, sem)

    def gather_wait(i, buf, sem):
        pltpu.make_async_copy(g_hbm.at[sidx_all.at[i]], buf, sem).wait()

    gather(0, rows0, sem0)

    def pair(j, _):
        i = j * 2
        gather(i + 1, rows1, sem1)
        gather_wait(i, rows0, sem0)
        pltpu.sync_copy(rows0, acc.at[didx_all.at[i]], add=True)

        @pl.when(i + 2 < nch)
        def _():
            gather(i + 2, rows0, sem0)

        gather_wait(i + 1, rows1, sem1)
        pltpu.sync_copy(rows1, acc.at[didx_all.at[i + 1]], add=True)
        return 0
    lax.fori_loop(0, nch // 2, pair, 0)
    plsc.subcore_barrier()
    pltpu.sync_copy(
        acc.at[pl.ds(s * ROWS_PER_TILE, ROWS_PER_TILE)],
        out_hbm.at[c, pl.ds(s * ROWS_PER_TILE, ROWS_PER_TILE)],
    )


def _dinv_block(deg_ref):
    d = deg_ref[0, :, 0:1] + deg_ref[1, :, 0:1] + 1.0
    return lax.rsqrt(d)


def _tc_mm1_body(x_ref, w_ref, h_ref):
    h_ref[...] = jnp.dot(x_ref[...], w_ref[...],
                         preferred_element_type=jnp.float32)


def _tc_scale_body(h_ref, deg_ref, g_ref):
    g_ref[...] = h_ref[...] * _dinv_block(deg_ref)


def _tc_layer2_body(h1_ref, agg_ref, deg_ref, w2_ref, b1_ref, g2_ref):
    dinv = _dinv_block(deg_ref)
    d2 = dinv * dinv
    agg = agg_ref[0] + agg_ref[1]
    u1 = jnp.maximum(d2 * agg + d2 * dinv * h1_ref[...] + dinv * b1_ref[...],
                     0.0)
    g2_ref[...] = jnp.dot(u1, w2_ref[...], preferred_element_type=jnp.float32)


def _tc_final_body(g2_ref, agg_ref, deg_ref, b2_ref, wfc_ref, bfc_ref,
                   out_ref, acc_ref):
    i = pl.program_id(0)
    dinv = _dinv_block(deg_ref)
    agg = agg_ref[0] + agg_ref[1]
    out2 = jnp.maximum(dinv * (agg + g2_ref[...]) + b2_ref[...], 0.0)
    part = jnp.sum(out2, axis=0, keepdims=True)

    @pl.when(i == 0)
    def _():
        acc_ref[...] = part

    @pl.when(i > 0)
    def _():
        acc_ref[...] = acc_ref[...] + part

    @pl.when(i == GRID - 1)
    def _():
        pooled = acc_ref[...] * (1.0 / N)
        out_ref[...] = (
            jnp.dot(pooled, wfc_ref[...], preferred_element_type=jnp.float32)
            + bfc_ref[...]
        )


def kernel(x, edge_index, W1, b1, W2, b2, Wfc, bfc):
    src2 = edge_index[0].reshape(NROWS2, CH)
    dst2 = edge_index[1].reshape(NROWS2, CH)
    b1r = b1.reshape(1, H)
    b2r = b2.reshape(1, H)
    bfcr = bfc.reshape(1, C)

    deg_spec = pl.BlockSpec((NC, RB, DEG_W), lambda i: (0, i, 0))
    agg_spec = pl.BlockSpec((NC, RB, H), lambda i: (0, i, 0))
    row_spec = pl.BlockSpec((RB, H), lambda i: (i, 0))
    out_nh = jax.ShapeDtypeStruct((N, H), jnp.float32)

    deg = _sc_degree(dst2)
    h1 = pl.pallas_call(
        _tc_mm1_body,
        grid=(GRID,),
        in_specs=[
            pl.BlockSpec((RB, D), lambda i: (i, 0)),
            pl.BlockSpec((D, H), lambda i: (0, 0)),
        ],
        out_specs=row_spec,
        out_shape=out_nh,
    )(x, W1)

    g1 = pl.pallas_call(
        _tc_scale_body,
        grid=(GRID,),
        in_specs=[row_spec, deg_spec],
        out_specs=row_spec,
        out_shape=out_nh,
    )(h1, deg)

    agg1 = _sc_aggregate(g1, src2, dst2)

    g2 = pl.pallas_call(
        _tc_layer2_body,
        grid=(GRID,),
        in_specs=[
            row_spec,
            agg_spec,
            deg_spec,
            pl.BlockSpec((H, H), lambda i: (0, 0)),
            pl.BlockSpec((1, H), lambda i: (0, 0)),
        ],
        out_specs=row_spec,
        out_shape=out_nh,
    )(h1, agg1, deg, W2, b1r)

    agg2 = _sc_aggregate(g2, src2, dst2)

    out = pl.pallas_call(
        _tc_final_body,
        grid=(GRID,),
        in_specs=[
            row_spec,
            agg_spec,
            deg_spec,
            pl.BlockSpec((1, H), lambda i: (0, 0)),
            pl.BlockSpec((H, C), lambda i: (0, 0)),
            pl.BlockSpec((1, C), lambda i: (0, 0)),
        ],
        out_specs=pl.BlockSpec((1, C), lambda i: (0, 0)),
        out_shape=jax.ShapeDtypeStruct((1, C), jnp.float32),
        scratch_shapes=[pltpu.VMEM((1, H), jnp.float32)],
    )(g2, agg2, deg, b2r, Wfc, bfcr)

    return out

# --- scband reference (transcript-rebuilt; emitter-appended) ---
"""Pipeline reference for scband-gnnmodel-60722247631670 (READ-ONLY COPY).

The authoritative reference and input builder live on the scoring server;
editing this copy changes nothing except your own understanding.
"""

import jax, jax.numpy as jnp
import numpy as np

N = 10000
E = 160000
D = 256
H = 64
C = 10


def setup_inputs(seed: int = 0) -> dict:
    key = jax.random.key(seed)
    k1, k2, k3, k4, k5, k6, k7, k8 = jax.random.split(key, 8)
    x = jax.random.normal(k1, (N, D), dtype=jnp.float32)
    edge_index = jax.random.randint(k2, (2, E), 0, N, dtype=jnp.int32)
    # Glorot-style init for GCN weights, uniform for biases (like torch defaults)
    W1 = jax.random.normal(k3, (D, H), dtype=jnp.float32) * (1.0 / np.sqrt(D))
    b1 = jnp.zeros((H,), dtype=jnp.float32)
    W2 = jax.random.normal(k4, (H, H), dtype=jnp.float32) * (1.0 / np.sqrt(H))
    b2 = jnp.zeros((H,), dtype=jnp.float32)
    Wfc = jax.random.normal(k5, (H, C), dtype=jnp.float32) * (1.0 / np.sqrt(H))
    bfc = jax.random.uniform(k6, (C,), dtype=jnp.float32, minval=-1.0 / np.sqrt(H), maxval=1.0 / np.sqrt(H))
    return {"x": x, "edge_index": edge_index, "W1": W1, "b1": b1, "W2": W2, "b2": b2, "Wfc": Wfc, "bfc": bfc}


def _gcn_conv(x, edge_index, W, b):
    # GCNConv with self-loops and symmetric normalization (PyG semantics)
    loop = jnp.arange(N, dtype=edge_index.dtype)
    src = jnp.concatenate([edge_index[0], loop])
    dst = jnp.concatenate([edge_index[1], loop])
    deg = jax.ops.segment_sum(jnp.ones_like(dst, dtype=x.dtype), dst, num_segments=N)
    dinv = jnp.where(deg > 0, 1.0 / jnp.sqrt(deg), 0.0)
    norm = dinv[src] * dinv[dst]
    h = x @ W
    msg = jnp.take(h, src, axis=0) * norm[:, None]
    out = jax.ops.segment_sum(msg, dst, num_segments=N)
    return out + b


def reference(x, edge_index, W1, b1, W2, b2, Wfc, bfc):
    h = jax.nn.relu(_gcn_conv(x, edge_index, W1, b1))
    h = jax.nn.relu(_gcn_conv(h, edge_index, W2, b2))
    # global_mean_pool with batch = all zeros (single graph)
    pooled = jnp.mean(h, axis=0, keepdims=True)
    return pooled @ Wfc + bfc

if __name__ == "__main__":
    import jax
    _d = setup_inputs()
    print(jax.jit(kernel)(*tuple(_d.values())))

</pallas_src>

<mosaic_0001>
#map = affine_map<(d0, d1) -> (0, 0)>
#map1 = affine_map<(d0, d1) -> (0, 0, 0)>
module attributes {stable_mosaic.version = 14 : i64} {
  func.func @_sc_aggregate(%arg0: i32, %arg1: i32, %arg2: memref<10000x64xf32, #tpu.memory_space<hbm>>, %arg3: memref<1250x128xi32, #tpu.memory_space<hbm>>, %arg4: memref<1250x128xi32, #tpu.memory_space<hbm>>, %arg5: memref<2x10240x64xf32, #tpu.memory_space<hbm>>, %arg6: memref<40x128xi32, #tpu.memory_space<vmem>>, %arg7: memref<40x128xi32, #tpu.memory_space<vmem>>, %arg8: memref<128x64xf32, #tpu.memory_space<vmem>>, %arg9: memref<128x64xf32, #tpu.memory_space<vmem>>, %arg10: memref<10240x64xf32, #tpu.memory_space<vmem_shared>>, %arg11: memref<!tpu.dma_semaphore, #tpu.memory_space<semaphore_mem>>, %arg12: memref<!tpu.dma_semaphore, #tpu.memory_space<semaphore_mem>>) attributes {dimension_semantics = [#tpu.dimension_semantics<core_parallel>, #tpu.dimension_semantics<subcore_parallel>], iteration_bounds = array<i64: 2, 16>, scalar_prefetch = 0 : i64, scratch_operands = 7 : i64, tpu.core_type = #tpu.core_type<sc_vector_subcore>, window_params = [{transform_indices = #map}, {transform_indices = #map}, {transform_indices = #map}, {transform_indices = #map1}]} {
    %mul3A = arith.constant 16 : i32
    %mul3A_0 = arith.muli %arg0, %mul3A : i32
    %add3A = arith.addi %mul3A_0, %arg1 : i32
    %eq3A = arith.constant 31 : i32
    %eq3A_1 = arith.cmpi eq, %add3A, %eq3A : i32
    %jit3A = arith.constant 10 : i32
    %jit3A_2 = arith.constant 40 : i32
    %select_n3A = arith.select %eq3A_1, %jit3A, %jit3A_2 : i32
    %mul3A_3 = arith.constant 40 : i32
    %mul3A_4 = arith.muli %add3A, %mul3A_3 : i32
    %multiple_of3A = tpu.assume_multiple %mul3A_4, 8 : i32
    %lt3A = arith.constant 31 : i32
    %lt3A_5 = arith.cmpi slt, %add3A, %lt3A : i32
    %convert_element_type3A = arith.extui %lt3A_5 : i1 to i32
    %cond3A = arith.constant 0 : i32
    %cond3A_6 = arith.cmpi ne, %convert_element_type3A, %cond3A : i32
    scf.if %cond3A_6 {
      "tpu.region"() ({
        %run_scoped3A = tpu.sem_alloc : memref<!tpu.dma_semaphore, #tpu.memory_space<semaphore_mem>>
        %dma_start3A_78 = arith.constant 0 : i32
        %dma_start3A_79 = tpu.memref_slice %arg3[%multiple_of3A, %dma_start3A_78] : memref<1250x128xi32, #tpu.memory_space<hbm>> -> memref<40x128xi32, #tpu.memory_space<hbm>>
        %dma_start3A_80 = arith.constant 0 : i32
        %dma_start3A_81 = tpu.memref_slice %arg3[%multiple_of3A, %dma_start3A_80] : memref<1250x128xi32, #tpu.memory_space<hbm>> -> memref<40x128xi32, #tpu.memory_space<hbm>>
        tpu.enqueue_dma source(%dma_start3A_81 : memref<40x128xi32, #tpu.memory_space<hbm>>) target(%arg6 : memref<40x128xi32, #tpu.memory_space<vmem>>) target_semaphore(%run_scoped3A : memref<!tpu.dma_semaphore, #tpu.memory_space<semaphore_mem>>)
        %dma_wait3A = arith.constant 0 : i32
        %dma_wait3A_82 = tpu.memref_slice %arg3[%multiple_of3A, %dma_wait3A] : memref<1250x128xi32, #tpu.memory_space<hbm>> -> memref<40x128xi32, #tpu.memory_space<hbm>>
        %dma_wait3A_83 = arith.constant 0 : i32
        %dma_wait3A_84 = tpu.memref_slice %arg3[%multiple_of3A, %dma_wait3A_83] : memref<1250x128xi32, #tpu.memory_space<hbm>> -> memref<40x128xi32, #tpu.memory_space<hbm>>
        tpu.wait_dma2 semaphore(%run_scoped3A : memref<!tpu.dma_semaphore, #tpu.memory_space<semaphore_mem>>) src(%dma_wait3A_84 : memref<40x128xi32, #tpu.memory_space<hbm>>) dst(%arg6 : memref<40x128xi32, #tpu.memory_space<vmem>>)
        tpu.yield
      }) : () -> ()
      "tpu.region"() ({
        %run_scoped3A = tpu.sem_alloc : memref<!tpu.dma_semaphore, #tpu.memory_space<semaphore_mem>>
        %dma_start3A_78 = arith.constant 0 : i32
        %dma_start3A_79 = tpu.memref_slice %arg4[%multiple_of3A, %dma_start3A_78] : memref<1250x128xi32, #tpu.memory_space<hbm>> -> memref<40x128xi32, #tpu.memory_space<hbm>>
        %dma_start3A_80 = arith.constant 0 : i32
        %dma_start3A_81 = tpu.memref_slice %arg4[%multiple_of3A, %dma_start3A_80] : memref<1250x128xi32, #tpu.memory_space<hbm>> -> memref<40x128xi32, #tpu.memory_space<hbm>>
        tpu.enqueue_dma source(%dma_start3A_81 : memref<40x128xi32, #tpu.memory_space<hbm>>) target(%arg7 : memref<40x128xi32, #tpu.memory_space<vmem>>) target_semaphore(%run_scoped3A : memref<!tpu.dma_semaphore, #tpu.memory_space<semaphore_mem>>)
        %dma_wait3A = arith.constant 0 : i32
        %dma_wait3A_82 = tpu.memref_slice %arg4[%multiple_of3A, %dma_wait3A] : memref<1250x128xi32, #tpu.memory_space<hbm>> -> memref<40x128xi32, #tpu.memory_space<hbm>>
        %dma_wait3A_83 = arith.constant 0 : i32
        %dma_wait3A_84 = tpu.memref_slice %arg4[%multiple_of3A, %dma_wait3A_83] : memref<1250x128xi32, #tpu.memory_space<hbm>> -> memref<40x128xi32, #tpu.memory_space<hbm>>
        tpu.wait_dma2 semaphore(%run_scoped3A : memref<!tpu.dma_semaphore, #tpu.memory_space<semaphore_mem>>) src(%dma_wait3A_84 : memref<40x128xi32, #tpu.memory_space<hbm>>) dst(%arg7 : memref<40x128xi32, #tpu.memory_space<vmem>>)
        tpu.yield
      }) : () -> ()
    } else {
    }
    %eq3A_7 = arith.constant 31 : i32
    %eq3A_8 = arith.cmpi eq, %add3A, %eq3A_7 : i32
    %convert_element_type3A_9 = arith.extui %eq3A_8 : i1 to i32
    %cond3A_10 = arith.constant 0 : i32
    %cond3A_11 = arith.cmpi ne, %convert_element_type3A_9, %cond3A_10 : i32
    scf.if %cond3A_11 {
      "tpu.region"() ({
        %run_scoped3A = tpu.sem_alloc : memref<!tpu.dma_semaphore, #tpu.memory_space<semaphore_mem>>
        %dma_start3A_78 = arith.constant 0 : i32
        %dma_start3A_79 = arith.constant 0 : i32
        %dma_start3A_80 = tpu.memref_slice %arg6[%dma_start3A_78, %dma_start3A_79] : memref<40x128xi32, #tpu.memory_space<vmem>> -> memref<10x128xi32, #tpu.memory_space<vmem>>
        %dma_start3A_81 = arith.constant 0 : i32
        %dma_start3A_82 = tpu.memref_slice %arg3[%multiple_of3A, %dma_start3A_81] : memref<1250x128xi32, #tpu.memory_space<hbm>> -> memref<10x128xi32, #tpu.memory_space<hbm>>
        %dma_start3A_83 = arith.constant 0 : i32
        %dma_start3A_84 = arith.constant 0 : i32
        %dma_start3A_85 = tpu.memref_slice %arg6[%dma_start3A_83, %dma_start3A_84] : memref<40x128xi32, #tpu.memory_space<vmem>> -> memref<10x128xi32, #tpu.memory_space<vmem>>
        %dma_start3A_86 = arith.constant 0 : i32
        %dma_start3A_87 = tpu.memref_slice %arg3[%multiple_of3A, %dma_start3A_86] : memref<1250x128xi32, #tpu.memory_space<hbm>> -> memref<10x128xi32, #tpu.memory_space<hbm>>
        tpu.enqueue_dma source(%dma_start3A_87 : memref<10x128xi32, #tpu.memory_space<hbm>>) target(%dma_start3A_85 : memref<10x128xi32, #tpu.memory_space<vmem>>) target_semaphore(%run_scoped3A : memref<!tpu.dma_semaphore, #tpu.memory_space<semaphore_mem>>)
        %dma_wait3A = arith.constant 0 : i32
        %dma_wait3A_88 = arith.constant 0 : i32
        %dma_wait3A_89 = tpu.memref_slice %arg6[%dma_wait3A, %dma_wait3A_88] : memref<40x128xi32, #tpu.memory_space<vmem>> -> memref<10x128xi32, #tpu.memory_space<vmem>>
        %dma_wait3A_90 = arith.constant 0 : i32
        %dma_wait3A_91 = tpu.memref_slice %arg3[%multiple_of3A, %dma_wait3A_90] : memref<1250x128xi32, #tpu.memory_space<hbm>> -> memref<10x128xi32, #tpu.memory_space<hbm>>
        %dma_wait3A_92 = arith.constant 0 : i32
        %dma_wait3A_93 = arith.constant 0 : i32
        %dma_wait3A_94 = tpu.memref_slice %arg6[%dma_wait3A_92, %dma_wait3A_93] : memref<40x128xi32, #tpu.memory_space<vmem>> -> memref<10x128xi32, #tpu.memory_space<vmem>>
        %dma_wait3A_95 = arith.constant 0 : i32
        %dma_wait3A_96 = tpu.memref_slice %arg3[%multiple_of3A, %dma_wait3A_95] : memref<1250x128xi32, #tpu.memory_space<hbm>> -> memref<10x128xi32, #tpu.memory_space<hbm>>
        tpu.wait_dma2 semaphore(%run_scoped3A : memref<!tpu.dma_semaphore, #tpu.memory_space<semaphore_mem>>) src(%dma_wait3A_96 : memref<10x128xi32, #tpu.memory_space<hbm>>) dst(%dma_wait3A_94 : memref<10x128xi32, #tpu.memory_space<vmem>>)
        tpu.yield
      }) : () -> ()
      "tpu.region"() ({
        %run_scoped3A = tpu.sem_alloc : memref<!tpu.dma_semaphore, #tpu.memory_space<semaphore_mem>>
        %dma_start3A_78 = arith.constant 0 : i32
        %dma_start3A_79 = arith.constant 0 : i32
        %dma_start3A_80 = tpu.memref_slice %arg7[%dma_start3A_78, %dma_start3A_79] : memref<40x128xi32, #tpu.memory_space<vmem>> -> memref<10x128xi32, #tpu.memory_space<vmem>>
        %dma_start3A_81 = arith.constant 0 : i32
        %dma_start3A_82 = tpu.memref_slice %arg4[%multiple_of3A, %dma_start3A_81] : memref<1250x128xi32, #tpu.memory_space<hbm>> -> memref<10x128xi32, #tpu.memory_space<hbm>>
        %dma_start3A_83 = arith.constant 0 : i32
        %dma_start3A_84 = arith.constant 0 : i32
        %dma_start3A_85 = tpu.memref_slice %arg7[%dma_start3A_83, %dma_start3A_84] : memref<40x128xi32, #tpu.memory_space<vmem>> -> memref<10x128xi32, #tpu.memory_space<vmem>>
        %dma_start3A_86 = arith.constant 0 : i32
        %dma_start3A_87 = tpu.memref_slice %arg4[%multiple_of3A, %dma_start3A_86] : memref<1250x128xi32, #tpu.memory_space<hbm>> -> memref<10x128xi32, #tpu.memory_space<hbm>>
        tpu.enqueue_dma source(%dma_start3A_87 : memref<10x128xi32, #tpu.memory_space<hbm>>) target(%dma_start3A_85 : memref<10x128xi32, #tpu.memory_space<vmem>>) target_semaphore(%run_scoped3A : memref<!tpu.dma_semaphore, #tpu.memory_space<semaphore_mem>>)
        %dma_wait3A = arith.constant 0 : i32
        %dma_wait3A_88 = arith.constant 0 : i32
        %dma_wait3A_89 = tpu.memref_slice %arg7[%dma_wait3A, %dma_wait3A_88] : memref<40x128xi32, #tpu.memory_space<vmem>> -> memref<10x128xi32, #tpu.memory_space<vmem>>
        %dma_wait3A_90 = arith.constant 0 : i32
        %dma_wait3A_91 = tpu.memref_slice %arg4[%multiple_of3A, %dma_wait3A_90] : memref<1250x128xi32, #tpu.memory_space<hbm>> -> memref<10x128xi32, #tpu.memory_space<hbm>>
        %dma_wait3A_92 = arith.constant 0 : i32
        %dma_wait3A_93 = arith.constant 0 : i32
        %dma_wait3A_94 = tpu.memref_slice %arg7[%dma_wait3A_92, %dma_wait3A_93] : memref<40x128xi32, #tpu.memory_space<vmem>> -> memref<10x128xi32, #tpu.memory_space<vmem>>
        %dma_wait3A_95 = arith.constant 0 : i32
        %dma_wait3A_96 = tpu.memref_slice %arg4[%multiple_of3A, %dma_wait3A_95] : memref<1250x128xi32, #tpu.memory_space<hbm>> -> memref<10x128xi32, #tpu.memory_space<hbm>>
        tpu.wait_dma2 semaphore(%run_scoped3A : memref<!tpu.dma_semaphore, #tpu.memory_space<semaphore_mem>>) src(%dma_wait3A_96 : memref<10x128xi32, #tpu.memory_space<hbm>>) dst(%dma_wait3A_94 : memref<10x128xi32, #tpu.memory_space<vmem>>)
        tpu.yield
      }) : () -> ()
    } else {
    }
    %scan3A = arith.constant 0 : i32
    %scan3A_12 = arith.constant 0 : i32
    %scan3A_13 = arith.constant 128 : i32
    %scan3A_14 = arith.addi %scan3A_12, %scan3A_13 : i32
    %scan3A_15 = arith.constant 1 : i32
    %scan3A_16 = scf.for %scan3A_78 = %scan3A_12 to %scan3A_14 step %scan3A_15 iter_args(%scan3A_79 = %scan3A) -> (i32)  : i32 {
      %broadcast_in_dim3A = arith.constant 0.000000e+00 : f32
      %broadcast_in_dim3A_80 = vector.broadcast %broadcast_in_dim3A : f32 to vector<16xf32>
      %swap3A = arith.index_cast %scan3A_78 : i32 to index
      %swap3A_81 = arith.constant 0 : index
      %swap3A_82 = tpu.vector_load %arg8[%swap3A, %swap3A_81] {strides = array<i32>} : memref<128x64xf32, #tpu.memory_space<vmem>>, vector<1x16xf32>,
      %swap3A_83 = vector.shape_cast %swap3A_82 : vector<1x16xf32> to vector<16xf32>
      %swap3A_84 = vector.shape_cast %broadcast_in_dim3A_80 : vector<16xf32> to vector<1x16xf32>
      tpu.vector_store %arg8[%swap3A, %swap3A_81], %swap3A_84 {strides = array<i32>} : memref<128x64xf32, #tpu.memory_space<vmem>>, vector<1x16xf32>,
      %broadcast_in_dim3A_85 = arith.constant 0.000000e+00 : f32
      %broadcast_in_dim3A_86 = vector.broadcast %broadcast_in_dim3A_85 : f32 to vector<16xf32>
      %swap3A_87 = arith.index_cast %scan3A_78 : i32 to index
      %swap3A_88 = arith.constant 16 : index
      %swap3A_89 = tpu.vector_load %arg8[%swap3A_87, %swap3A_88] {strides = array<i32>} : memref<128x64xf32, #tpu.memory_space<vmem>>, vector<1x16xf32>,
      %swap3A_90 = vector.shape_cast %swap3A_89 : vector<1x16xf32> to vector<16xf32>
      %swap3A_91 = vector.shape_cast %broadcast_in_dim3A_86 : vector<16xf32> to vector<1x16xf32>
      tpu.vector_store %arg8[%swap3A_87, %swap3A_88], %swap3A_91 {strides = array<i32>} : memref<128x64xf32, #tpu.memory_space<vmem>>, vector<1x16xf32>,
      %broadcast_in_dim3A_92 = arith.constant 0.000000e+00 : f32
      %broadcast_in_dim3A_93 = vector.broadcast %broadcast_in_dim3A_92 : f32 to vector<16xf32>
      %swap3A_94 = arith.index_cast %scan3A_78 : i32 to index
      %swap3A_95 = arith.constant 32 : index
      %swap3A_96 = tpu.vector_load %arg8[%swap3A_94, %swap3A_95] {strides = array<i32>} : memref<128x64xf32, #tpu.memory_space<vmem>>, vector<1x16xf32>,
      %swap3A_97 = vector.shape_cast %swap3A_96 : vector<1x16xf32> to vector<16xf32>
      %swap3A_98 = vector.shape_cast %broadcast_in_dim3A_93 : vector<16xf32> to vector<1x16xf32>
      tpu.vector_store %arg8[%swap3A_94, %swap3A_95], %swap3A_98 {strides = array<i32>} : memref<128x64xf32, #tpu.memory_space<vmem>>, vector<1x16xf32>,
      %broadcast_in_dim3A_99 = arith.constant 0.000000e+00 : f32
      %broadcast_in_dim3A_100 = vector.broadcast %broadcast_in_dim3A_99 : f32 to vector<16xf32>
      %swap3A_101 = arith.index_cast %scan3A_78 : i32 to index
      %swap3A_102 = arith.constant 48 : index
      %swap3A_103 = tpu.vector_load %arg8[%swap3A_101, %swap3A_102] {strides = array<i32>} : memref<128x64xf32, #tpu.memory_space<vmem>>, vector<1x16xf32>,
      %swap3A_104 = vector.shape_cast %swap3A_103 : vector<1x16xf32> to vector<16xf32>
      %swap3A_105 = vector.shape_cast %broadcast_in_dim3A_100 : vector<16xf32> to vector<1x16xf32>
      tpu.vector_store %arg8[%swap3A_101, %swap3A_102], %swap3A_105 {strides = array<i32>} : memref<128x64xf32, #tpu.memory_space<vmem>>, vector<1x16xf32>,
      %scan3A_106 = arith.constant 0 : i32
      scf.yield %scan3A_106 : i32
    }
    %scan3A_17 = arith.constant 128 : i32
    %mul3A_18 = arith.constant 640 : i32
    %mul3A_19 = arith.muli %arg1, %mul3A_18 : i32
    %add3A_20 = arith.constant 0 : i32
    %add3A_21 = arith.addi %mul3A_19, %add3A_20 : i32
    "tpu.region"() ({
      %run_scoped3A = tpu.sem_alloc : memref<!tpu.dma_semaphore, #tpu.memory_space<semaphore_mem>>
      %dma_start3A_78 = arith.constant 0 : i32
      %dma_start3A_79 = tpu.memref_slice %arg10[%add3A_21, %dma_start3A_78] : memref<10240x64xf32, #tpu.memory_space<vmem_shared>> -> memref<128x64xf32, #tpu.memory_space<vmem_shared>>
      %dma_start3A_80 = arith.constant 0 : i32
      %dma_start3A_81 = tpu.memref_slice %arg10[%add3A_21, %dma_start3A_80] : memref<10240x64xf32, #tpu.memory_space<vmem_shared>> -> memref<128x64xf32, #tpu.memory_space<vmem_shared>>
      tpu.enqueue_dma source(%arg8 : memref<128x64xf32, #tpu.memory_space<vmem>>) target(%dma_start3A_81 : memref<128x64xf32, #tpu.memory_space<vmem_shared>>) target_semaphore(%run_scoped3A : memref<!tpu.dma_semaphore, #tpu.memory_space<semaphore_mem>>)
      %dma_wait3A = arith.constant 0 : i32
      %dma_wait3A_82 = tpu.memref_slice %arg10[%add3A_21, %dma_wait3A] : memref<10240x64xf32, #tpu.memory_space<vmem_shared>> -> memref<128x64xf32, #tpu.memory_space<vmem_shared>>
      %dma_wait3A_83 = arith.constant 0 : i32
      %dma_wait3A_84 = tpu.memref_slice %arg10[%add3A_21, %dma_wait3A_83] : memref<10240x64xf32, #tpu.memory_space<vmem_shared>> -> memref<128x64xf32, #tpu.memory_space<vmem_shared>>
      tpu.wait_dma2 semaphore(%run_scoped3A : memref<!tpu.dma_semaphore, #tpu.memory_space<semaphore_mem>>) src(%arg8 : memref<128x64xf32, #tpu.memory_space<vmem>>) dst(%dma_wait3A_84 : memref<128x64xf32, #tpu.memory_space<vmem_shared>>)
      tpu.yield
    }) : () -> ()
    %mul3A_22 = arith.constant 640 : i32
    %mul3A_23 = arith.muli %arg1, %mul3A_22 : i32
    %add3A_24 = arith.constant 128 : i32
    %add3A_25 = arith.addi %mul3A_23, %add3A_24 : i32
    "tpu.region"() ({
      %run_scoped3A = tpu.sem_alloc : memref<!tpu.dma_semaphore, #tpu.memory_space<semaphore_mem>>
      %dma_start3A_78 = arith.constant 0 : i32
      %dma_start3A_79 = tpu.memref_slice %arg10[%add3A_25, %dma_start3A_78] : memref<10240x64xf32, #tpu.memory_space<vmem_shared>> -> memref<128x64xf32, #tpu.memory_space<vmem_shared>>
      %dma_start3A_80 = arith.constant 0 : i32
      %dma_start3A_81 = tpu.memref_slice %arg10[%add3A_25, %dma_start3A_80] : memref<10240x64xf32, #tpu.memory_space<vmem_shared>> -> memref<128x64xf32, #tpu.memory_space<vmem_shared>>
      tpu.enqueue_dma source(%arg8 : memref<128x64xf32, #tpu.memory_space<vmem>>) target(%dma_start3A_81 : memref<128x64xf32, #tpu.memory_space<vmem_shared>>) target_semaphore(%run_scoped3A : memref<!tpu.dma_semaphore, #tpu.memory_space<semaphore_mem>>)
      %dma_wait3A = arith.constant 0 : i32
      %dma_wait3A_82 = tpu.memref_slice %arg10[%add3A_25, %dma_wait3A] : memref<10240x64xf32, #tpu.memory_space<vmem_shared>> -> memref<128x64xf32, #tpu.memory_space<vmem_shared>>
      %dma_wait3A_83 = arith.constant 0 : i32
      %dma_wait3A_84 = tpu.memref_slice %arg10[%add3A_25, %dma_wait3A_83] : memref<10240x64xf32, #tpu.memory_space<vmem_shared>> -> memref<128x64xf32, #tpu.memory_space<vmem_shared>>
      tpu.wait_dma2 semaphore(%run_scoped3A : memref<!tpu.dma_semaphore, #tpu.memory_space<semaphore_mem>>) src(%arg8 : memref<128x64xf32, #tpu.memory_space<vmem>>) dst(%dma_wait3A_84 : memref<128x64xf32, #tpu.memory_space<vmem_shared>>)
      tpu.yield
    }) : () -> ()
    %mul3A_26 = arith.constant 640 : i32
    %mul3A_27 = arith.muli %arg1, %mul3A_26 : i32
    %add3A_28 = arith.constant 256 : i32
    %add3A_29 = arith.addi %mul3A_27, %add3A_28 : i32
    "tpu.region"() ({
      %run_scoped3A = tpu.sem_alloc : memref<!tpu.dma_semaphore, #tpu.memory_space<semaphore_mem>>
      %dma_start3A_78 = arith.constant 0 : i32
      %dma_start3A_79 = tpu.memref_slice %arg10[%add3A_29, %dma_start3A_78] : memref<10240x64xf32, #tpu.memory_space<vmem_shared>> -> memref<128x64xf32, #tpu.memory_space<vmem_shared>>
      %dma_start3A_80 = arith.constant 0 : i32
      %dma_start3A_81 = tpu.memref_slice %arg10[%add3A_29, %dma_start3A_80] : memref<10240x64xf32, #tpu.memory_space<vmem_shared>> -> memref<128x64xf32, #tpu.memory_space<vmem_shared>>
      tpu.enqueue_dma source(%arg8 : memref<128x64xf32, #tpu.memory_space<vmem>>) target(%dma_start3A_81 : memref<128x64xf32, #tpu.memory_space<vmem_shared>>) target_semaphore(%run_scoped3A : memref<!tpu.dma_semaphore, #tpu.memory_space<semaphore_mem>>)
      %dma_wait3A = arith.constant 0 : i32
      %dma_wait3A_82 = tpu.memref_slice %arg10[%add3A_29, %dma_wait3A] : memref<10240x64xf32, #tpu.memory_space<vmem_shared>> -> memref<128x64xf32, #tpu.memory_space<vmem_shared>>
      %dma_wait3A_83 = arith.constant 0 : i32
      %dma_wait3A_84 = tpu.memref_slice %arg10[%add3A_29, %dma_wait3A_83] : memref<10240x64xf32, #tpu.memory_space<vmem_shared>> -> memref<128x64xf32, #tpu.memory_space<vmem_shared>>
      tpu.wait_dma2 semaphore(%run_scoped3A : memref<!tpu.dma_semaphore, #tpu.memory_space<semaphore_mem>>) src(%arg8 : memref<128x64xf32, #tpu.memory_space<vmem>>) dst(%dma_wait3A_84 : memref<128x64xf32, #tpu.memory_space<vmem_shared>>)
      tpu.yield
    }) : () -> ()
    %mul3A_30 = arith.constant 640 : i32
    %mul3A_31 = arith.muli %arg1, %mul3A_30 : i32
    %add3A_32 = arith.constant 384 : i32
    %add3A_33 = arith.addi %mul3A_31, %add3A_32 : i32
    "tpu.region"() ({
      %run_scoped3A = tpu.sem_alloc : memref<!tpu.dma_semaphore, #tpu.memory_space<semaphore_mem>>
      %dma_start3A_78 = arith.constant 0 : i32
      %dma_start3A_79 = tpu.memref_slice %arg10[%add3A_33, %dma_start3A_78] : memref<10240x64xf32, #tpu.memory_space<vmem_shared>> -> memref<128x64xf32, #tpu.memory_space<vmem_shared>>
      %dma_start3A_80 = arith.constant 0 : i32
      %dma_start3A_81 = tpu.memref_slice %arg10[%add3A_33, %dma_start3A_80] : memref<10240x64xf32, #tpu.memory_space<vmem_shared>> -> memref<128x64xf32, #tpu.memory_space<vmem_shared>>
      tpu.enqueue_dma source(%arg8 : memref<128x64xf32, #tpu.memory_space<vmem>>) target(%dma_start3A_81 : memref<128x64xf32, #tpu.memory_space<vmem_shared>>) target_semaphore(%run_scoped3A : memref<!tpu.dma_semaphore, #tpu.memory_space<semaphore_mem>>)
      %dma_wait3A = arith.constant 0 : i32
      %dma_wait3A_82 = tpu.memref_slice %arg10[%add3A_33, %dma_wait3A] : memref<10240x64xf32, #tpu.memory_space<vmem_shared>> -> memref<128x64xf32, #tpu.memory_space<vmem_shared>>
      %dma_wait3A_83 = arith.constant 0 : i32
      %dma_wait3A_84 = tpu.memref_slice %arg10[%add3A_33, %dma_wait3A_83] : memref<10240x64xf32, #tpu.memory_space<vmem_shared>> -> memref<128x64xf32, #tpu.memory_space<vmem_shared>>
      tpu.wait_dma2 semaphore(%run_scoped3A : memref<!tpu.dma_semaphore, #tpu.memory_space<semaphore_mem>>) src(%arg8 : memref<128x64xf32, #tpu.memory_space<vmem>>) dst(%dma_wait3A_84 : memref<128x64xf32, #tpu.memory_space<vmem_shared>>)
      tpu.yield
    }) : () -> ()
    %mul3A_34 = arith.constant 640 : i32
    %mul3A_35 = arith.muli %arg1, %mul3A_34 : i32
    %add3A_36 = arith.constant 512 : i32
    %add3A_37 = arith.addi %mul3A_35, %add3A_36 : i32
    "tpu.region"() ({
      %run_scoped3A = tpu.sem_alloc : memref<!tpu.dma_semaphore, #tpu.memory_space<semaphore_mem>>
      %dma_start3A_78 = arith.constant 0 : i32
      %dma_start3A_79 = tpu.memref_slice %arg10[%add3A_37, %dma_start3A_78] : memref<10240x64xf32, #tpu.memory_space<vmem_shared>> -> memref<128x64xf32, #tpu.memory_space<vmem_shared>>
      %dma_start3A_80 = arith.constant 0 : i32
      %dma_start3A_81 = tpu.memref_slice %arg10[%add3A_37, %dma_start3A_80] : memref<10240x64xf32, #tpu.memory_space<vmem_shared>> -> memref<128x64xf32, #tpu.memory_space<vmem_shared>>
      tpu.enqueue_dma source(%arg8 : memref<128x64xf32, #tpu.memory_space<vmem>>) target(%dma_start3A_81 : memref<128x64xf32, #tpu.memory_space<vmem_shared>>) target_semaphore(%run_scoped3A : memref<!tpu.dma_semaphore, #tpu.memory_space<semaphore_mem>>)
      %dma_wait3A = arith.constant 0 : i32
      %dma_wait3A_82 = tpu.memref_slice %arg10[%add3A_37, %dma_wait3A] : memref<10240x64xf32, #tpu.memory_space<vmem_shared>> -> memref<128x64xf32, #tpu.memory_space<vmem_shared>>
      %dma_wait3A_83 = arith.constant 0 : i32
      %dma_wait3A_84 = tpu.memref_slice %arg10[%add3A_37, %dma_wait3A_83] : memref<10240x64xf32, #tpu.memory_space<vmem_shared>> -> memref<128x64xf32, #tpu.memory_space<vmem_shared>>
      tpu.wait_dma2 semaphore(%run_scoped3A : memref<!tpu.dma_semaphore, #tpu.memory_space<semaphore_mem>>) src(%arg8 : memref<128x64xf32, #tpu.memory_space<vmem>>) dst(%dma_wait3A_84 : memref<128x64xf32, #tpu.memory_space<vmem_shared>>)
      tpu.yield
    }) : () -> ()
    %barrier3A = arith.constant 0 : index
    tpu.barrier barrier_id(%barrier3A)
    %dma_start3A = arith.constant 0 : i32
    %dma_start3A_38 = arith.constant 0 : i32
    %dma_start3A_39 = tpu.memref_slice %arg6[%dma_start3A, %dma_start3A_38] : memref<40x128xi32, #tpu.memory_space<vmem>> -> memref<1x128xi32, #tpu.memory_space<vmem>>
    %dma_start3A_40 = tpu.memref_squeeze %dma_start3A_39 : memref<1x128xi32, #tpu.memory_space<vmem>> -> memref<128xi32, #tpu.memory_space<vmem>>
    %dma_start3A_41 = arith.constant 0 : i32
    %dma_start3A_42 = arith.constant 0 : i32
    %dma_start3A_43 = tpu.memref_slice %arg2[%dma_start3A_41, %dma_start3A_42] : memref<10000x64xf32, #tpu.memory_space<hbm>> -> memref<10000x64xf32, #tpu.memory_space<hbm>>
    tpu.enqueue_indirect_dma source(%dma_start3A_43 : memref<10000x64xf32, #tpu.memory_space<hbm>>) target(%arg8 : memref<128x64xf32, #tpu.memory_space<vmem>>) offsets(%dma_start3A_40 : memref<128xi32, #tpu.memory_space<vmem>>) semaphore(%arg11 : memref<!tpu.dma_semaphore, #tpu.memory_space<semaphore_mem>>)
    %jit3A_44 = arith.constant 2 : i32
    %div3A = arith.divsi %select_n3A, %jit3A_44 : i32
    %sign3A = arith.constant 0 : i32
    %sign3A_45 = arith.cmpi sgt, %select_n3A, %sign3A : i32
    %sign3A_46 = arith.extui %sign3A_45 : i1 to i32
    %sign3A_47 = arith.constant 0 : i32
    %sign3A_48 = arith.cmpi slt, %select_n3A, %sign3A_47 : i32
    %sign3A_49 = arith.extui %sign3A_48 : i1 to i32
    %sign3A_50 = arith.subi %sign3A_46, %sign3A_49 : i32
    %sign3A_51 = arith.constant 0 : i32
    %sign3A_52 = arith.cmpi sgt, %jit3A_44, %sign3A_51 : i32
    %sign3A_53 = arith.extui %sign3A_52 : i1 to i32
    %sign3A_54 = arith.constant 0 : i32
    %sign3A_55 = arith.cmpi slt, %jit3A_44, %sign3A_54 : i32
    %sign3A_56 = arith.extui %sign3A_55 : i1 to i32
    %sign3A_57 = arith.subi %sign3A_53, %sign3A_56 : i32
    %ne3A = arith.cmpi ne, %sign3A_50, %sign3A_57 : i32
    %rem3A = arith.remsi %select_n3A, %jit3A_44 : i32
    %ne3A_58 = arith.constant 0 : i32
    %ne3A_59 = arith.cmpi ne, %rem3A, %ne3A_58 : i32
    %and3A = arith.andi %ne3A, %ne3A_59 : i1
    %sub3A = arith.constant 1 : i32
    %sub3A_60 = arith.subi %div3A, %sub3A : i32
    %select_n3A_61 = arith.select %and3A, %sub3A_60, %div3A : i32
    %while3A = arith.constant 0 : i32
    %while3A_62 = arith.constant 0 : i32
    %while3A_63 = arith.subi %select_n3A_61, %while3A : i32
    %while3A_64 = arith.addi %while3A, %while3A_63 : i32
    %while3A_65 = arith.constant 1 : i32
    %while3A_66 = arith.divsi %while3A_63, %while3A_65 : i32
    %while3A_67 = arith.muli %while3A_66, %while3A_65 : i32
    %while3A_68 = arith.addi %while3A, %while3A_67 : i32
    %while3A_69 = arith.constant 1 : i32
    %while3A_70 = scf.for %while3A_78 = %while3A to %while3A_68 step %while3A_69 iter_args(%while3A_79 = %while3A_62) -> (i32)  : i32 {
      %mul3A_80 = arith.constant 2 : i32
      %mul3A_81 = arith.muli %while3A_78, %mul3A_80 : i32
      %add3A_82 = arith.constant 1 : i32
      %add3A_83 = arith.addi %mul3A_81, %add3A_82 : i32
      %dma_start3A_84 = arith.constant 0 : i32
      %dma_start3A_85 = tpu.memref_slice %arg6[%add3A_83, %dma_start3A_84] : memref<40x128xi32, #tpu.memory_space<vmem>> -> memref<1x128xi32, #tpu.memory_space<vmem>>
      %dma_start3A_86 = tpu.memref_squeeze %dma_start3A_85 : memref<1x128xi32, #tpu.memory_space<vmem>> -> memref<128xi32, #tpu.memory_space<vmem>>
      %dma_start3A_87 = arith.constant 0 : i32
      %dma_start3A_88 = arith.constant 0 : i32
      %dma_start3A_89 = tpu.memref_slice %arg2[%dma_start3A_87, %dma_start3A_88] : memref<10000x64xf32, #tpu.memory_space<hbm>> -> memref<10000x64xf32, #tpu.memory_space<hbm>>
      tpu.enqueue_indirect_dma source(%dma_start3A_89 : memref<10000x64xf32, #tpu.memory_space<hbm>>) target(%arg9 : memref<128x64xf32, #tpu.memory_space<vmem>>) offsets(%dma_start3A_86 : memref<128xi32, #tpu.memory_space<vmem>>) semaphore(%arg12 : memref<!tpu.dma_semaphore, #tpu.memory_space<semaphore_mem>>)
      %dma_wait3A = arith.constant 0 : i32
      %dma_wait3A_90 = tpu.memref_slice %arg6[%mul3A_81, %dma_wait3A] : memref<40x128xi32, #tpu.memory_space<vmem>> -> memref<1x128xi32, #tpu.memory_space<vmem>>
      %dma_wait3A_91 = tpu.memref_squeeze %dma_wait3A_90 : memref<1x128xi32, #tpu.memory_space<vmem>> -> memref<128xi32, #tpu.memory_space<vmem>>
      %dma_wait3A_92 = arith.constant 0 : i32
      %dma_wait3A_93 = arith.constant 0 : i32
      %dma_wait3A_94 = tpu.memref_slice %arg2[%dma_wait3A_92, %dma_wait3A_93] : memref<10000x64xf32, #tpu.memory_space<hbm>> -> memref<10000x64xf32, #tpu.memory_space<hbm>>
      tpu.wait_indirect_dma semaphore(%arg11 : memref<!tpu.dma_semaphore, #tpu.memory_space<semaphore_mem>>) src(%dma_wait3A_94 : memref<10000x64xf32, #tpu.memory_space<hbm>>) dst(%arg8 : memref<128x64xf32, #tpu.memory_space<vmem>>)
      "tpu.region"() ({
        %run_scoped3A = tpu.sem_alloc : memref<!tpu.dma_semaphore, #tpu.memory_space<semaphore_mem>>
        %dma_start3A_112 = arith.constant 0 : i32
        %dma_start3A_113 = tpu.memref_slice %arg7[%mul3A_81, %dma_start3A_112] : memref<40x128xi32, #tpu.memory_space<vmem>> -> memref<1x128xi32, #tpu.memory_space<vmem>>
        %dma_start3A_114 = tpu.memref_squeeze %dma_start3A_113 : memref<1x128xi32, #tpu.memory_space<vmem>> -> memref<128xi32, #tpu.memory_space<vmem>>
        %dma_start3A_115 = arith.constant 0 : i32
        %dma_start3A_116 = arith.constant 0 : i32
        %dma_start3A_117 = tpu.memref_slice %arg10[%dma_start3A_115, %dma_start3A_116] : memref<10240x64xf32, #tpu.memory_space<vmem_shared>> -> memref<10240x64xf32, #tpu.memory_space<vmem_shared>>
        tpu.enqueue_indirect_dma source(%arg8 : memref<128x64xf32, #tpu.memory_space<vmem>>) target(%dma_start3A_117 : memref<10240x64xf32, #tpu.memory_space<vmem_shared>>) offsets(%dma_start3A_114 : memref<128xi32, #tpu.memory_space<vmem>>) semaphore(%run_scoped3A : memref<!tpu.dma_semaphore, #tpu.memory_space<semaphore_mem>>) {add = true}
        %dma_wait3A_118 = arith.constant 0 : i32
        %dma_wait3A_119 = tpu.memref_slice %arg7[%mul3A_81, %dma_wait3A_118] : memref<40x128xi32, #tpu.memory_space<vmem>> -> memref<1x128xi32, #tpu.memory_space<vmem>>
        %dma_wait3A_120 = tpu.memref_squeeze %dma_wait3A_119 : memref<1x128xi32, #tpu.memory_space<vmem>> -> memref<128xi32, #tpu.memory_space<vmem>>
        %dma_wait3A_121 = arith.constant 0 : i32
        %dma_wait3A_122 = arith.constant 0 : i32
        %dma_wait3A_123 = tpu.memref_slice %arg10[%dma_wait3A_121, %dma_wait3A_122] : memref<10240x64xf32, #tpu.memory_space<vmem_shared>> -> memref<10240x64xf32, #tpu.memory_space<vmem_shared>>
        tpu.wait_indirect_dma semaphore(%run_scoped3A : memref<!tpu.dma_semaphore, #tpu.memory_space<semaphore_mem>>) src(%arg8 : memref<128x64xf32, #tpu.memory_space<vmem>>) dst(%dma_wait3A_123 : memref<10240x64xf32, #tpu.memory_space<vmem_shared>>)
        tpu.yield
      }) : () -> ()
      %add3A_95 = arith.constant 2 : i32
      %add3A_96 = arith.addi %mul3A_81, %add3A_95 : i32
      %lt3A_97 = arith.cmpi slt, %add3A_96, %select_n3A : i32
      %convert_element_type3A_98 = arith.extui %lt3A_97 : i1 to i32
      %cond3A_99 = arith.constant 0 : i32
      %cond3A_100 = arith.cmpi ne, %convert_element_type3A_98, %cond3A_99 : i32
      scf.if %cond3A_100 {
        %add3A_112 = arith.constant 2 : i32
        %add3A_113 = arith.addi %mul3A_81, %add3A_112 : i32
        %dma_start3A_114 = arith.constant 0 : i32
        %dma_start3A_115 = tpu.memref_slice %arg6[%add3A_113, %dma_start3A_114] : memref<40x128xi32, #tpu.memory_space<vmem>> -> memref<1x128xi32, #tpu.memory_space<vmem>>
        %dma_start3A_116 = tpu.memref_squeeze %dma_start3A_115 : memref<1x128xi32, #tpu.memory_space<vmem>> -> memref<128xi32, #tpu.memory_space<vmem>>
        %dma_start3A_117 = arith.constant 0 : i32
        %dma_start3A_118 = arith.constant 0 : i32
        %dma_start3A_119 = tpu.memref_slice %arg2[%dma_start3A_117, %dma_start3A_118] : memref<10000x64xf32, #tpu.memory_space<hbm>> -> memref<10000x64xf32, #tpu.memory_space<hbm>>
        tpu.enqueue_indirect_dma source(%dma_start3A_119 : memref<10000x64xf32, #tpu.memory_space<hbm>>) target(%arg8 : memref<128x64xf32, #tpu.memory_space<vmem>>) offsets(%dma_start3A_116 : memref<128xi32, #tpu.memory_space<vmem>>) semaphore(%arg11 : memref<!tpu.dma_semaphore, #tpu.memory_space<semaphore_mem>>)
      } else {
      }
      %add3A_101 = arith.constant 1 : i32
      %add3A_102 = arith.addi %mul3A_81, %add3A_101 : i32
      %dma_wait3A_103 = arith.constant 0 : i32
      %dma_wait3A_104 = tpu.memref_slice %arg6[%add3A_102, %dma_wait3A_103] : memref<40x128xi32, #tpu.memory_space<vmem>> -> memref<1x128xi32, #tpu.memory_space<vmem>>
      %dma_wait3A_105 = tpu.memref_squeeze %dma_wait3A_104 : memref<1x128xi32, #tpu.memory_space<vmem>> -> memref<128xi32, #tpu.memory_space<vmem>>
      %dma_wait3A_106 = arith.constant 0 : i32
      %dma_wait3A_107 = arith.constant 0 : i32
      %dma_wait3A_108 = tpu.memref_slice %arg2[%dma_wait3A_106, %dma_wait3A_107] : memref<10000x64xf32, #tpu.memory_space<hbm>> -> memref<10000x64xf32, #tpu.memory_space<hbm>>
      tpu.wait_indirect_dma semaphore(%arg12 : memref<!tpu.dma_semaphore, #tpu.memory_space<semaphore_mem>>) src(%dma_wait3A_108 : memref<10000x64xf32, #tpu.memory_space<hbm>>) dst(%arg9 : memref<128x64xf32, #tpu.memory_space<vmem>>)
      %add3A_109 = arith.constant 1 : i32
      %add3A_110 = arith.addi %mul3A_81, %add3A_109 : i32
      "tpu.region"() ({
        %run_scoped3A = tpu.sem_alloc : memref<!tpu.dma_semaphore, #tpu.memory_space<semaphore_mem>>
        %dma_start3A_112 = arith.constant 0 : i32
        %dma_start3A_113 = tpu.memref_slice %arg7[%add3A_110, %dma_start3A_112] : memref<40x128xi32, #tpu.memory_space<vmem>> -> memref<1x128xi32, #tpu.memory_space<vmem>>
        %dma_start3A_114 = tpu.memref_squeeze %dma_start3A_113 : memref<1x128xi32, #tpu.memory_space<vmem>> -> memref<128xi32, #tpu.memory_space<vmem>>
        %dma_start3A_115 = arith.constant 0 : i32
        %dma_start3A_116 = arith.constant 0 : i32
        %dma_start3A_117 = tpu.memref_slice %arg10[%dma_start3A_115, %dma_start3A_116] : memref<10240x64xf32, #tpu.memory_space<vmem_shared>> -> memref<10240x64xf32, #tpu.memory_space<vmem_shared>>
        tpu.enqueue_indirect_dma source(%arg9 : memref<128x64xf32, #tpu.memory_space<vmem>>) target(%dma_start3A_117 : memref<10240x64xf32, #tpu.memory_space<vmem_shared>>) offsets(%dma_start3A_114 : memref<128xi32, #tpu.memory_space<vmem>>) semaphore(%run_scoped3A : memref<!tpu.dma_semaphore, #tpu.memory_space<semaphore_mem>>) {add = true}
        %dma_wait3A_118 = arith.constant 0 : i32
        %dma_wait3A_119 = tpu.memref_slice %arg7[%add3A_110, %dma_wait3A_118] : memref<40x128xi32, #tpu.memory_space<vmem>> -> memref<1x128xi32, #tpu.memory_space<vmem>>
        %dma_wait3A_120 = tpu.memref_squeeze %dma_wait3A_119 : memref<1x128xi32, #tpu.memory_space<vmem>> -> memref<128xi32, #tpu.memory_space<vmem>>
        %dma_wait3A_121 = arith.constant 0 : i32
        %dma_wait3A_122 = arith.constant 0 : i32
        %dma_wait3A_123 = tpu.memref_slice %arg10[%dma_wait3A_121, %dma_wait3A_122] : memref<10240x64xf32, #tpu.memory_space<vmem_shared>> -> memref<10240x64xf32, #tpu.memory_space<vmem_shared>>
        tpu.wait_indirect_dma semaphore(%run_scoped3A : memref<!tpu.dma_semaphore, #tpu.memory_space<semaphore_mem>>) src(%arg9 : memref<128x64xf32, #tpu.memory_space<vmem>>) dst(%dma_wait3A_123 : memref<10240x64xf32, #tpu.memory_space<vmem_shared>>)
        tpu.yield
      }) : () -> ()
      %while3A_111 = arith.constant 0 : i32
      scf.yield %while3A_111 : i32
    }
    %while3A_71 = arith.constant 1 : i32
    %while3A_72 = scf.for %while3A_78 = %while3A_68 to %while3A_64 step %while3A_71 iter_args(%while3A_79 = %while3A_70) -> (i32)  : i32 {
      %mul3A_80 = arith.constant 2 : i32
      %mul3A_81 = arith.muli %while3A_78, %mul3A_80 : i32
      %add3A_82 = arith.constant 1 : i32
      %add3A_83 = arith.addi %mul3A_81, %add3A_82 : i32
      %dma_start3A_84 = arith.constant 0 : i32
      %dma_start3A_85 = tpu.memref_slice %arg6[%add3A_83, %dma_start3A_84] : memref<40x128xi32, #tpu.memory_space<vmem>> -> memref<1x128xi32, #tpu.memory_space<vmem>>
      %dma_start3A_86 = tpu.memref_squeeze %dma_start3A_85 : memref<1x128xi32, #tpu.memory_space<vmem>> -> memref<128xi32, #tpu.memory_space<vmem>>
      %dma_start3A_87 = arith.constant 0 : i32
      %dma_start3A_88 = arith.constant 0 : i32
      %dma_start3A_89 = tpu.memref_slice %arg2[%dma_start3A_87, %dma_start3A_88] : memref<10000x64xf32, #tpu.memory_space<hbm>> -> memref<10000x64xf32, #tpu.memory_space<hbm>>
      tpu.enqueue_indirect_dma source(%dma_start3A_89 : memref<10000x64xf32, #tpu.memory_space<hbm>>) target(%arg9 : memref<128x64xf32, #tpu.memory_space<vmem>>) offsets(%dma_start3A_86 : memref<128xi32, #tpu.memory_space<vmem>>) semaphore(%arg12 : memref<!tpu.dma_semaphore, #tpu.memory_space<semaphore_mem>>)
      %dma_wait3A = arith.constant 0 : i32
      %dma_wait3A_90 = tpu.memref_slice %arg6[%mul3A_81, %dma_wait3A] : memref<40x128xi32, #tpu.memory_space<vmem>> -> memref<1x128xi32, #tpu.memory_space<vmem>>
      %dma_wait3A_91 = tpu.memref_squeeze %dma_wait3A_90 : memref<1x128xi32, #tpu.memory_space<vmem>> -> memref<128xi32, #tpu.memory_space<vmem>>
      %dma_wait3A_92 = arith.constant 0 : i32
      %dma_wait3A_93 = arith.constant 0 : i32
      %dma_wait3A_94 = tpu.memref_slice %arg2[%dma_wait3A_92, %dma_wait3A_93] : memref<10000x64xf32, #tpu.memory_space<hbm>> -> memref<10000x64xf32, #tpu.memory_space<hbm>>
      tpu.wait_indirect_dma semaphore(%arg11 : memref<!tpu.dma_semaphore, #tpu.memory_space<semaphore_mem>>) src(%dma_wait3A_94 : memref<10000x64xf32, #tpu.memory_space<hbm>>) dst(%arg8 : memref<128x64xf32, #tpu.memory_space<vmem>>)
      "tpu.region"() ({
        %run_scoped3A = tpu.sem_alloc : memref<!tpu.dma_semaphore, #tpu.memory_space<semaphore_mem>>
        %dma_start3A_112 = arith.constant 0 : i32
        %dma_start3A_113 = tpu.memref_slice %arg7[%mul3A_81, %dma_start3A_112] : memref<40x128xi32, #tpu.memory_space<vmem>> -> memref<1x128xi32, #tpu.memory_space<vmem>>
        %dma_start3A_114 = tpu.memref_squeeze %dma_start3A_113 : memref<1x128xi32, #tpu.memory_space<vmem>> -> memref<128xi32, #tpu.memory_space<vmem>>
        %dma_start3A_115 = arith.constant 0 : i32
        %dma_start3A_116 = arith.constant 0 : i32
        %dma_start3A_117 = tpu.memref_slice %arg10[%dma_start3A_115, %dma_start3A_116] : memref<10240x64xf32, #tpu.memory_space<vmem_shared>> -> memref<10240x64xf32, #tpu.memory_space<vmem_shared>>
        tpu.enqueue_indirect_dma source(%arg8 : memref<128x64xf32, #tpu.memory_space<vmem>>) target(%dma_start3A_117 : memref<10240x64xf32, #tpu.memory_space<vmem_shared>>) offsets(%dma_start3A_114 : memref<128xi32, #tpu.memory_space<vmem>>) semaphore(%run_scoped3A : memref<!tpu.dma_semaphore, #tpu.memory_space<semaphore_mem>>) {add = true}
        %dma_wait3A_118 = arith.constant 0 : i32
        %dma_wait3A_119 = tpu.memref_slice %arg7[%mul3A_81, %dma_wait3A_118] : memref<40x128xi32, #tpu.memory_space<vmem>> -> memref<1x128xi32, #tpu.memory_space<vmem>>
        %dma_wait3A_120 = tpu.memref_squeeze %dma_wait3A_119 : memref<1x128xi32, #tpu.memory_space<vmem>> -> memref<128xi32, #tpu.memory_space<vmem>>
        %dma_wait3A_121 = arith.constant 0 : i32
        %dma_wait3A_122 = arith.constant 0 : i32
        %dma_wait3A_123 = tpu.memref_slice %arg10[%dma_wait3A_121, %dma_wait3A_122] : memref<10240x64xf32, #tpu.memory_space<vmem_shared>> -> memref<10240x64xf32, #tpu.memory_space<vmem_shared>>
        tpu.wait_indirect_dma semaphore(%run_scoped3A : memref<!tpu.dma_semaphore, #tpu.memory_space<semaphore_mem>>) src(%arg8 : memref<128x64xf32, #tpu.memory_space<vmem>>) dst(%dma_wait3A_123 : memref<10240x64xf32, #tpu.memory_space<vmem_shared>>)
        tpu.yield
      }) : () -> ()
      %add3A_95 = arith.constant 2 : i32
      %add3A_96 = arith.addi %mul3A_81, %add3A_95 : i32
      %lt3A_97 = arith.cmpi slt, %add3A_96, %select_n3A : i32
      %convert_element_type3A_98 = arith.extui %lt3A_97 : i1 to i32
      %cond3A_99 = arith.constant 0 : i32
      %cond3A_100 = arith.cmpi ne, %convert_element_type3A_98, %cond3A_99 : i32
      scf.if %cond3A_100 {
        %add3A_112 = arith.constant 2 : i32
        %add3A_113 = arith.addi %mul3A_81, %add3A_112 : i32
        %dma_start3A_114 = arith.constant 0 : i32
        %dma_start3A_115 = tpu.memref_slice %arg6[%add3A_113, %dma_start3A_114] : memref<40x128xi32, #tpu.memory_space<vmem>> -> memref<1x128xi32, #tpu.memory_space<vmem>>
        %dma_start3A_116 = tpu.memref_squeeze %dma_start3A_115 : memref<1x128xi32, #tpu.memory_space<vmem>> -> memref<128xi32, #tpu.memory_space<vmem>>
        %dma_start3A_117 = arith.constant 0 : i32
        %dma_start3A_118 = arith.constant 0 : i32
        %dma_start3A_119 = tpu.memref_slice %arg2[%dma_start3A_117, %dma_start3A_118] : memref<10000x64xf32, #tpu.memory_space<hbm>> -> memref<10000x64xf32, #tpu.memory_space<hbm>>
        tpu.enqueue_indirect_dma source(%dma_start3A_119 : memref<10000x64xf32, #tpu.memory_space<hbm>>) target(%arg8 : memref<128x64xf32, #tpu.memory_space<vmem>>) offsets(%dma_start3A_116 : memref<128xi32, #tpu.memory_space<vmem>>) semaphore(%arg11 : memref<!tpu.dma_semaphore, #tpu.memory_space<semaphore_mem>>)
      } else {
      }
      %add3A_101 = arith.constant 1 : i32
      %add3A_102 = arith.addi %mul3A_81, %add3A_101 : i32
      %dma_wait3A_103 = arith.constant 0 : i32
      %dma_wait3A_104 = tpu.memref_slice %arg6[%add3A_102, %dma_wait3A_103] : memref<40x128xi32, #tpu.memory_space<vmem>> -> memref<1x128xi32, #tpu.memory_space<vmem>>
      %dma_wait3A_105 = tpu.memref_squeeze %dma_wait3A_104 : memref<1x128xi32, #tpu.memory_space<vmem>> -> memref<128xi32, #tpu.memory_space<vmem>>
      %dma_wait3A_106 = arith.constant 0 : i32
      %dma_wait3A_107 = arith.constant 0 : i32
      %dma_wait3A_108 = tpu.memref_slice %arg2[%dma_wait3A_106, %dma_wait3A_107] : memref<10000x64xf32, #tpu.memory_space<hbm>> -> memref<10000x64xf32, #tpu.memory_space<hbm>>
      tpu.wait_indirect_dma semaphore(%arg12 : memref<!tpu.dma_semaphore, #tpu.memory_space<semaphore_mem>>) src(%dma_wait3A_108 : memref<10000x64xf32, #tpu.memory_space<hbm>>) dst(%arg9 : memref<128x64xf32, #tpu.memory_space<vmem>>)
      %add3A_109 = arith.constant 1 : i32
      %add3A_110 = arith.addi %mul3A_81, %add3A_109 : i32
      "tpu.region"() ({
        %run_scoped3A = tpu.sem_alloc : memref<!tpu.dma_semaphore, #tpu.memory_space<semaphore_mem>>
        %dma_start3A_112 = arith.constant 0 : i32
        %dma_start3A_113 = tpu.memref_slice %arg7[%add3A_110, %dma_start3A_112] : memref<40x128xi32, #tpu.memory_space<vmem>> -> memref<1x128xi32, #tpu.memory_space<vmem>>
        %dma_start3A_114 = tpu.memref_squeeze %dma_start3A_113 : memref<1x128xi32, #tpu.memory_space<vmem>> -> memref<128xi32, #tpu.memory_space<vmem>>
        %dma_start3A_115 = arith.constant 0 : i32
        %dma_start3A_116 = arith.constant 0 : i32
        %dma_start3A_117 = tpu.memref_slice %arg10[%dma_start3A_115, %dma_start3A_116] : memref<10240x64xf32, #tpu.memory_space<vmem_shared>> -> memref<10240x64xf32, #tpu.memory_space<vmem_shared>>
        tpu.enqueue_indirect_dma source(%arg9 : memref<128x64xf32, #tpu.memory_space<vmem>>) target(%dma_start3A_117 : memref<10240x64xf32, #tpu.memory_space<vmem_shared>>) offsets(%dma_start3A_114 : memref<128xi32, #tpu.memory_space<vmem>>) semaphore(%run_scoped3A : memref<!tpu.dma_semaphore, #tpu.memory_space<semaphore_mem>>) {add = true}
        %dma_wait3A_118 = arith.constant 0 : i32
        %dma_wait3A_119 = tpu.memref_slice %arg7[%add3A_110, %dma_wait3A_118] : memref<40x128xi32, #tpu.memory_space<vmem>> -> memref<1x128xi32, #tpu.memory_space<vmem>>
        %dma_wait3A_120 = tpu.memref_squeeze %dma_wait3A_119 : memref<1x128xi32, #tpu.memory_space<vmem>> -> memref<128xi32, #tpu.memory_space<vmem>>
        %dma_wait3A_121 = arith.constant 0 : i32
        %dma_wait3A_122 = arith.constant 0 : i32
        %dma_wait3A_123 = tpu.memref_slice %arg10[%dma_wait3A_121, %dma_wait3A_122] : memref<10240x64xf32, #tpu.memory_space<vmem_shared>> -> memref<10240x64xf32, #tpu.memory_space<vmem_shared>>
        tpu.wait_indirect_dma semaphore(%run_scoped3A : memref<!tpu.dma_semaphore, #tpu.memory_space<semaphore_mem>>) src(%arg9 : memref<128x64xf32, #tpu.memory_space<vmem>>) dst(%dma_wait3A_123 : memref<10240x64xf32, #tpu.memory_space<vmem_shared>>)
        tpu.yield
      }) : () -> ()
      %while3A_111 = arith.constant 0 : i32
      scf.yield %while3A_111 : i32
    }
    %barrier3A_73 = arith.constant 0 : index
    tpu.barrier barrier_id(%barrier3A_73)
    %mul3A_74 = arith.constant 640 : i32
    %mul3A_75 = arith.muli %arg1, %mul3A_74 : i32
    %mul3A_76 = arith.constant 640 : i32
    %mul3A_77 = arith.muli %arg1, %mul3A_76 : i32
    "tpu.region"() ({
      %run_scoped3A = tpu.sem_alloc : memref<!tpu.dma_semaphore, #tpu.memory_space<semaphore_mem>>
      %dma_start3A_78 = arith.constant 0 : i32
      %dma_start3A_79 = tpu.memref_slice %arg5[%arg0, %mul3A_77, %dma_start3A_78] : memref<2x10240x64xf32, #tpu.memory_space<hbm>> -> memref<1x640x64xf32, #tpu.memory_space<hbm>>
      %dma_start3A_80 = tpu.memref_squeeze %dma_start3A_79 : memref<1x640x64xf32, #tpu.memory_space<hbm>> -> memref<640x64xf32, #tpu.memory_space<hbm>>
      %dma_start3A_81 = arith.constant 0 : i32
      %dma_start3A_82 = tpu.memref_slice %arg10[%mul3A_75, %dma_start3A_81] : memref<10240x64xf32, #tpu.memory_space<vmem_shared>> -> memref<640x64xf32, #tpu.memory_space<vmem_shared>>
      tpu.enqueue_dma source(%dma_start3A_82 : memref<640x64xf32, #tpu.memory_space<vmem_shared>>) target(%dma_start3A_80 : memref<640x64xf32, #tpu.memory_space<hbm>>) target_semaphore(%run_scoped3A : memref<!tpu.dma_semaphore, #tpu.memory_space<semaphore_mem>>)
      %dma_wait3A = arith.constant 0 : i32
      %dma_wait3A_83 = tpu.memref_slice %arg5[%arg0, %mul3A_77, %dma_wait3A] : memref<2x10240x64xf32, #tpu.memory_space<hbm>> -> memref<1x640x64xf32, #tpu.memory_space<hbm>>
      %dma_wait3A_84 = tpu.memref_squeeze %dma_wait3A_83 : memref<1x640x64xf32, #tpu.memory_space<hbm>> -> memref<640x64xf32, #tpu.memory_space<hbm>>
      %dma_wait3A_85 = arith.constant 0 : i32
      %dma_wait3A_86 = tpu.memref_slice %arg10[%mul3A_75, %dma_wait3A_85] : memref<10240x64xf32, #tpu.memory_space<vmem_shared>> -> memref<640x64xf32, #tpu.memory_space<vmem_shared>>
      tpu.wait_dma2 semaphore(%run_scoped3A : memref<!tpu.dma_semaphore, #tpu.memory_space<semaphore_mem>>) src(%dma_wait3A_86 : memref<640x64xf32, #tpu.memory_space<vmem_shared>>) dst(%dma_wait3A_84 : memref<640x64xf32, #tpu.memory_space<hbm>>)
      tpu.yield
    }) : () -> ()
    return
  }
}

#map = affine_map<(d0, d1) -> (0, 0)>
#map1 = affine_map<(d0, d1) -> (0, 0, 0)>
module attributes {stable_mosaic.version = 14 : i64} {
  func.func @_sc_degree(%arg0: i32, %arg1: i32, %arg2: memref<1250x128xi32, #tpu.memory_space<hbm>>, %arg3: memref<2x10240x16xf32, #tpu.memory_space<hbm>>, %arg4: memref<40x128xi32, #tpu.memory_space<vmem>>, %arg5: memref<128x16xf32, #tpu.memory_space<vmem>>, %arg6: memref<10240x16xf32, #tpu.memory_space<vmem_shared>>) attributes {dimension_semantics = [#tpu.dimension_semantics<core_parallel>, #tpu.dimension_semantics<subcore_parallel>], iteration_bounds = array<i64: 2, 16>, scalar_prefetch = 0 : i64, scratch_operands = 3 : i64, tpu.core_type = #tpu.core_type<sc_vector_subcore>, window_params = [{transform_indices = #map}, {transform_indices = #map1}]} {
    %mul3A = arith.constant 16 : i32
    %mul3A_0 = arith.muli %arg0, %mul3A : i32
    %add3A = arith.addi %mul3A_0, %arg1 : i32
    %eq3A = arith.constant 31 : i32
    %eq3A_1 = arith.cmpi eq, %add3A, %eq3A : i32
    %jit3A = arith.constant 10 : i32
    %jit3A_2 = arith.constant 40 : i32
    %select_n3A = arith.select %eq3A_1, %jit3A, %jit3A_2 : i32
    %mul3A_3 = arith.constant 40 : i32
    %mul3A_4 = arith.muli %add3A, %mul3A_3 : i32
    %multiple_of3A = tpu.assume_multiple %mul3A_4, 8 : i32
    %lt3A = arith.constant 31 : i32
    %lt3A_5 = arith.cmpi slt, %add3A, %lt3A : i32
    %convert_element_type3A = arith.extui %lt3A_5 : i1 to i32
    %cond3A = arith.constant 0 : i32
    %cond3A_6 = arith.cmpi ne, %convert_element_type3A, %cond3A : i32
    scf.if %cond3A_6 {
      "tpu.region"() ({
        %run_scoped3A = tpu.sem_alloc : memref<!tpu.dma_semaphore, #tpu.memory_space<semaphore_mem>>
        %dma_start3A = arith.constant 0 : i32
        %dma_start3A_61 = tpu.memref_slice %arg2[%multiple_of3A, %dma_start3A] : memref<1250x128xi32, #tpu.memory_space<hbm>> -> memref<40x128xi32, #tpu.memory_space<hbm>>
        %dma_start3A_62 = arith.constant 0 : i32
        %dma_start3A_63 = tpu.memref_slice %arg2[%multiple_of3A, %dma_start3A_62] : memref<1250x128xi32, #tpu.memory_space<hbm>> -> memref<40x128xi32, #tpu.memory_space<hbm>>
        tpu.enqueue_dma source(%dma_start3A_63 : memref<40x128xi32, #tpu.memory_space<hbm>>) target(%arg4 : memref<40x128xi32, #tpu.memory_space<vmem>>) target_semaphore(%run_scoped3A : memref<!tpu.dma_semaphore, #tpu.memory_space<semaphore_mem>>)
        %dma_wait3A = arith.constant 0 : i32
        %dma_wait3A_64 = tpu.memref_slice %arg2[%multiple_of3A, %dma_wait3A] : memref<1250x128xi32, #tpu.memory_space<hbm>> -> memref<40x128xi32, #tpu.memory_space<hbm>>
        %dma_wait3A_65 = arith.constant 0 : i32
        %dma_wait3A_66 = tpu.memref_slice %arg2[%multiple_of3A, %dma_wait3A_65] : memref<1250x128xi32, #tpu.memory_space<hbm>> -> memref<40x128xi32, #tpu.memory_space<hbm>>
        tpu.wait_dma2 semaphore(%run_scoped3A : memref<!tpu.dma_semaphore, #tpu.memory_space<semaphore_mem>>) src(%dma_wait3A_66 : memref<40x128xi32, #tpu.memory_space<hbm>>) dst(%arg4 : memref<40x128xi32, #tpu.memory_space<vmem>>)
        tpu.yield
      }) : () -> ()
    } else {
    }
    %eq3A_7 = arith.constant 31 : i32
    %eq3A_8 = arith.cmpi eq, %add3A, %eq3A_7 : i32
    %convert_element_type3A_9 = arith.extui %eq3A_8 : i1 to i32
    %cond3A_10 = arith.constant 0 : i32
    %cond3A_11 = arith.cmpi ne, %convert_element_type3A_9, %cond3A_10 : i32
    scf.if %cond3A_11 {
      "tpu.region"() ({
        %run_scoped3A = tpu.sem_alloc : memref<!tpu.dma_semaphore, #tpu.memory_space<semaphore_mem>>
        %dma_start3A = arith.constant 0 : i32
        %dma_start3A_61 = arith.constant 0 : i32
        %dma_start3A_62 = tpu.memref_slice %arg4[%dma_start3A, %dma_start3A_61] : memref<40x128xi32, #tpu.memory_space<vmem>> -> memref<10x128xi32, #tpu.memory_space<vmem>>
        %dma_start3A_63 = arith.constant 0 : i32
        %dma_start3A_64 = tpu.memref_slice %arg2[%multiple_of3A, %dma_start3A_63] : memref<1250x128xi32, #tpu.memory_space<hbm>> -> memref<10x128xi32, #tpu.memory_space<hbm>>
        %dma_start3A_65 = arith.constant 0 : i32
        %dma_start3A_66 = arith.constant 0 : i32
        %dma_start3A_67 = tpu.memref_slice %arg4[%dma_start3A_65, %dma_start3A_66] : memref<40x128xi32, #tpu.memory_space<vmem>> -> memref<10x128xi32, #tpu.memory_space<vmem>>
        %dma_start3A_68 = arith.constant 0 : i32
        %dma_start3A_69 = tpu.memref_slice %arg2[%multiple_of3A, %dma_start3A_68] : memref<1250x128xi32, #tpu.memory_space<hbm>> -> memref<10x128xi32, #tpu.memory_space<hbm>>
        tpu.enqueue_dma source(%dma_start3A_69 : memref<10x128xi32, #tpu.memory_space<hbm>>) target(%dma_start3A_67 : memref<10x128xi32, #tpu.memory_space<vmem>>) target_semaphore(%run_scoped3A : memref<!tpu.dma_semaphore, #tpu.memory_space<semaphore_mem>>)
        %dma_wait3A = arith.constant 0 : i32
        %dma_wait3A_70 = arith.constant 0 : i32
        %dma_wait3A_71 = tpu.memref_slice %arg4[%dma_wait3A, %dma_wait3A_70] : memref<40x128xi32, #tpu.memory_space<vmem>> -> memref<10x128xi32, #tpu.memory_space<vmem>>
        %dma_wait3A_72 = arith.constant 0 : i32
        %dma_wait3A_73 = tpu.memref_slice %arg2[%multiple_of3A, %dma_wait3A_72] : memref<1250x128xi32, #tpu.memory_space<hbm>> -> memref<10x128xi32, #tpu.memory_space<hbm>>
        %dma_wait3A_74 = arith.constant 0 : i32
        %dma_wait3A_75 = arith.constant 0 : i32
        %dma_wait3A_76 = tpu.memref_slice %arg4[%dma_wait3A_74, %dma_wait3A_75] : memref<40x128xi32, #tpu.memory_space<vmem>> -> memref<10x128xi32, #tpu.memory_space<vmem>>
        %dma_wait3A_77 = arith.constant 0 : i32
        %dma_wait3A_78 = tpu.memref_slice %arg2[%multiple_of3A, %dma_wait3A_77] : memref<1250x128xi32, #tpu.memory_space<hbm>> -> memref<10x128xi32, #tpu.memory_space<hbm>>
        tpu.wait_dma2 semaphore(%run_scoped3A : memref<!tpu.dma_semaphore, #tpu.memory_space<semaphore_mem>>) src(%dma_wait3A_78 : memref<10x128xi32, #tpu.memory_space<hbm>>) dst(%dma_wait3A_76 : memref<10x128xi32, #tpu.memory_space<vmem>>)
        tpu.yield
      }) : () -> ()
    } else {
    }
    %scan3A = arith.constant 0 : i32
    %scan3A_12 = arith.constant 0 : i32
    %scan3A_13 = arith.constant 128 : i32
    %scan3A_14 = arith.addi %scan3A_12, %scan3A_13 : i32
    %scan3A_15 = arith.constant 1 : i32
    %scan3A_16 = scf.for %scan3A_61 = %scan3A_12 to %scan3A_14 step %scan3A_15 iter_args(%scan3A_62 = %scan3A) -> (i32)  : i32 {
      %broadcast_in_dim3A = arith.constant 0.000000e+00 : f32
      %broadcast_in_dim3A_63 = vector.broadcast %broadcast_in_dim3A : f32 to vector<16xf32>
      %swap3A = arith.index_cast %scan3A_61 : i32 to index
      %swap3A_64 = arith.constant 0 : index
      %swap3A_65 = tpu.vector_load %arg5[%swap3A, %swap3A_64] {strides = array<i32>} : memref<128x16xf32, #tpu.memory_space<vmem>>, vector<1x16xf32>,
      %swap3A_66 = vector.shape_cast %swap3A_65 : vector<1x16xf32> to vector<16xf32>
      %swap3A_67 = vector.shape_cast %broadcast_in_dim3A_63 : vector<16xf32> to vector<1x16xf32>
      tpu.vector_store %arg5[%swap3A, %swap3A_64], %swap3A_67 {strides = array<i32>} : memref<128x16xf32, #tpu.memory_space<vmem>>, vector<1x16xf32>,
      %scan3A_68 = arith.constant 0 : i32
      scf.yield %scan3A_68 : i32
    }
    %scan3A_17 = arith.constant 128 : i32
    %mul3A_18 = arith.constant 640 : i32
    %mul3A_19 = arith.muli %arg1, %mul3A_18 : i32
    %add3A_20 = arith.constant 0 : i32
    %add3A_21 = arith.addi %mul3A_19, %add3A_20 : i32
    "tpu.region"() ({
      %run_scoped3A = tpu.sem_alloc : memref<!tpu.dma_semaphore, #tpu.memory_space<semaphore_mem>>
      %dma_start3A = arith.constant 0 : i32
      %dma_start3A_61 = tpu.memref_slice %arg6[%add3A_21, %dma_start3A] : memref<10240x16xf32, #tpu.memory_space<vmem_shared>> -> memref<128x16xf32, #tpu.memory_space<vmem_shared>>
      %dma_start3A_62 = arith.constant 0 : i32
      %dma_start3A_63 = tpu.memref_slice %arg6[%add3A_21, %dma_start3A_62] : memref<10240x16xf32, #tpu.memory_space<vmem_shared>> -> memref<128x16xf32, #tpu.memory_space<vmem_shared>>
      tpu.enqueue_dma source(%arg5 : memref<128x16xf32, #tpu.memory_space<vmem>>) target(%dma_start3A_63 : memref<128x16xf32, #tpu.memory_space<vmem_shared>>) target_semaphore(%run_scoped3A : memref<!tpu.dma_semaphore, #tpu.memory_space<semaphore_mem>>)
      %dma_wait3A = arith.constant 0 : i32
      %dma_wait3A_64 = tpu.memref_slice %arg6[%add3A_21, %dma_wait3A] : memref<10240x16xf32, #tpu.memory_space<vmem_shared>> -> memref<128x16xf32, #tpu.memory_space<vmem_shared>>
      %dma_wait3A_65 = arith.constant 0 : i32
      %dma_wait3A_66 = tpu.memref_slice %arg6[%add3A_21, %dma_wait3A_65] : memref<10240x16xf32, #tpu.memory_space<vmem_shared>> -> memref<128x16xf32, #tpu.memory_space<vmem_shared>>
      tpu.wait_dma2 semaphore(%run_scoped3A : memref<!tpu.dma_semaphore, #tpu.memory_space<semaphore_mem>>) src(%arg5 : memref<128x16xf32, #tpu.memory_space<vmem>>) dst(%dma_wait3A_66 : memref<128x16xf32, #tpu.memory_space<vmem_shared>>)
      tpu.yield
    }) : () -> ()
    %mul3A_22 = arith.constant 640 : i32
    %mul3A_23 = arith.muli %arg1, %mul3A_22 : i32
    %add3A_24 = arith.constant 128 : i32
    %add3A_25 = arith.addi %mul3A_23, %add3A_24 : i32
    "tpu.region"() ({
      %run_scoped3A = tpu.sem_alloc : memref<!tpu.dma_semaphore, #tpu.memory_space<semaphore_mem>>
      %dma_start3A = arith.constant 0 : i32
      %dma_start3A_61 = tpu.memref_slice %arg6[%add3A_25, %dma_start3A] : memref<10240x16xf32, #tpu.memory_space<vmem_shared>> -> memref<128x16xf32, #tpu.memory_space<vmem_shared>>
      %dma_start3A_62 = arith.constant 0 : i32
      %dma_start3A_63 = tpu.memref_slice %arg6[%add3A_25, %dma_start3A_62] : memref<10240x16xf32, #tpu.memory_space<vmem_shared>> -> memref<128x16xf32, #tpu.memory_space<vmem_shared>>
      tpu.enqueue_dma source(%arg5 : memref<128x16xf32, #tpu.memory_space<vmem>>) target(%dma_start3A_63 : memref<128x16xf32, #tpu.memory_space<vmem_shared>>) target_semaphore(%run_scoped3A : memref<!tpu.dma_semaphore, #tpu.memory_space<semaphore_mem>>)
      %dma_wait3A = arith.constant 0 : i32
      %dma_wait3A_64 = tpu.memref_slice %arg6[%add3A_25, %dma_wait3A] : memref<10240x16xf32, #tpu.memory_space<vmem_shared>> -> memref<128x16xf32, #tpu.memory_space<vmem_shared>>
      %dma_wait3A_65 = arith.constant 0 : i32
      %dma_wait3A_66 = tpu.memref_slice %arg6[%add3A_25, %dma_wait3A_65] : memref<10240x16xf32, #tpu.memory_space<vmem_shared>> -> memref<128x16xf32, #tpu.memory_space<vmem_shared>>
      tpu.wait_dma2 semaphore(%run_scoped3A : memref<!tpu.dma_semaphore, #tpu.memory_space<semaphore_mem>>) src(%arg5 : memref<128x16xf32, #tpu.memory_space<vmem>>) dst(%dma_wait3A_66 : memref<128x16xf32, #tpu.memory_space<vmem_shared>>)
      tpu.yield
    }) : () -> ()
    %mul3A_26 = arith.constant 640 : i32
    %mul3A_27 = arith.muli %arg1, %mul3A_26 : i32
    %add3A_28 = arith.constant 256 : i32
    %add3A_29 = arith.addi %mul3A_27, %add3A_28 : i32
    "tpu.region"() ({
      %run_scoped3A = tpu.sem_alloc : memref<!tpu.dma_semaphore, #tpu.memory_space<semaphore_mem>>
      %dma_start3A = arith.constant 0 : i32
      %dma_start3A_61 = tpu.memref_slice %arg6[%add3A_29, %dma_start3A] : memref<10240x16xf32, #tpu.memory_space<vmem_shared>> -> memref<128x16xf32, #tpu.memory_space<vmem_shared>>
      %dma_start3A_62 = arith.constant 0 : i32
      %dma_start3A_63 = tpu.memref_slice %arg6[%add3A_29, %dma_start3A_62] : memref<10240x16xf32, #tpu.memory_space<vmem_shared>> -> memref<128x16xf32, #tpu.memory_space<vmem_shared>>
      tpu.enqueue_dma source(%arg5 : memref<128x16xf32, #tpu.memory_space<vmem>>) target(%dma_start3A_63 : memref<128x16xf32, #tpu.memory_space<vmem_shared>>) target_semaphore(%run_scoped3A : memref<!tpu.dma_semaphore, #tpu.memory_space<semaphore_mem>>)
      %dma_wait3A = arith.constant 0 : i32
      %dma_wait3A_64 = tpu.memref_slice %arg6[%add3A_29, %dma_wait3A] : memref<10240x16xf32, #tpu.memory_space<vmem_shared>> -> memref<128x16xf32, #tpu.memory_space<vmem_shared>>
      %dma_wait3A_65 = arith.constant 0 : i32
      %dma_wait3A_66 = tpu.memref_slice %arg6[%add3A_29, %dma_wait3A_65] : memref<10240x16xf32, #tpu.memory_space<vmem_shared>> -> memref<128x16xf32, #tpu.memory_space<vmem_shared>>
      tpu.wait_dma2 semaphore(%run_scoped3A : memref<!tpu.dma_semaphore, #tpu.memory_space<semaphore_mem>>) src(%arg5 : memref<128x16xf32, #tpu.memory_space<vmem>>) dst(%dma_wait3A_66 : memref<128x16xf32, #tpu.memory_space<vmem_shared>>)
      tpu.yield
    }) : () -> ()
    %mul3A_30 = arith.constant 640 : i32
    %mul3A_31 = arith.muli %arg1, %mul3A_30 : i32
    %add3A_32 = arith.constant 384 : i32
    %add3A_33 = arith.addi %mul3A_31, %add3A_32 : i32
    "tpu.region"() ({
      %run_scoped3A = tpu.sem_alloc : memref<!tpu.dma_semaphore, #tpu.memory_space<semaphore_mem>>
      %dma_start3A = arith.constant 0 : i32
      %dma_start3A_61 = tpu.memref_slice %arg6[%add3A_33, %dma_start3A] : memref<10240x16xf32, #tpu.memory_space<vmem_shared>> -> memref<128x16xf32, #tpu.memory_space<vmem_shared>>
      %dma_start3A_62 = arith.constant 0 : i32
      %dma_start3A_63 = tpu.memref_slice %arg6[%add3A_33, %dma_start3A_62] : memref<10240x16xf32, #tpu.memory_space<vmem_shared>> -> memref<128x16xf32, #tpu.memory_space<vmem_shared>>
      tpu.enqueue_dma source(%arg5 : memref<128x16xf32, #tpu.memory_space<vmem>>) target(%dma_start3A_63 : memref<128x16xf32, #tpu.memory_space<vmem_shared>>) target_semaphore(%run_scoped3A : memref<!tpu.dma_semaphore, #tpu.memory_space<semaphore_mem>>)
      %dma_wait3A = arith.constant 0 : i32
      %dma_wait3A_64 = tpu.memref_slice %arg6[%add3A_33, %dma_wait3A] : memref<10240x16xf32, #tpu.memory_space<vmem_shared>> -> memref<128x16xf32, #tpu.memory_space<vmem_shared>>
      %dma_wait3A_65 = arith.constant 0 : i32
      %dma_wait3A_66 = tpu.memref_slice %arg6[%add3A_33, %dma_wait3A_65] : memref<10240x16xf32, #tpu.memory_space<vmem_shared>> -> memref<128x16xf32, #tpu.memory_space<vmem_shared>>
      tpu.wait_dma2 semaphore(%run_scoped3A : memref<!tpu.dma_semaphore, #tpu.memory_space<semaphore_mem>>) src(%arg5 : memref<128x16xf32, #tpu.memory_space<vmem>>) dst(%dma_wait3A_66 : memref<128x16xf32, #tpu.memory_space<vmem_shared>>)
      tpu.yield
    }) : () -> ()
    %mul3A_34 = arith.constant 640 : i32
    %mul3A_35 = arith.muli %arg1, %mul3A_34 : i32
    %add3A_36 = arith.constant 512 : i32
    %add3A_37 = arith.addi %mul3A_35, %add3A_36 : i32
    "tpu.region"() ({
      %run_scoped3A = tpu.sem_alloc : memref<!tpu.dma_semaphore, #tpu.memory_space<semaphore_mem>>
      %dma_start3A = arith.constant 0 : i32
      %dma_start3A_61 = tpu.memref_slice %arg6[%add3A_37, %dma_start3A] : memref<10240x16xf32, #tpu.memory_space<vmem_shared>> -> memref<128x16xf32, #tpu.memory_space<vmem_shared>>
      %dma_start3A_62 = arith.constant 0 : i32
      %dma_start3A_63 = tpu.memref_slice %arg6[%add3A_37, %dma_start3A_62] : memref<10240x16xf32, #tpu.memory_space<vmem_shared>> -> memref<128x16xf32, #tpu.memory_space<vmem_shared>>
      tpu.enqueue_dma source(%arg5 : memref<128x16xf32, #tpu.memory_space<vmem>>) target(%dma_start3A_63 : memref<128x16xf32, #tpu.memory_space<vmem_shared>>) target_semaphore(%run_scoped3A : memref<!tpu.dma_semaphore, #tpu.memory_space<semaphore_mem>>)
      %dma_wait3A = arith.constant 0 : i32
      %dma_wait3A_64 = tpu.memref_slice %arg6[%add3A_37, %dma_wait3A] : memref<10240x16xf32, #tpu.memory_space<vmem_shared>> -> memref<128x16xf32, #tpu.memory_space<vmem_shared>>
      %dma_wait3A_65 = arith.constant 0 : i32
      %dma_wait3A_66 = tpu.memref_slice %arg6[%add3A_37, %dma_wait3A_65] : memref<10240x16xf32, #tpu.memory_space<vmem_shared>> -> memref<128x16xf32, #tpu.memory_space<vmem_shared>>
      tpu.wait_dma2 semaphore(%run_scoped3A : memref<!tpu.dma_semaphore, #tpu.memory_space<semaphore_mem>>) src(%arg5 : memref<128x16xf32, #tpu.memory_space<vmem>>) dst(%dma_wait3A_66 : memref<128x16xf32, #tpu.memory_space<vmem_shared>>)
      tpu.yield
    }) : () -> ()
    %scan3A_38 = arith.constant 0 : i32
    %scan3A_39 = arith.constant 0 : i32
    %scan3A_40 = arith.constant 128 : i32
    %scan3A_41 = arith.addi %scan3A_39, %scan3A_40 : i32
    %scan3A_42 = arith.constant 1 : i32
    %scan3A_43 = scf.for %scan3A_61 = %scan3A_39 to %scan3A_41 step %scan3A_42 iter_args(%scan3A_62 = %scan3A_38) -> (i32)  : i32 {
      %broadcast_in_dim3A = arith.constant 1.000000e+00 : f32
      %broadcast_in_dim3A_63 = vector.broadcast %broadcast_in_dim3A : f32 to vector<16xf32>
      %swap3A = arith.index_cast %scan3A_61 : i32 to index
      %swap3A_64 = arith.constant 0 : index
      %swap3A_65 = tpu.vector_load %arg5[%swap3A, %swap3A_64] {strides = array<i32>} : memref<128x16xf32, #tpu.memory_space<vmem>>, vector<1x16xf32>,
      %swap3A_66 = vector.shape_cast %swap3A_65 : vector<1x16xf32> to vector<16xf32>
      %swap3A_67 = vector.shape_cast %broadcast_in_dim3A_63 : vector<16xf32> to vector<1x16xf32>
      tpu.vector_store %arg5[%swap3A, %swap3A_64], %swap3A_67 {strides = array<i32>} : memref<128x16xf32, #tpu.memory_space<vmem>>, vector<1x16xf32>,
      %scan3A_68 = arith.constant 0 : i32
      scf.yield %scan3A_68 : i32
    }
    %scan3A_44 = arith.constant 128 : i32
    %barrier3A = arith.constant 0 : index
    tpu.barrier barrier_id(%barrier3A)
    %while3A = arith.constant 0 : i32
    %while3A_45 = arith.constant 0 : i32
    %while3A_46 = arith.subi %select_n3A, %while3A : i32
    %while3A_47 = arith.addi %while3A, %while3A_46 : i32
    %while3A_48 = arith.constant 1 : i32
    %while3A_49 = arith.divsi %while3A_46, %while3A_48 : i32
    %while3A_50 = arith.muli %while3A_49, %while3A_48 : i32
    %while3A_51 = arith.addi %while3A, %while3A_50 : i32
    %while3A_52 = arith.constant 1 : i32
    %while3A_53 = scf.for %while3A_61 = %while3A to %while3A_51 step %while3A_52 iter_args(%while3A_62 = %while3A_45) -> (i32)  : i32 {
      "tpu.region"() ({
        %run_scoped3A = tpu.sem_alloc : memref<!tpu.dma_semaphore, #tpu.memory_space<semaphore_mem>>
        %dma_start3A = arith.constant 0 : i32
        %dma_start3A_64 = tpu.memref_slice %arg4[%while3A_61, %dma_start3A] : memref<40x128xi32, #tpu.memory_space<vmem>> -> memref<1x128xi32, #tpu.memory_space<vmem>>
        %dma_start3A_65 = tpu.memref_squeeze %dma_start3A_64 : memref<1x128xi32, #tpu.memory_space<vmem>> -> memref<128xi32, #tpu.memory_space<vmem>>
        %dma_start3A_66 = arith.constant 0 : i32
        %dma_start3A_67 = arith.constant 0 : i32
        %dma_start3A_68 = tpu.memref_slice %arg6[%dma_start3A_66, %dma_start3A_67] : memref<10240x16xf32, #tpu.memory_space<vmem_shared>> -> memref<10240x16xf32, #tpu.memory_space<vmem_shared>>
        tpu.enqueue_indirect_dma source(%arg5 : memref<128x16xf32, #tpu.memory_space<vmem>>) target(%dma_start3A_68 : memref<10240x16xf32, #tpu.memory_space<vmem_shared>>) offsets(%dma_start3A_65 : memref<128xi32, #tpu.memory_space<vmem>>) semaphore(%run_scoped3A : memref<!tpu.dma_semaphore, #tpu.memory_space<semaphore_mem>>) {add = true}
        %dma_wait3A = arith.constant 0 : i32
        %dma_wait3A_69 = tpu.memref_slice %arg4[%while3A_61, %dma_wait3A] : memref<40x128xi32, #tpu.memory_space<vmem>> -> memref<1x128xi32, #tpu.memory_space<vmem>>
        %dma_wait3A_70 = tpu.memref_squeeze %dma_wait3A_69 : memref<1x128xi32, #tpu.memory_space<vmem>> -> memref<128xi32, #tpu.memory_space<vmem>>
        %dma_wait3A_71 = arith.constant 0 : i32
        %dma_wait3A_72 = arith.constant 0 : i32
        %dma_wait3A_73 = tpu.memref_slice %arg6[%dma_wait3A_71, %dma_wait3A_72] : memref<10240x16xf32, #tpu.memory_space<vmem_shared>> -> memref<10240x16xf32, #tpu.memory_space<vmem_shared>>
        tpu.wait_indirect_dma semaphore(%run_scoped3A : memref<!tpu.dma_semaphore, #tpu.memory_space<semaphore_mem>>) src(%arg5 : memref<128x16xf32, #tpu.memory_space<vmem>>) dst(%dma_wait3A_73 : memref<10240x16xf32, #tpu.memory_space<vmem_shared>>)
        tpu.yield
      }) : () -> ()
      %while3A_63 = arith.constant 0 : i32
      scf.yield %while3A_63 : i32
    }
    %while3A_54 = arith.constant 1 : i32
    %while3A_55 = scf.for %while3A_61 = %while3A_51 to %while3A_47 step %while3A_54 iter_args(%while3A_62 = %while3A_53) -> (i32)  : i32 {
      "tpu.region"() ({
        %run_scoped3A = tpu.sem_alloc : memref<!tpu.dma_semaphore, #tpu.memory_space<semaphore_mem>>
        %dma_start3A = arith.constant 0 : i32
        %dma_start3A_64 = tpu.memref_slice %arg4[%while3A_61, %dma_start3A] : memref<40x128xi32, #tpu.memory_space<vmem>> -> memref<1x128xi32, #tpu.memory_space<vmem>>
        %dma_start3A_65 = tpu.memref_squeeze %dma_start3A_64 : memref<1x128xi32, #tpu.memory_space<vmem>> -> memref<128xi32, #tpu.memory_space<vmem>>
        %dma_start3A_66 = arith.constant 0 : i32
        %dma_start3A_67 = arith.constant 0 : i32
        %dma_start3A_68 = tpu.memref_slice %arg6[%dma_start3A_66, %dma_start3A_67] : memref<10240x16xf32, #tpu.memory_space<vmem_shared>> -> memref<10240x16xf32, #tpu.memory_space<vmem_shared>>
        tpu.enqueue_indirect_dma source(%arg5 : memref<128x16xf32, #tpu.memory_space<vmem>>) target(%dma_start3A_68 : memref<10240x16xf32, #tpu.memory_space<vmem_shared>>) offsets(%dma_start3A_65 : memref<128xi32, #tpu.memory_space<vmem>>) semaphore(%run_scoped3A : memref<!tpu.dma_semaphore, #tpu.memory_space<semaphore_mem>>) {add = true}
        %dma_wait3A = arith.constant 0 : i32
        %dma_wait3A_69 = tpu.memref_slice %arg4[%while3A_61, %dma_wait3A] : memref<40x128xi32, #tpu.memory_space<vmem>> -> memref<1x128xi32, #tpu.memory_space<vmem>>
        %dma_wait3A_70 = tpu.memref_squeeze %dma_wait3A_69 : memref<1x128xi32, #tpu.memory_space<vmem>> -> memref<128xi32, #tpu.memory_space<vmem>>
        %dma_wait3A_71 = arith.constant 0 : i32
        %dma_wait3A_72 = arith.constant 0 : i32
        %dma_wait3A_73 = tpu.memref_slice %arg6[%dma_wait3A_71, %dma_wait3A_72] : memref<10240x16xf32, #tpu.memory_space<vmem_shared>> -> memref<10240x16xf32, #tpu.memory_space<vmem_shared>>
        tpu.wait_indirect_dma semaphore(%run_scoped3A : memref<!tpu.dma_semaphore, #tpu.memory_space<semaphore_mem>>) src(%arg5 : memref<128x16xf32, #tpu.memory_space<vmem>>) dst(%dma_wait3A_73 : memref<10240x16xf32, #tpu.memory_space<vmem_shared>>)
        tpu.yield
      }) : () -> ()
      %while3A_63 = arith.constant 0 : i32
      scf.yield %while3A_63 : i32
    }
    %barrier3A_56 = arith.constant 0 : index
    tpu.barrier barrier_id(%barrier3A_56)
    %mul3A_57 = arith.constant 640 : i32
    %mul3A_58 = arith.muli %arg1, %mul3A_57 : i32
    %mul3A_59 = arith.constant 640 : i32
    %mul3A_60 = arith.muli %arg1, %mul3A_59 : i32
    "tpu.region"() ({
      %run_scoped3A = tpu.sem_alloc : memref<!tpu.dma_semaphore, #tpu.memory_space<semaphore_mem>>
      %dma_start3A = arith.constant 0 : i32
      %dma_start3A_61 = tpu.memref_slice %arg3[%arg0, %mul3A_60, %dma_start3A] : memref<2x10240x16xf32, #tpu.memory_space<hbm>> -> memref<1x640x16xf32, #tpu.memory_space<hbm>>
      %dma_start3A_62 = tpu.memref_squeeze %dma_start3A_61 : memref<1x640x16xf32, #tpu.memory_space<hbm>> -> memref<640x16xf32, #tpu.memory_space<hbm>>
      %dma_start3A_63 = arith.constant 0 : i32
      %dma_start3A_64 = tpu.memref_slice %arg6[%mul3A_58, %dma_start3A_63] : memref<10240x16xf32, #tpu.memory_space<vmem_shared>> -> memref<640x16xf32, #tpu.memory_space<vmem_shared>>
      tpu.enqueue_dma source(%dma_start3A_64 : memref<640x16xf32, #tpu.memory_space<vmem_shared>>) target(%dma_start3A_62 : memref<640x16xf32, #tpu.memory_space<hbm>>) target_semaphore(%run_scoped3A : memref<!tpu.dma_semaphore, #tpu.memory_space<semaphore_mem>>)
      %dma_wait3A = arith.constant 0 : i32
      %dma_wait3A_65 = tpu.memref_slice %arg3[%arg0, %mul3A_60, %dma_wait3A] : memref<2x10240x16xf32, #tpu.memory_space<hbm>> -> memref<1x640x16xf32, #tpu.memory_space<hbm>>
      %dma_wait3A_66 = tpu.memref_squeeze %dma_wait3A_65 : memref<1x640x16xf32, #tpu.memory_space<hbm>> -> memref<640x16xf32, #tpu.memory_space<hbm>>
      %dma_wait3A_67 = arith.constant 0 : i32
      %dma_wait3A_68 = tpu.memref_slice %arg6[%mul3A_58, %dma_wait3A_67] : memref<10240x16xf32, #tpu.memory_space<vmem_shared>> -> memref<640x16xf32, #tpu.memory_space<vmem_shared>>
      tpu.wait_dma2 semaphore(%run_scoped3A : memref<!tpu.dma_semaphore, #tpu.memory_space<semaphore_mem>>) src(%dma_wait3A_68 : memref<640x16xf32, #tpu.memory_space<vmem_shared>>) dst(%dma_wait3A_66 : memref<640x16xf32, #tpu.memory_space<hbm>>)
      tpu.yield
    }) : () -> ()
    return
  }
}

#map = affine_map<(d0, d1) -> (0, 0)>
#map1 = affine_map<(d0, d1) -> (0, 0, 0)>
module attributes {stable_mosaic.version = 14 : i64} {
  func.func @_sc_aggregate(%arg0: i32, %arg1: i32, %arg2: memref<10000x64xf32, #tpu.memory_space<hbm>>, %arg3: memref<1250x128xi32, #tpu.memory_space<hbm>>, %arg4: memref<1250x128xi32, #tpu.memory_space<hbm>>, %arg5: memref<2x10240x64xf32, #tpu.memory_space<hbm>>, %arg6: memref<40x128xi32, #tpu.memory_space<vmem>>, %arg7: memref<40x128xi32, #tpu.memory_space<vmem>>, %arg8: memref<128x64xf32, #tpu.memory_space<vmem>>, %arg9: memref<128x64xf32, #tpu.memory_space<vmem>>, %arg10: memref<10240x64xf32, #tpu.memory_space<vmem_shared>>, %arg11: memref<!tpu.dma_semaphore, #tpu.memory_space<semaphore_mem>>, %arg12: memref<!tpu.dma_semaphore, #tpu.memory_space<semaphore_mem>>) attributes {dimension_semantics = [#tpu.dimension_semantics<core_parallel>, #tpu.dimension_semantics<subcore_parallel>], iteration_bounds = array<i64: 2, 16>, scalar_prefetch = 0 : i64, scratch_operands = 7 : i64, tpu.core_type = #tpu.core_type<sc_vector_subcore>, window_params = [{transform_indices = #map}, {transform_indices = #map}, {transform_indices = #map}, {transform_indices = #map1}]} {
    %mul3A = arith.constant 16 : i32
    %mul3A_0 = arith.muli %arg0, %mul3A : i32
    %add3A = arith.addi %mul3A_0, %arg1 : i32
    %eq3A = arith.constant 31 : i32
    %eq3A_1 = arith.cmpi eq, %add3A, %eq3A : i32
    %jit3A = arith.constant 10 : i32
    %jit3A_2 = arith.constant 40 : i32
    %select_n3A = arith.select %eq3A_1, %jit3A, %jit3A_2 : i32
    %mul3A_3 = arith.constant 40 : i32
    %mul3A_4 = arith.muli %add3A, %mul3A_3 : i32
    %multiple_of3A = tpu.assume_multiple %mul3A_4, 8 : i32
    %lt3A = arith.constant 31 : i32
    %lt3A_5 = arith.cmpi slt, %add3A, %lt3A : i32
    %convert_element_type3A = arith.extui %lt3A_5 : i1 to i32
    %cond3A = arith.constant 0 : i32
    %cond3A_6 = arith.cmpi ne, %convert_element_type3A, %cond3A : i32
    scf.if %cond3A_6 {
      "tpu.region"() ({
        %run_scoped3A = tpu.sem_alloc : memref<!tpu.dma_semaphore, #tpu.memory_space<semaphore_mem>>
        %dma_start3A_78 = arith.constant 0 : i32
        %dma_start3A_79 = tpu.memref_slice %arg3[%multiple_of3A, %dma_start3A_78] : memref<1250x128xi32, #tpu.memory_space<hbm>> -> memref<40x128xi32, #tpu.memory_space<hbm>>
        %dma_start3A_80 = arith.constant 0 : i32
        %dma_start3A_81 = tpu.memref_slice %arg3[%multiple_of3A, %dma_start3A_80] : memref<1250x128xi32, #tpu.memory_space<hbm>> -> memref<40x128xi32, #tpu.memory_space<hbm>>
        tpu.enqueue_dma source(%dma_start3A_81 : memref<40x128xi32, #tpu.memory_space<hbm>>) target(%arg6 : memref<40x128xi32, #tpu.memory_space<vmem>>) target_semaphore(%run_scoped3A : memref<!tpu.dma_semaphore, #tpu.memory_space<semaphore_mem>>)
        %dma_wait3A = arith.constant 0 : i32
        %dma_wait3A_82 = tpu.memref_slice %arg3[%multiple_of3A, %dma_wait3A] : memref<1250x128xi32, #tpu.memory_space<hbm>> -> memref<40x128xi32, #tpu.memory_space<hbm>>
        %dma_wait3A_83 = arith.constant 0 : i32
        %dma_wait3A_84 = tpu.memref_slice %arg3[%multiple_of3A, %dma_wait3A_83] : memref<1250x128xi32, #tpu.memory_space<hbm>> -> memref<40x128xi32, #tpu.memory_space<hbm>>
        tpu.wait_dma2 semaphore(%run_scoped3A : memref<!tpu.dma_semaphore, #tpu.memory_space<semaphore_mem>>) src(%dma_wait3A_84 : memref<40x128xi32, #tpu.memory_space<hbm>>) dst(%arg6 : memref<40x128xi32, #tpu.memory_space<vmem>>)
        tpu.yield
      }) : () -> ()
      "tpu.region"() ({
        %run_scoped3A = tpu.sem_alloc : memref<!tpu.dma_semaphore, #tpu.memory_space<semaphore_mem>>
        %dma_start3A_78 = arith.constant 0 : i32
        %dma_start3A_79 = tpu.memref_slice %arg4[%multiple_of3A, %dma_start3A_78] : memref<1250x128xi32, #tpu.memory_space<hbm>> -> memref<40x128xi32, #tpu.memory_space<hbm>>
        %dma_start3A_80 = arith.constant 0 : i32
        %dma_start3A_81 = tpu.memref_slice %arg4[%multiple_of3A, %dma_start3A_80] : memref<1250x128xi32, #tpu.memory_space<hbm>> -> memref<40x128xi32, #tpu.memory_space<hbm>>
        tpu.enqueue_dma source(%dma_start3A_81 : memref<40x128xi32, #tpu.memory_space<hbm>>) target(%arg7 : memref<40x128xi32, #tpu.memory_space<vmem>>) target_semaphore(%run_scoped3A : memref<!tpu.dma_semaphore, #tpu.memory_space<semaphore_mem>>)
        %dma_wait3A = arith.constant 0 : i32
        %dma_wait3A_82 = tpu.memref_slice %arg4[%multiple_of3A, %dma_wait3A] : memref<1250x128xi32, #tpu.memory_space<hbm>> -> memref<40x128xi32, #tpu.memory_space<hbm>>
        %dma_wait3A_83 = arith.constant 0 : i32
        %dma_wait3A_84 = tpu.memref_slice %arg4[%multiple_of3A, %dma_wait3A_83] : memref<1250x128xi32, #tpu.memory_space<hbm>> -> memref<40x128xi32, #tpu.memory_space<hbm>>
        tpu.wait_dma2 semaphore(%run_scoped3A : memref<!tpu.dma_semaphore, #tpu.memory_space<semaphore_mem>>) src(%dma_wait3A_84 : memref<40x128xi32, #tpu.memory_space<hbm>>) dst(%arg7 : memref<40x128xi32, #tpu.memory_space<vmem>>)
        tpu.yield
      }) : () -> ()
    } else {
    }
    %eq3A_7 = arith.constant 31 : i32
    %eq3A_8 = arith.cmpi eq, %add3A, %eq3A_7 : i32
    %convert_element_type3A_9 = arith.extui %eq3A_8 : i1 to i32
    %cond3A_10 = arith.constant 0 : i32
    %cond3A_11 = arith.cmpi ne, %convert_element_type3A_9, %cond3A_10 : i32
    scf.if %cond3A_11 {
      "tpu.region"() ({
        %run_scoped3A = tpu.sem_alloc : memref<!tpu.dma_semaphore, #tpu.memory_space<semaphore_mem>>
        %dma_start3A_78 = arith.constant 0 : i32
        %dma_start3A_79 = arith.constant 0 : i32
        %dma_start3A_80 = tpu.memref_slice %arg6[%dma_start3A_78, %dma_start3A_79] : memref<40x128xi32, #tpu.memory_space<vmem>> -> memref<10x128xi32, #tpu.memory_space<vmem>>
        %dma_start3A_81 = arith.constant 0 : i32
        %dma_start3A_82 = tpu.memref_slice %arg3[%multiple_of3A, %dma_start3A_81] : memref<1250x128xi32, #tpu.memory_space<hbm>> -> memref<10x128xi32, #tpu.memory_space<hbm>>
        %dma_start3A_83 = arith.constant 0 : i32
        %dma_start3A_84 = arith.constant 0 : i32
        %dma_start3A_85 = tpu.memref_slice %arg6[%dma_start3A_83, %dma_start3A_84] : memref<40x128xi32, #tpu.memory_space<vmem>> -> memref<10x128xi32, #tpu.memory_space<vmem>>
        %dma_start3A_86 = arith.constant 0 : i32
        %dma_start3A_87 = tpu.memref_slice %arg3[%multiple_of3A, %dma_start3A_86] : memref<1250x128xi32, #tpu.memory_space<hbm>> -> memref<10x128xi32, #tpu.memory_space<hbm>>
        tpu.enqueue_dma source(%dma_start3A_87 : memref<10x128xi32, #tpu.memory_space<hbm>>) target(%dma_start3A_85 : memref<10x128xi32, #tpu.memory_space<vmem>>) target_semaphore(%run_scoped3A : memref<!tpu.dma_semaphore, #tpu.memory_space<semaphore_mem>>)
        %dma_wait3A = arith.constant 0 : i32
        %dma_wait3A_88 = arith.constant 0 : i32
        %dma_wait3A_89 = tpu.memref_slice %arg6[%dma_wait3A, %dma_wait3A_88] : memref<40x128xi32, #tpu.memory_space<vmem>> -> memref<10x128xi32, #tpu.memory_space<vmem>>
        %dma_wait3A_90 = arith.constant 0 : i32
        %dma_wait3A_91 = tpu.memref_slice %arg3[%multiple_of3A, %dma_wait3A_90] : memref<1250x128xi32, #tpu.memory_space<hbm>> -> memref<10x128xi32, #tpu.memory_space<hbm>>
        %dma_wait3A_92 = arith.constant 0 : i32
        %dma_wait3A_93 = arith.constant 0 : i32
        %dma_wait3A_94 = tpu.memref_slice %arg6[%dma_wait3A_92, %dma_wait3A_93] : memref<40x128xi32, #tpu.memory_space<vmem>> -> memref<10x128xi32, #tpu.memory_space<vmem>>
        %dma_wait3A_95 = arith.constant 0 : i32
        %dma_wait3A_96 = tpu.memref_slice %arg3[%multiple_of3A, %dma_wait3A_95] : memref<1250x128xi32, #tpu.memory_space<hbm>> -> memref<10x128xi32, #tpu.memory_space<hbm>>
        tpu.wait_dma2 semaphore(%run_scoped3A : memref<!tpu.dma_semaphore, #tpu.memory_space<semaphore_mem>>) src(%dma_wait3A_96 : memref<10x128xi32, #tpu.memory_space<hbm>>) dst(%dma_wait3A_94 : memref<10x128xi32, #tpu.memory_space<vmem>>)
        tpu.yield
      }) : () -> ()
      "tpu.region"() ({
        %run_scoped3A = tpu.sem_alloc : memref<!tpu.dma_semaphore, #tpu.memory_space<semaphore_mem>>
        %dma_start3A_78 = arith.constant 0 : i32
        %dma_start3A_79 = arith.constant 0 : i32
        %dma_start3A_80 = tpu.memref_slice %arg7[%dma_start3A_78, %dma_start3A_79] : memref<40x128xi32, #tpu.memory_space<vmem>> -> memref<10x128xi32, #tpu.memory_space<vmem>>
        %dma_start3A_81 = arith.constant 0 : i32
        %dma_start3A_82 = tpu.memref_slice %arg4[%multiple_of3A, %dma_start3A_81] : memref<1250x128xi32, #tpu.memory_space<hbm>> -> memref<10x128xi32, #tpu.memory_space<hbm>>
        %dma_start3A_83 = arith.constant 0 : i32
        %dma_start3A_84 = arith.constant 0 : i32
        %dma_start3A_85 = tpu.memref_slice %arg7[%dma_start3A_83, %dma_start3A_84] : memref<40x128xi32, #tpu.memory_space<vmem>> -> memref<10x128xi32, #tpu.memory_space<vmem>>
        %dma_start3A_86 = arith.constant 0 : i32
        %dma_start3A_87 = tpu.memref_slice %arg4[%multiple_of3A, %dma_start3A_86] : memref<1250x128xi32, #tpu.memory_space<hbm>> -> memref<10x128xi32, #tpu.memory_space<hbm>>
        tpu.enqueue_dma source(%dma_start3A_87 : memref<10x128xi32, #tpu.memory_space<hbm>>) target(%dma_start3A_85 : memref<10x128xi32, #tpu.memory_space<vmem>>) target_semaphore(%run_scoped3A : memref<!tpu.dma_semaphore, #tpu.memory_space<semaphore_mem>>)
        %dma_wait3A = arith.constant 0 : i32
        %dma_wait3A_88 = arith.constant 0 : i32
        %dma_wait3A_89 = tpu.memref_slice %arg7[%dma_wait3A, %dma_wait3A_88] : memref<40x128xi32, #tpu.memory_space<vmem>> -> memref<10x128xi32, #tpu.memory_space<vmem>>
        %dma_wait3A_90 = arith.constant 0 : i32
        %dma_wait3A_91 = tpu.memref_slice %arg4[%multiple_of3A, %dma_wait3A_90] : memref<1250x128xi32, #tpu.memory_space<hbm>> -> memref<10x128xi32, #tpu.memory_space<hbm>>
        %dma_wait3A_92 = arith.constant 0 : i32
        %dma_wait3A_93 = arith.constant 0 : i32
        %dma_wait3A_94 = tpu.memref_slice %arg7[%dma_wait3A_92, %dma_wait3A_93] : memref<40x128xi32, #tpu.memory_space<vmem>> -> memref<10x128xi32, #tpu.memory_space<vmem>>
        %dma_wait3A_95 = arith.constant 0 : i32
        %dma_wait3A_96 = tpu.memref_slice %arg4[%multiple_of3A, %dma_wait3A_95] : memref<1250x128xi32, #tpu.memory_space<hbm>> -> memref<10x128xi32, #tpu.memory_space<hbm>>
        tpu.wait_dma2 semaphore(%run_scoped3A : memref<!tpu.dma_semaphore, #tpu.memory_space<semaphore_mem>>) src(%dma_wait3A_96 : memref<10x128xi32, #tpu.memory_space<hbm>>) dst(%dma_wait3A_94 : memref<10x128xi32, #tpu.memory_space<vmem>>)
        tpu.yield
      }) : () -> ()
    } else {
    }
    %scan3A = arith.constant 0 : i32
    %scan3A_12 = arith.constant 0 : i32
    %scan3A_13 = arith.constant 128 : i32
    %scan3A_14 = arith.addi %scan3A_12, %scan3A_13 : i32
    %scan3A_15 = arith.constant 1 : i32
    %scan3A_16 = scf.for %scan3A_78 = %scan3A_12 to %scan3A_14 step %scan3A_15 iter_args(%scan3A_79 = %scan3A) -> (i32)  : i32 {
      %broadcast_in_dim3A = arith.constant 0.000000e+00 : f32
      %broadcast_in_dim3A_80 = vector.broadcast %broadcast_in_dim3A : f32 to vector<16xf32>
      %swap3A = arith.index_cast %scan3A_78 : i32 to index
      %swap3A_81 = arith.constant 0 : index
      %swap3A_82 = tpu.vector_load %arg8[%swap3A, %swap3A_81] {strides = array<i32>} : memref<128x64xf32, #tpu.memory_space<vmem>>, vector<1x16xf32>,
      %swap3A_83 = vector.shape_cast %swap3A_82 : vector<1x16xf32> to vector<16xf32>
      %swap3A_84 = vector.shape_cast %broadcast_in_dim3A_80 : vector<16xf32> to vector<1x16xf32>
      tpu.vector_store %arg8[%swap3A, %swap3A_81], %swap3A_84 {strides = array<i32>} : memref<128x64xf32, #tpu.memory_space<vmem>>, vector<1x16xf32>,
      %broadcast_in_dim3A_85 = arith.constant 0.000000e+00 : f32
      %broadcast_in_dim3A_86 = vector.broadcast %broadcast_in_dim3A_85 : f32 to vector<16xf32>
      %swap3A_87 = arith.index_cast %scan3A_78 : i32 to index
      %swap3A_88 = arith.constant 16 : index
      %swap3A_89 = tpu.vector_load %arg8[%swap3A_87, %swap3A_88] {strides = array<i32>} : memref<128x64xf32, #tpu.memory_space<vmem>>, vector<1x16xf32>,
      %swap3A_90 = vector.shape_cast %swap3A_89 : vector<1x16xf32> to vector<16xf32>
      %swap3A_91 = vector.shape_cast %broadcast_in_dim3A_86 : vector<16xf32> to vector<1x16xf32>
      tpu.vector_store %arg8[%swap3A_87, %swap3A_88], %swap3A_91 {strides = array<i32>} : memref<128x64xf32, #tpu.memory_space<vmem>>, vector<1x16xf32>,
      %broadcast_in_dim3A_92 = arith.constant 0.000000e+00 : f32
      %broadcast_in_dim3A_93 = vector.broadcast %broadcast_in_dim3A_92 : f32 to vector<16xf32>
      %swap3A_94 = arith.index_cast %scan3A_78 : i32 to index
      %swap3A_95 = arith.constant 32 : index
      %swap3A_96 = tpu.vector_load %arg8[%swap3A_94, %swap3A_95] {strides = array<i32>} : memref<128x64xf32, #tpu.memory_space<vmem>>, vector<1x16xf32>,
      %swap3A_97 = vector.shape_cast %swap3A_96 : vector<1x16xf32> to vector<16xf32>
      %swap3A_98 = vector.shape_cast %broadcast_in_dim3A_93 : vector<16xf32> to vector<1x16xf32>
      tpu.vector_store %arg8[%swap3A_94, %swap3A_95], %swap3A_98 {strides = array<i32>} : memref<128x64xf32, #tpu.memory_space<vmem>>, vector<1x16xf32>,
      %broadcast_in_dim3A_99 = arith.constant 0.000000e+00 : f32
      %broadcast_in_dim3A_100 = vector.broadcast %broadcast_in_dim3A_99 : f32 to vector<16xf32>
      %swap3A_101 = arith.index_cast %scan3A_78 : i32 to index
      %swap3A_102 = arith.constant 48 : index
      %swap3A_103 = tpu.vector_load %arg8[%swap3A_101, %swap3A_102] {strides = array<i32>} : memref<128x64xf32, #tpu.memory_space<vmem>>, vector<1x16xf32>,
      %swap3A_104 = vector.shape_cast %swap3A_103 : vector<1x16xf32> to vector<16xf32>
      %swap3A_105 = vector.shape_cast %broadcast_in_dim3A_100 : vector<16xf32> to vector<1x16xf32>
      tpu.vector_store %arg8[%swap3A_101, %swap3A_102], %swap3A_105 {strides = array<i32>} : memref<128x64xf32, #tpu.memory_space<vmem>>, vector<1x16xf32>,
      %scan3A_106 = arith.constant 0 : i32
      scf.yield %scan3A_106 : i32
    }
    %scan3A_17 = arith.constant 128 : i32
    %mul3A_18 = arith.constant 640 : i32
    %mul3A_19 = arith.muli %arg1, %mul3A_18 : i32
    %add3A_20 = arith.constant 0 : i32
    %add3A_21 = arith.addi %mul3A_19, %add3A_20 : i32
    "tpu.region"() ({
      %run_scoped3A = tpu.sem_alloc : memref<!tpu.dma_semaphore, #tpu.memory_space<semaphore_mem>>
      %dma_start3A_78 = arith.constant 0 : i32
      %dma_start3A_79 = tpu.memref_slice %arg10[%add3A_21, %dma_start3A_78] : memref<10240x64xf32, #tpu.memory_space<vmem_shared>> -> memref<128x64xf32, #tpu.memory_space<vmem_shared>>
      %dma_start3A_80 = arith.constant 0 : i32
      %dma_start3A_81 = tpu.memref_slice %arg10[%add3A_21, %dma_start3A_80] : memref<10240x64xf32, #tpu.memory_space<vmem_shared>> -> memref<128x64xf32, #tpu.memory_space<vmem_shared>>
      tpu.enqueue_dma source(%arg8 : memref<128x64xf32, #tpu.memory_space<vmem>>) target(%dma_start3A_81 : memref<128x64xf32, #tpu.memory_space<vmem_shared>>) target_semaphore(%run_scoped3A : memref<!tpu.dma_semaphore, #tpu.memory_space<semaphore_mem>>)
      %dma_wait3A = arith.constant 0 : i32
      %dma_wait3A_82 = tpu.memref_slice %arg10[%add3A_21, %dma_wait3A] : memref<10240x64xf32, #tpu.memory_space<vmem_shared>> -> memref<128x64xf32, #tpu.memory_space<vmem_shared>>
      %dma_wait3A_83 = arith.constant 0 : i32
      %dma_wait3A_84 = tpu.memref_slice %arg10[%add3A_21, %dma_wait3A_83] : memref<10240x64xf32, #tpu.memory_space<vmem_shared>> -> memref<128x64xf32, #tpu.memory_space<vmem_shared>>
      tpu.wait_dma2 semaphore(%run_scoped3A : memref<!tpu.dma_semaphore, #tpu.memory_space<semaphore_mem>>) src(%arg8 : memref<128x64xf32, #tpu.memory_space<vmem>>) dst(%dma_wait3A_84 : memref<128x64xf32, #tpu.memory_space<vmem_shared>>)
      tpu.yield
    }) : () -> ()
    %mul3A_22 = arith.constant 640 : i32
    %mul3A_23 = arith.muli %arg1, %mul3A_22 : i32
    %add3A_24 = arith.constant 128 : i32
    %add3A_25 = arith.addi %mul3A_23, %add3A_24 : i32
    "tpu.region"() ({
      %run_scoped3A = tpu.sem_alloc : memref<!tpu.dma_semaphore, #tpu.memory_space<semaphore_mem>>
      %dma_start3A_78 = arith.constant 0 : i32
      %dma_start3A_79 = tpu.memref_slice %arg10[%add3A_25, %dma_start3A_78] : memref<10240x64xf32, #tpu.memory_space<vmem_shared>> -> memref<128x64xf32, #tpu.memory_space<vmem_shared>>
      %dma_start3A_80 = arith.constant 0 : i32
      %dma_start3A_81 = tpu.memref_slice %arg10[%add3A_25, %dma_start3A_80] : memref<10240x64xf32, #tpu.memory_space<vmem_shared>> -> memref<128x64xf32, #tpu.memory_space<vmem_shared>>
      tpu.enqueue_dma source(%arg8 : memref<128x64xf32, #tpu.memory_space<vmem>>) target(%dma_start3A_81 : memref<128x64xf32, #tpu.memory_space<vmem_shared>>) target_semaphore(%run_scoped3A : memref<!tpu.dma_semaphore, #tpu.memory_space<semaphore_mem>>)
      %dma_wait3A = arith.constant 0 : i32
      %dma_wait3A_82 = tpu.memref_slice %arg10[%add3A_25, %dma_wait3A] : memref<10240x64xf32, #tpu.memory_space<vmem_shared>> -> memref<128x64xf32, #tpu.memory_space<vmem_shared>>
      %dma_wait3A_83 = arith.constant 0 : i32
      %dma_wait3A_84 = tpu.memref_slice %arg10[%add3A_25, %dma_wait3A_83] : memref<10240x64xf32, #tpu.memory_space<vmem_shared>> -> memref<128x64xf32, #tpu.memory_space<vmem_shared>>
      tpu.wait_dma2 semaphore(%run_scoped3A : memref<!tpu.dma_semaphore, #tpu.memory_space<semaphore_mem>>) src(%arg8 : memref<128x64xf32, #tpu.memory_space<vmem>>) dst(%dma_wait3A_84 : memref<128x64xf32, #tpu.memory_space<vmem_shared>>)
      tpu.yield
    }) : () -> ()
    %mul3A_26 = arith.constant 640 : i32
    %mul3A_27 = arith.muli %arg1, %mul3A_26 : i32
    %add3A_28 = arith.constant 256 : i32
    %add3A_29 = arith.addi %mul3A_27, %add3A_28 : i32
    "tpu.region"() ({
      %run_scoped3A = tpu.sem_alloc : memref<!tpu.dma_semaphore, #tpu.memory_space<semaphore_mem>>
      %dma_start3A_78 = arith.constant 0 : i32
      %dma_start3A_79 = tpu.memref_slice %arg10[%add3A_29, %dma_start3A_78] : memref<10240x64xf32, #tpu.memory_space<vmem_shared>> -> memref<128x64xf32, #tpu.memory_space<vmem_shared>>
      %dma_start3A_80 = arith.constant 0 : i32
      %dma_start3A_81 = tpu.memref_slice %arg10[%add3A_29, %dma_start3A_80] : memref<10240x64xf32, #tpu.memory_space<vmem_shared>> -> memref<128x64xf32, #tpu.memory_space<vmem_shared>>
      tpu.enqueue_dma source(%arg8 : memref<128x64xf32, #tpu.memory_space<vmem>>) target(%dma_start3A_81 : memref<128x64xf32, #tpu.memory_space<vmem_shared>>) target_semaphore(%run_scoped3A : memref<!tpu.dma_semaphore, #tpu.memory_space<semaphore_mem>>)
      %dma_wait3A = arith.constant 0 : i32
      %dma_wait3A_82 = tpu.memref_slice %arg10[%add3A_29, %dma_wait3A] : memref<10240x64xf32, #tpu.memory_space<vmem_shared>> -> memref<128x64xf32, #tpu.memory_space<vmem_shared>>
      %dma_wait3A_83 = arith.constant 0 : i32
      %dma_wait3A_84 = tpu.memref_slice %arg10[%add3A_29, %dma_wait3A_83] : memref<10240x64xf32, #tpu.memory_space<vmem_shared>> -> memref<128x64xf32, #tpu.memory_space<vmem_shared>>
      tpu.wait_dma2 semaphore(%run_scoped3A : memref<!tpu.dma_semaphore, #tpu.memory_space<semaphore_mem>>) src(%arg8 : memref<128x64xf32, #tpu.memory_space<vmem>>) dst(%dma_wait3A_84 : memref<128x64xf32, #tpu.memory_space<vmem_shared>>)
      tpu.yield
    }) : () -> ()
    %mul3A_30 = arith.constant 640 : i32
    %mul3A_31 = arith.muli %arg1, %mul3A_30 : i32
    %add3A_32 = arith.constant 384 : i32
    %add3A_33 = arith.addi %mul3A_31, %add3A_32 : i32
    "tpu.region"() ({
      %run_scoped3A = tpu.sem_alloc : memref<!tpu.dma_semaphore, #tpu.memory_space<semaphore_mem>>
      %dma_start3A_78 = arith.constant 0 : i32
      %dma_start3A_79 = tpu.memref_slice %arg10[%add3A_33, %dma_start3A_78] : memref<10240x64xf32, #tpu.memory_space<vmem_shared>> -> memref<128x64xf32, #tpu.memory_space<vmem_shared>>
      %dma_start3A_80 = arith.constant 0 : i32
      %dma_start3A_81 = tpu.memref_slice %arg10[%add3A_33, %dma_start3A_80] : memref<10240x64xf32, #tpu.memory_space<vmem_shared>> -> memref<128x64xf32, #tpu.memory_space<vmem_shared>>
      tpu.enqueue_dma source(%arg8 : memref<128x64xf32, #tpu.memory_space<vmem>>) target(%dma_start3A_81 : memref<128x64xf32, #tpu.memory_space<vmem_shared>>) target_semaphore(%run_scoped3A : memref<!tpu.dma_semaphore, #tpu.memory_space<semaphore_mem>>)
      %dma_wait3A = arith.constant 0 : i32
      %dma_wait3A_82 = tpu.memref_slice %arg10[%add3A_33, %dma_wait3A] : memref<10240x64xf32, #tpu.memory_space<vmem_shared>> -> memref<128x64xf32, #tpu.memory_space<vmem_shared>>
      %dma_wait3A_83 = arith.constant 0 : i32
      %dma_wait3A_84 = tpu.memref_slice %arg10[%add3A_33, %dma_wait3A_83] : memref<10240x64xf32, #tpu.memory_space<vmem_shared>> -> memref<128x64xf32, #tpu.memory_space<vmem_shared>>
      tpu.wait_dma2 semaphore(%run_scoped3A : memref<!tpu.dma_semaphore, #tpu.memory_space<semaphore_mem>>) src(%arg8 : memref<128x64xf32, #tpu.memory_space<vmem>>) dst(%dma_wait3A_84 : memref<128x64xf32, #tpu.memory_space<vmem_shared>>)
      tpu.yield
    }) : () -> ()
    %mul3A_34 = arith.constant 640 : i32
    %mul3A_35 = arith.muli %arg1, %mul3A_34 : i32
    %add3A_36 = arith.constant 512 : i32
    %add3A_37 = arith.addi %mul3A_35, %add3A_36 : i32
    "tpu.region"() ({
      %run_scoped3A = tpu.sem_alloc : memref<!tpu.dma_semaphore, #tpu.memory_space<semaphore_mem>>
      %dma_start3A_78 = arith.constant 0 : i32
      %dma_start3A_79 = tpu.memref_slice %arg10[%add3A_37, %dma_start3A_78] : memref<10240x64xf32, #tpu.memory_space<vmem_shared>> -> memref<128x64xf32, #tpu.memory_space<vmem_shared>>
      %dma_start3A_80 = arith.constant 0 : i32
      %dma_start3A_81 = tpu.memref_slice %arg10[%add3A_37, %dma_start3A_80] : memref<10240x64xf32, #tpu.memory_space<vmem_shared>> -> memref<128x64xf32, #tpu.memory_space<vmem_shared>>
      tpu.enqueue_dma source(%arg8 : memref<128x64xf32, #tpu.memory_space<vmem>>) target(%dma_start3A_81 : memref<128x64xf32, #tpu.memory_space<vmem_shared>>) target_semaphore(%run_scoped3A : memref<!tpu.dma_semaphore, #tpu.memory_space<semaphore_mem>>)
      %dma_wait3A = arith.constant 0 : i32
      %dma_wait3A_82 = tpu.memref_slice %arg10[%add3A_37, %dma_wait3A] : memref<10240x64xf32, #tpu.memory_space<vmem_shared>> -> memref<128x64xf32, #tpu.memory_space<vmem_shared>>
      %dma_wait3A_83 = arith.constant 0 : i32
      %dma_wait3A_84 = tpu.memref_slice %arg10[%add3A_37, %dma_wait3A_83] : memref<10240x64xf32, #tpu.memory_space<vmem_shared>> -> memref<128x64xf32, #tpu.memory_space<vmem_shared>>
      tpu.wait_dma2 semaphore(%run_scoped3A : memref<!tpu.dma_semaphore, #tpu.memory_space<semaphore_mem>>) src(%arg8 : memref<128x64xf32, #tpu.memory_space<vmem>>) dst(%dma_wait3A_84 : memref<128x64xf32, #tpu.memory_space<vmem_shared>>)
      tpu.yield
    }) : () -> ()
    %barrier3A = arith.constant 0 : index
    tpu.barrier barrier_id(%barrier3A)
    %dma_start3A = arith.constant 0 : i32
    %dma_start3A_38 = arith.constant 0 : i32
    %dma_start3A_39 = tpu.memref_slice %arg6[%dma_start3A, %dma_start3A_38] : memref<40x128xi32, #tpu.memory_space<vmem>> -> memref<1x128xi32, #tpu.memory_space<vmem>>
    %dma_start3A_40 = tpu.memref_squeeze %dma_start3A_39 : memref<1x128xi32, #tpu.memory_space<vmem>> -> memref<128xi32, #tpu.memory_space<vmem>>
    %dma_start3A_41 = arith.constant 0 : i32
    %dma_start3A_42 = arith.constant 0 : i32
    %dma_start3A_43 = tpu.memref_slice %arg2[%dma_start3A_41, %dma_start3A_42] : memref<10000x64xf32, #tpu.memory_space<hbm>> -> memref<10000x64xf32, #tpu.memory_space<hbm>>
    tpu.enqueue_indirect_dma source(%dma_start3A_43 : memref<10000x64xf32, #tpu.memory_space<hbm>>) target(%arg8 : memref<128x64xf32, #tpu.memory_space<vmem>>) offsets(%dma_start3A_40 : memref<128xi32, #tpu.memory_space<vmem>>) semaphore(%arg11 : memref<!tpu.dma_semaphore, #tpu.memory_space<semaphore_mem>>)
    %jit3A_44 = arith.constant 2 : i32
    %div3A = arith.divsi %select_n3A, %jit3A_44 : i32
    %sign3A = arith.constant 0 : i32
    %sign3A_45 = arith.cmpi sgt, %select_n3A, %sign3A : i32
    %sign3A_46 = arith.extui %sign3A_45 : i1 to i32
    %sign3A_47 = arith.constant 0 : i32
    %sign3A_48 = arith.cmpi slt, %select_n3A, %sign3A_47 : i32
    %sign3A_49 = arith.extui %sign3A_48 : i1 to i32
    %sign3A_50 = arith.subi %sign3A_46, %sign3A_49 : i32
    %sign3A_51 = arith.constant 0 : i32
    %sign3A_52 = arith.cmpi sgt, %jit3A_44, %sign3A_51 : i32
    %sign3A_53 = arith.extui %sign3A_52 : i1 to i32
    %sign3A_54 = arith.constant 0 : i32
    %sign3A_55 = arith.cmpi slt, %jit3A_44, %sign3A_54 : i32
    %sign3A_56 = arith.extui %sign3A_55 : i1 to i32
    %sign3A_57 = arith.subi %sign3A_53, %sign3A_56 : i32
    %ne3A = arith.cmpi ne, %sign3A_50, %sign3A_57 : i32
    %rem3A = arith.remsi %select_n3A, %jit3A_44 : i32
    %ne3A_58 = arith.constant 0 : i32
    %ne3A_59 = arith.cmpi ne, %rem3A, %ne3A_58 : i32
    %and3A = arith.andi %ne3A, %ne3A_59 : i1
    %sub3A = arith.constant 1 : i32
    %sub3A_60 = arith.subi %div3A, %sub3A : i32
    %select_n3A_61 = arith.select %and3A, %sub3A_60, %div3A : i32
    %while3A = arith.constant 0 : i32
    %while3A_62 = arith.constant 0 : i32
    %while3A_63 = arith.subi %select_n3A_61, %while3A : i32
    %while3A_64 = arith.addi %while3A, %while3A_63 : i32
    %while3A_65 = arith.constant 1 : i32
    %while3A_66 = arith.divsi %while3A_63, %while3A_65 : i32
    %while3A_67 = arith.muli %while3A_66, %while3A_65 : i32
    %while3A_68 = arith.addi %while3A, %while3A_67 : i32
    %while3A_69 = arith.constant 1 : i32
    %while3A_70 = scf.for %while3A_78 = %while3A to %while3A_68 step %while3A_69 iter_args(%while3A_79 = %while3A_62) -> (i32)  : i32 {
      %mul3A_80 = arith.constant 2 : i32
      %mul3A_81 = arith.muli %while3A_78, %mul3A_80 : i32
      %add3A_82 = arith.constant 1 : i32
      %add3A_83 = arith.addi %mul3A_81, %add3A_82 : i32
      %dma_start3A_84 = arith.constant 0 : i32
      %dma_start3A_85 = tpu.memref_slice %arg6[%add3A_83, %dma_start3A_84] : memref<40x128xi32, #tpu.memory_space<vmem>> -> memref<1x128xi32, #tpu.memory_space<vmem>>
      %dma_start3A_86 = tpu.memref_squeeze %dma_start3A_85 : memref<1x128xi32, #tpu.memory_space<vmem>> -> memref<128xi32, #tpu.memory_space<vmem>>
      %dma_start3A_87 = arith.constant 0 : i32
      %dma_start3A_88 = arith.constant 0 : i32
      %dma_start3A_89 = tpu.memref_slice %arg2[%dma_start3A_87, %dma_start3A_88] : memref<10000x64xf32, #tpu.memory_space<hbm>> -> memref<10000x64xf32, #tpu.memory_space<hbm>>
      tpu.enqueue_indirect_dma source(%dma_start3A_89 : memref<10000x64xf32, #tpu.memory_space<hbm>>) target(%arg9 : memref<128x64xf32, #tpu.memory_space<vmem>>) offsets(%dma_start3A_86 : memref<128xi32, #tpu.memory_space<vmem>>) semaphore(%arg12 : memref<!tpu.dma_semaphore, #tpu.memory_space<semaphore_mem>>)
      %dma_wait3A = arith.constant 0 : i32
      %dma_wait3A_90 = tpu.memref_slice %arg6[%mul3A_81, %dma_wait3A] : memref<40x128xi32, #tpu.memory_space<vmem>> -> memref<1x128xi32, #tpu.memory_space<vmem>>
      %dma_wait3A_91 = tpu.memref_squeeze %dma_wait3A_90 : memref<1x128xi32, #tpu.memory_space<vmem>> -> memref<128xi32, #tpu.memory_space<vmem>>
      %dma_wait3A_92 = arith.constant 0 : i32
      %dma_wait3A_93 = arith.constant 0 : i32
      %dma_wait3A_94 = tpu.memref_slice %arg2[%dma_wait3A_92, %dma_wait3A_93] : memref<10000x64xf32, #tpu.memory_space<hbm>> -> memref<10000x64xf32, #tpu.memory_space<hbm>>
      tpu.wait_indirect_dma semaphore(%arg11 : memref<!tpu.dma_semaphore, #tpu.memory_space<semaphore_mem>>) src(%dma_wait3A_94 : memref<10000x64xf32, #tpu.memory_space<hbm>>) dst(%arg8 : memref<128x64xf32, #tpu.memory_space<vmem>>)
      "tpu.region"() ({
        %run_scoped3A = tpu.sem_alloc : memref<!tpu.dma_semaphore, #tpu.memory_space<semaphore_mem>>
        %dma_start3A_112 = arith.constant 0 : i32
        %dma_start3A_113 = tpu.memref_slice %arg7[%mul3A_81, %dma_start3A_112] : memref<40x128xi32, #tpu.memory_space<vmem>> -> memref<1x128xi32, #tpu.memory_space<vmem>>
        %dma_start3A_114 = tpu.memref_squeeze %dma_start3A_113 : memref<1x128xi32, #tpu.memory_space<vmem>> -> memref<128xi32, #tpu.memory_space<vmem>>
        %dma_start3A_115 = arith.constant 0 : i32
        %dma_start3A_116 = arith.constant 0 : i32
        %dma_start3A_117 = tpu.memref_slice %arg10[%dma_start3A_115, %dma_start3A_116] : memref<10240x64xf32, #tpu.memory_space<vmem_shared>> -> memref<10240x64xf32, #tpu.memory_space<vmem_shared>>
        tpu.enqueue_indirect_dma source(%arg8 : memref<128x64xf32, #tpu.memory_space<vmem>>) target(%dma_start3A_117 : memref<10240x64xf32, #tpu.memory_space<vmem_shared>>) offsets(%dma_start3A_114 : memref<128xi32, #tpu.memory_space<vmem>>) semaphore(%run_scoped3A : memref<!tpu.dma_semaphore, #tpu.memory_space<semaphore_mem>>) {add = true}
        %dma_wait3A_118 = arith.constant 0 : i32
        %dma_wait3A_119 = tpu.memref_slice %arg7[%mul3A_81, %dma_wait3A_118] : memref<40x128xi32, #tpu.memory_space<vmem>> -> memref<1x128xi32, #tpu.memory_space<vmem>>
        %dma_wait3A_120 = tpu.memref_squeeze %dma_wait3A_119 : memref<1x128xi32, #tpu.memory_space<vmem>> -> memref<128xi32, #tpu.memory_space<vmem>>
        %dma_wait3A_121 = arith.constant 0 : i32
        %dma_wait3A_122 = arith.constant 0 : i32
        %dma_wait3A_123 = tpu.memref_slice %arg10[%dma_wait3A_121, %dma_wait3A_122] : memref<10240x64xf32, #tpu.memory_space<vmem_shared>> -> memref<10240x64xf32, #tpu.memory_space<vmem_shared>>
        tpu.wait_indirect_dma semaphore(%run_scoped3A : memref<!tpu.dma_semaphore, #tpu.memory_space<semaphore_mem>>) src(%arg8 : memref<128x64xf32, #tpu.memory_space<vmem>>) dst(%dma_wait3A_123 : memref<10240x64xf32, #tpu.memory_space<vmem_shared>>)
        tpu.yield
      }) : () -> ()
      %add3A_95 = arith.constant 2 : i32
      %add3A_96 = arith.addi %mul3A_81, %add3A_95 : i32
      %lt3A_97 = arith.cmpi slt, %add3A_96, %select_n3A : i32
      %convert_element_type3A_98 = arith.extui %lt3A_97 : i1 to i32
      %cond3A_99 = arith.constant 0 : i32
      %cond3A_100 = arith.cmpi ne, %convert_element_type3A_98, %cond3A_99 : i32
      scf.if %cond3A_100 {
        %add3A_112 = arith.constant 2 : i32
        %add3A_113 = arith.addi %mul3A_81, %add3A_112 : i32
        %dma_start3A_114 = arith.constant 0 : i32
        %dma_start3A_115 = tpu.memref_slice %arg6[%add3A_113, %dma_start3A_114] : memref<40x128xi32, #tpu.memory_space<vmem>> -> memref<1x128xi32, #tpu.memory_space<vmem>>
        %dma_start3A_116 = tpu.memref_squeeze %dma_start3A_115 : memref<1x128xi32, #tpu.memory_space<vmem>> -> memref<128xi32, #tpu.memory_space<vmem>>
        %dma_start3A_117 = arith.constant 0 : i32
        %dma_start3A_118 = arith.constant 0 : i32
        %dma_start3A_119 = tpu.memref_slice %arg2[%dma_start3A_117, %dma_start3A_118] : memref<10000x64xf32, #tpu.memory_space<hbm>> -> memref<10000x64xf32, #tpu.memory_space<hbm>>
        tpu.enqueue_indirect_dma source(%dma_start3A_119 : memref<10000x64xf32, #tpu.memory_space<hbm>>) target(%arg8 : memref<128x64xf32, #tpu.memory_space<vmem>>) offsets(%dma_start3A_116 : memref<128xi32, #tpu.memory_space<vmem>>) semaphore(%arg11 : memref<!tpu.dma_semaphore, #tpu.memory_space<semaphore_mem>>)
      } else {
      }
      %add3A_101 = arith.constant 1 : i32
      %add3A_102 = arith.addi %mul3A_81, %add3A_101 : i32
      %dma_wait3A_103 = arith.constant 0 : i32
      %dma_wait3A_104 = tpu.memref_slice %arg6[%add3A_102, %dma_wait3A_103] : memref<40x128xi32, #tpu.memory_space<vmem>> -> memref<1x128xi32, #tpu.memory_space<vmem>>
      %dma_wait3A_105 = tpu.memref_squeeze %dma_wait3A_104 : memref<1x128xi32, #tpu.memory_space<vmem>> -> memref<128xi32, #tpu.memory_space<vmem>>
      %dma_wait3A_106 = arith.constant 0 : i32
      %dma_wait3A_107 = arith.constant 0 : i32
      %dma_wait3A_108 = tpu.memref_slice %arg2[%dma_wait3A_106, %dma_wait3A_107] : memref<10000x64xf32, #tpu.memory_space<hbm>> -> memref<10000x64xf32, #tpu.memory_space<hbm>>
      tpu.wait_indirect_dma semaphore(%arg12 : memref<!tpu.dma_semaphore, #tpu.memory_space<semaphore_mem>>) src(%dma_wait3A_108 : memref<10000x64xf32, #tpu.memory_space<hbm>>) dst(%arg9 : memref<128x64xf32, #tpu.memory_space<vmem>>)
      %add3A_109 = arith.constant 1 : i32
      %add3A_110 = arith.addi %mul3A_81, %add3A_109 : i32
      "tpu.region"() ({
        %run_scoped3A = tpu.sem_alloc : memref<!tpu.dma_semaphore, #tpu.memory_space<semaphore_mem>>
        %dma_start3A_112 = arith.constant 0 : i32
        %dma_start3A_113 = tpu.memref_slice %arg7[%add3A_110, %dma_start3A_112] : memref<40x128xi32, #tpu.memory_space<vmem>> -> memref<1x128xi32, #tpu.memory_space<vmem>>
        %dma_start3A_114 = tpu.memref_squeeze %dma_start3A_113 : memref<1x128xi32, #tpu.memory_space<vmem>> -> memref<128xi32, #tpu.memory_space<vmem>>
        %dma_start3A_115 = arith.constant 0 : i32
        %dma_start3A_116 = arith.constant 0 : i32
        %dma_start3A_117 = tpu.memref_slice %arg10[%dma_start3A_115, %dma_start3A_116] : memref<10240x64xf32, #tpu.memory_space<vmem_shared>> -> memref<10240x64xf32, #tpu.memory_space<vmem_shared>>
        tpu.enqueue_indirect_dma source(%arg9 : memref<128x64xf32, #tpu.memory_space<vmem>>) target(%dma_start3A_117 : memref<10240x64xf32, #tpu.memory_space<vmem_shared>>) offsets(%dma_start3A_114 : memref<128xi32, #tpu.memory_space<vmem>>) semaphore(%run_scoped3A : memref<!tpu.dma_semaphore, #tpu.memory_space<semaphore_mem>>) {add = true}
        %dma_wait3A_118 = arith.constant 0 : i32
        %dma_wait3A_119 = tpu.memref_slice %arg7[%add3A_110, %dma_wait3A_118] : memref<40x128xi32, #tpu.memory_space<vmem>> -> memref<1x128xi32, #tpu.memory_space<vmem>>
        %dma_wait3A_120 = tpu.memref_squeeze %dma_wait3A_119 : memref<1x128xi32, #tpu.memory_space<vmem>> -> memref<128xi32, #tpu.memory_space<vmem>>
        %dma_wait3A_121 = arith.constant 0 : i32
        %dma_wait3A_122 = arith.constant 0 : i32
        %dma_wait3A_123 = tpu.memref_slice %arg10[%dma_wait3A_121, %dma_wait3A_122] : memref<10240x64xf32, #tpu.memory_space<vmem_shared>> -> memref<10240x64xf32, #tpu.memory_space<vmem_shared>>
        tpu.wait_indirect_dma semaphore(%run_scoped3A : memref<!tpu.dma_semaphore, #tpu.memory_space<semaphore_mem>>) src(%arg9 : memref<128x64xf32, #tpu.memory_space<vmem>>) dst(%dma_wait3A_123 : memref<10240x64xf32, #tpu.memory_space<vmem_shared>>)
        tpu.yield
      }) : () -> ()
      %while3A_111 = arith.constant 0 : i32
      scf.yield %while3A_111 : i32
    }
    %while3A_71 = arith.constant 1 : i32
    %while3A_72 = scf.for %while3A_78 = %while3A_68 to %while3A_64 step %while3A_71 iter_args(%while3A_79 = %while3A_70) -> (i32)  : i32 {
      %mul3A_80 = arith.constant 2 : i32
      %mul3A_81 = arith.muli %while3A_78, %mul3A_80 : i32
      %add3A_82 = arith.constant 1 : i32
      %add3A_83 = arith.addi %mul3A_81, %add3A_82 : i32
      %dma_start3A_84 = arith.constant 0 : i32
      %dma_start3A_85 = tpu.memref_slice %arg6[%add3A_83, %dma_start3A_84] : memref<40x128xi32, #tpu.memory_space<vmem>> -> memref<1x128xi32, #tpu.memory_space<vmem>>
      %dma_start3A_86 = tpu.memref_squeeze %dma_start3A_85 : memref<1x128xi32, #tpu.memory_space<vmem>> -> memref<128xi32, #tpu.memory_space<vmem>>
      %dma_start3A_87 = arith.constant 0 : i32
      %dma_start3A_88 = arith.constant 0 : i32
      %dma_start3A_89 = tpu.memref_slice %arg2[%dma_start3A_87, %dma_start3A_88] : memref<10000x64xf32, #tpu.memory_space<hbm>> -> memref<10000x64xf32, #tpu.memory_space<hbm>>
      tpu.enqueue_indirect_dma source(%dma_start3A_89 : memref<10000x64xf32, #tpu.memory_space<hbm>>) target(%arg9 : memref<128x64xf32, #tpu.memory_space<vmem>>) offsets(%dma_start3A_86 : memref<128xi32, #tpu.memory_space<vmem>>) semaphore(%arg12 : memref<!tpu.dma_semaphore, #tpu.memory_space<semaphore_mem>>)
      %dma_wait3A = arith.constant 0 : i32
      %dma_wait3A_90 = tpu.memref_slice %arg6[%mul3A_81, %dma_wait3A] : memref<40x128xi32, #tpu.memory_space<vmem>> -> memref<1x128xi32, #tpu.memory_space<vmem>>
      %dma_wait3A_91 = tpu.memref_squeeze %dma_wait3A_90 : memref<1x128xi32, #tpu.memory_space<vmem>> -> memref<128xi32, #tpu.memory_space<vmem>>
      %dma_wait3A_92 = arith.constant 0 : i32
      %dma_wait3A_93 = arith.constant 0 : i32
      %dma_wait3A_94 = tpu.memref_slice %arg2[%dma_wait3A_92, %dma_wait3A_93] : memref<10000x64xf32, #tpu.memory_space<hbm>> -> memref<10000x64xf32, #tpu.memory_space<hbm>>
      tpu.wait_indirect_dma semaphore(%arg11 : memref<!tpu.dma_semaphore, #tpu.memory_space<semaphore_mem>>) src(%dma_wait3A_94 : memref<10000x64xf32, #tpu.memory_space<hbm>>) dst(%arg8 : memref<128x64xf32, #tpu.memory_space<vmem>>)
      "tpu.region"() ({
        %run_scoped3A = tpu.sem_alloc : memref<!tpu.dma_semaphore, #tpu.memory_space<semaphore_mem>>
        %dma_start3A_112 = arith.constant 0 : i32
        %dma_start3A_113 = tpu.memref_slice %arg7[%mul3A_81, %dma_start3A_112] : memref<40x128xi32, #tpu.memory_space<vmem>> -> memref<1x128xi32, #tpu.memory_space<vmem>>
        %dma_start3A_114 = tpu.memref_squeeze %dma_start3A_113 : memref<1x128xi32, #tpu.memory_space<vmem>> -> memref<128xi32, #tpu.memory_space<vmem>>
        %dma_start3A_115 = arith.constant 0 : i32
        %dma_start3A_116 = arith.constant 0 : i32
        %dma_start3A_117 = tpu.memref_slice %arg10[%dma_start3A_115, %dma_start3A_116] : memref<10240x64xf32, #tpu.memory_space<vmem_shared>> -> memref<10240x64xf32, #tpu.memory_space<vmem_shared>>
        tpu.enqueue_indirect_dma source(%arg8 : memref<128x64xf32, #tpu.memory_space<vmem>>) target(%dma_start3A_117 : memref<10240x64xf32, #tpu.memory_space<vmem_shared>>) offsets(%dma_start3A_114 : memref<128xi32, #tpu.memory_space<vmem>>) semaphore(%run_scoped3A : memref<!tpu.dma_semaphore, #tpu.memory_space<semaphore_mem>>) {add = true}
        %dma_wait3A_118 = arith.constant 0 : i32
        %dma_wait3A_119 = tpu.memref_slice %arg7[%mul3A_81, %dma_wait3A_118] : memref<40x128xi32, #tpu.memory_space<vmem>> -> memref<1x128xi32, #tpu.memory_space<vmem>>
        %dma_wait3A_120 = tpu.memref_squeeze %dma_wait3A_119 : memref<1x128xi32, #tpu.memory_space<vmem>> -> memref<128xi32, #tpu.memory_space<vmem>>
        %dma_wait3A_121 = arith.constant 0 : i32
        %dma_wait3A_122 = arith.constant 0 : i32
        %dma_wait3A_123 = tpu.memref_slice %arg10[%dma_wait3A_121, %dma_wait3A_122] : memref<10240x64xf32, #tpu.memory_space<vmem_shared>> -> memref<10240x64xf32, #tpu.memory_space<vmem_shared>>
        tpu.wait_indirect_dma semaphore(%run_scoped3A : memref<!tpu.dma_semaphore, #tpu.memory_space<semaphore_mem>>) src(%arg8 : memref<128x64xf32, #tpu.memory_space<vmem>>) dst(%dma_wait3A_123 : memref<10240x64xf32, #tpu.memory_space<vmem_shared>>)
        tpu.yield
      }) : () -> ()
      %add3A_95 = arith.constant 2 : i32
      %add3A_96 = arith.addi %mul3A_81, %add3A_95 : i32
      %lt3A_97 = arith.cmpi slt, %add3A_96, %select_n3A : i32
      %convert_element_type3A_98 = arith.extui %lt3A_97 : i1 to i32
      %cond3A_99 = arith.constant 0 : i32
      %cond3A_100 = arith.cmpi ne, %convert_element_type3A_98, %cond3A_99 : i32
      scf.if %cond3A_100 {
        %add3A_112 = arith.constant 2 : i32
        %add3A_113 = arith.addi %mul3A_81, %add3A_112 : i32
        %dma_start3A_114 = arith.constant 0 : i32
        %dma_start3A_115 = tpu.memref_slice %arg6[%add3A_113, %dma_start3A_114] : memref<40x128xi32, #tpu.memory_space<vmem>> -> memref<1x128xi32, #tpu.memory_space<vmem>>
        %dma_start3A_116 = tpu.memref_squeeze %dma_start3A_115 : memref<1x128xi32, #tpu.memory_space<vmem>> -> memref<128xi32, #tpu.memory_space<vmem>>
        %dma_start3A_117 = arith.constant 0 : i32
        %dma_start3A_118 = arith.constant 0 : i32
        %dma_start3A_119 = tpu.memref_slice %arg2[%dma_start3A_117, %dma_start3A_118] : memref<10000x64xf32, #tpu.memory_space<hbm>> -> memref<10000x64xf32, #tpu.memory_space<hbm>>
        tpu.enqueue_indirect_dma source(%dma_start3A_119 : memref<10000x64xf32, #tpu.memory_space<hbm>>) target(%arg8 : memref<128x64xf32, #tpu.memory_space<vmem>>) offsets(%dma_start3A_116 : memref<128xi32, #tpu.memory_space<vmem>>) semaphore(%arg11 : memref<!tpu.dma_semaphore, #tpu.memory_space<semaphore_mem>>)
      } else {
      }
      %add3A_101 = arith.constant 1 : i32
      %add3A_102 = arith.addi %mul3A_81, %add3A_101 : i32
      %dma_wait3A_103 = arith.constant 0 : i32
      %dma_wait3A_104 = tpu.memref_slice %arg6[%add3A_102, %dma_wait3A_103] : memref<40x128xi32, #tpu.memory_space<vmem>> -> memref<1x128xi32, #tpu.memory_space<vmem>>
      %dma_wait3A_105 = tpu.memref_squeeze %dma_wait3A_104 : memref<1x128xi32, #tpu.memory_space<vmem>> -> memref<128xi32, #tpu.memory_space<vmem>>
      %dma_wait3A_106 = arith.constant 0 : i32
      %dma_wait3A_107 = arith.constant 0 : i32
      %dma_wait3A_108 = tpu.memref_slice %arg2[%dma_wait3A_106, %dma_wait3A_107] : memref<10000x64xf32, #tpu.memory_space<hbm>> -> memref<10000x64xf32, #tpu.memory_space<hbm>>
      tpu.wait_indirect_dma semaphore(%arg12 : memref<!tpu.dma_semaphore, #tpu.memory_space<semaphore_mem>>) src(%dma_wait3A_108 : memref<10000x64xf32, #tpu.memory_space<hbm>>) dst(%arg9 : memref<128x64xf32, #tpu.memory_space<vmem>>)
      %add3A_109 = arith.constant 1 : i32
      %add3A_110 = arith.addi %mul3A_81, %add3A_109 : i32
      "tpu.region"() ({
        %run_scoped3A = tpu.sem_alloc : memref<!tpu.dma_semaphore, #tpu.memory_space<semaphore_mem>>
        %dma_start3A_112 = arith.constant 0 : i32
        %dma_start3A_113 = tpu.memref_slice %arg7[%add3A_110, %dma_start3A_112] : memref<40x128xi32, #tpu.memory_space<vmem>> -> memref<1x128xi32, #tpu.memory_space<vmem>>
        %dma_start3A_114 = tpu.memref_squeeze %dma_start3A_113 : memref<1x128xi32, #tpu.memory_space<vmem>> -> memref<128xi32, #tpu.memory_space<vmem>>
        %dma_start3A_115 = arith.constant 0 : i32
        %dma_start3A_116 = arith.constant 0 : i32
        %dma_start3A_117 = tpu.memref_slice %arg10[%dma_start3A_115, %dma_start3A_116] : memref<10240x64xf32, #tpu.memory_space<vmem_shared>> -> memref<10240x64xf32, #tpu.memory_space<vmem_shared>>
        tpu.enqueue_indirect_dma source(%arg9 : memref<128x64xf32, #tpu.memory_space<vmem>>) target(%dma_start3A_117 : memref<10240x64xf32, #tpu.memory_space<vmem_shared>>) offsets(%dma_start3A_114 : memref<128xi32, #tpu.memory_space<vmem>>) semaphore(%run_scoped3A : memref<!tpu.dma_semaphore, #tpu.memory_space<semaphore_mem>>) {add = true}
        %dma_wait3A_118 = arith.constant 0 : i32
        %dma_wait3A_119 = tpu.memref_slice %arg7[%add3A_110, %dma_wait3A_118] : memref<40x128xi32, #tpu.memory_space<vmem>> -> memref<1x128xi32, #tpu.memory_space<vmem>>
        %dma_wait3A_120 = tpu.memref_squeeze %dma_wait3A_119 : memref<1x128xi32, #tpu.memory_space<vmem>> -> memref<128xi32, #tpu.memory_space<vmem>>
        %dma_wait3A_121 = arith.constant 0 : i32
        %dma_wait3A_122 = arith.constant 0 : i32
        %dma_wait3A_123 = tpu.memref_slice %arg10[%dma_wait3A_121, %dma_wait3A_122] : memref<10240x64xf32, #tpu.memory_space<vmem_shared>> -> memref<10240x64xf32, #tpu.memory_space<vmem_shared>>
        tpu.wait_indirect_dma semaphore(%run_scoped3A : memref<!tpu.dma_semaphore, #tpu.memory_space<semaphore_mem>>) src(%arg9 : memref<128x64xf32, #tpu.memory_space<vmem>>) dst(%dma_wait3A_123 : memref<10240x64xf32, #tpu.memory_space<vmem_shared>>)
        tpu.yield
      }) : () -> ()
      %while3A_111 = arith.constant 0 : i32
      scf.yield %while3A_111 : i32
    }
    %barrier3A_73 = arith.constant 0 : index
    tpu.barrier barrier_id(%barrier3A_73)
    %mul3A_74 = arith.constant 640 : i32
    %mul3A_75 = arith.muli %arg1, %mul3A_74 : i32
    %mul3A_76 = arith.constant 640 : i32
    %mul3A_77 = arith.muli %arg1, %mul3A_76 : i32
    "tpu.region"() ({
      %run_scoped3A = tpu.sem_alloc : memref<!tpu.dma_semaphore, #tpu.memory_space<semaphore_mem>>
      %dma_start3A_78 = arith.constant 0 : i32
      %dma_start3A_79 = tpu.memref_slice %arg5[%arg0, %mul3A_77, %dma_start3A_78] : memref<2x10240x64xf32, #tpu.memory_space<hbm>> -> memref<1x640x64xf32, #tpu.memory_space<hbm>>
      %dma_start3A_80 = tpu.memref_squeeze %dma_start3A_79 : memref<1x640x64xf32, #tpu.memory_space<hbm>> -> memref<640x64xf32, #tpu.memory_space<hbm>>
      %dma_start3A_81 = arith.constant 0 : i32
      %dma_start3A_82 = tpu.memref_slice %arg10[%mul3A_75, %dma_start3A_81] : memref<10240x64xf32, #tpu.memory_space<vmem_shared>> -> memref<640x64xf32, #tpu.memory_space<vmem_shared>>
      tpu.enqueue_dma source(%dma_start3A_82 : memref<640x64xf32, #tpu.memory_space<vmem_shared>>) target(%dma_start3A_80 : memref<640x64xf32, #tpu.memory_space<hbm>>) target_semaphore(%run_scoped3A : memref<!tpu.dma_semaphore, #tpu.memory_space<semaphore_mem>>)
      %dma_wait3A = arith.constant 0 : i32
      %dma_wait3A_83 = tpu.memref_slice %arg5[%arg0, %mul3A_77, %dma_wait3A] : memref<2x10240x64xf32, #tpu.memory_space<hbm>> -> memref<1x640x64xf32, #tpu.memory_space<hbm>>
      %dma_wait3A_84 = tpu.memref_squeeze %dma_wait3A_83 : memref<1x640x64xf32, #tpu.memory_space<hbm>> -> memref<640x64xf32, #tpu.memory_space<hbm>>
      %dma_wait3A_85 = arith.constant 0 : i32
      %dma_wait3A_86 = tpu.memref_slice %arg10[%mul3A_75, %dma_wait3A_85] : memref<10240x64xf32, #tpu.memory_space<vmem_shared>> -> memref<640x64xf32, #tpu.memory_space<vmem_shared>>
      tpu.wait_dma2 semaphore(%run_scoped3A : memref<!tpu.dma_semaphore, #tpu.memory_space<semaphore_mem>>) src(%dma_wait3A_86 : memref<640x64xf32, #tpu.memory_space<vmem_shared>>) dst(%dma_wait3A_84 : memref<640x64xf32, #tpu.memory_space<hbm>>)
      tpu.yield
    }) : () -> ()
    return
  }
}

module attributes {stable_mosaic.version = 14 : i64} {
  func.func @_tc_mm1_body(%arg0: i32, %arg1: memref<2000x256xf32, #tpu.memory_space<vmem>>, %arg2: memref<256x64xf32, #tpu.memory_space<vmem>>, %arg3: memref<2000x64xf32, #tpu.memory_space<vmem>>) attributes {dimension_semantics = [#tpu.dimension_semantics<arbitrary>], iteration_bounds = array<i64: 5>, scalar_prefetch = 0 : i64, scratch_operands = 0 : i64, tpu.core_type = #tpu.core_type<tc>, window_params = [{transform_indices = @transform_0, window_bounds = array<i64: 2000, 256>}, {pipeline_mode = #tpu.pipeline_mode<synchronous>, transform_indices = @transform_1, window_bounds = array<i64: 256, 64>}, {transform_indices = @transform_2, window_bounds = array<i64: 2000, 64>}]} {
    %get3A = arith.constant 0 : index
    %get3A_0 = arith.constant 0 : index
    %get3A_1 = vector.load %arg1[%get3A, %get3A_0] : memref<2000x256xf32, #tpu.memory_space<vmem>>, vector<2000x256xf32>
    %get3A_2 = arith.constant 0 : index
    %get3A_3 = arith.constant 0 : index
    %get3A_4 = vector.load %arg2[%get3A_2, %get3A_3] : memref<256x64xf32, #tpu.memory_space<vmem>>, vector<256x64xf32>
    %dot_general3A = arith.constant dense<0.000000e+00> : vector<2000x64xf32>
    %dot_general3A_5 = tpu.matmul %get3A_1, %get3A_4, %dot_general3A {dimension_numbers = #tpu.dot_dimension_numbers<[1], [0], [0], [1], [0, 0, 1, 1], [], []>, transpose_lhs_hint = false} : vector<2000x256xf32>, vector<256x64xf32>, vector<2000x64xf32> -> vector<2000x64xf32>
    %swap3A = arith.constant 0 : index
    %swap3A_6 = arith.constant 0 : index
    %swap3A_7 = vector.load %arg3[%swap3A, %swap3A_6] : memref<2000x64xf32, #tpu.memory_space<vmem>>, vector<2000x64xf32>
    tpu.vector_store %arg3[%swap3A, %swap3A_6], %dot_general3A_5 {strides = array<i32>} : memref<2000x64xf32, #tpu.memory_space<vmem>>, vector<2000x64xf32>,
    return
  }
  func.func @transform_0(%arg0: i32) -> (i32, i32) {
    %c0_i32 = arith.constant 0 : i32
    %c0_i32_0 = arith.constant 0 : i32
    return %arg0, %c0_i32 : i32, i32
  }
  func.func @transform_1(%arg0: i32) -> (i32, i32) {
    %c0_i32 = arith.constant 0 : i32
    %c0_i32_0 = arith.constant 0 : i32
    %c0_i32_1 = arith.constant 0 : i32
    return %c0_i32, %c0_i32_0 : i32, i32
  }
  func.func @transform_2(%arg0: i32) -> (i32, i32) {
    %c0_i32 = arith.constant 0 : i32
    %c0_i32_0 = arith.constant 0 : i32
    return %arg0, %c0_i32 : i32, i32
  }
}

module attributes {stable_mosaic.version = 14 : i64} {
  func.func @_tc_scale_body(%arg0: i32, %arg1: memref<2000x64xf32, #tpu.memory_space<vmem>>, %arg2: memref<2x2000x16xf32, #tpu.memory_space<vmem>>, %arg3: memref<2000x64xf32, #tpu.memory_space<vmem>>) attributes {dimension_semantics = [#tpu.dimension_semantics<arbitrary>], iteration_bounds = array<i64: 5>, scalar_prefetch = 0 : i64, scratch_operands = 0 : i64, tpu.core_type = #tpu.core_type<tc>, window_params = [{transform_indices = @transform_0, window_bounds = array<i64: 2000, 64>}, {transform_indices = @transform_1, window_bounds = array<i64: 2, 2000, 16>}, {transform_indices = @transform_2, window_bounds = array<i64: 2000, 64>}]} {
    %get3A = arith.constant 0 : index
    %get3A_0 = arith.constant 0 : index
    %get3A_1 = vector.load %arg1[%get3A, %get3A_0] : memref<2000x64xf32, #tpu.memory_space<vmem>>, vector<2000x64xf32>
    %get3A_2 = arith.constant 0 : index
    %get3A_3 = arith.constant 0 : index
    %get3A_4 = arith.constant 0 : index
    %get3A_5 = vector.load %arg2[%get3A_2, %get3A_3, %get3A_4] : memref<2x2000x16xf32, #tpu.memory_space<vmem>>, vector<1x2000x1xf32>
    %get3A_6 = vector.shape_cast %get3A_5 : vector<1x2000x1xf32> to vector<2000x1xf32>
    %get3A_7 = arith.constant 1 : index
    %get3A_8 = arith.constant 0 : index
    %get3A_9 = arith.constant 0 : index
    %get3A_10 = vector.load %arg2[%get3A_7, %get3A_8, %get3A_9] : memref<2x2000x16xf32, #tpu.memory_space<vmem>>, vector<1x2000x1xf32>
    %get3A_11 = vector.shape_cast %get3A_10 : vector<1x2000x1xf32> to vector<2000x1xf32>
    %add3A = arith.addf %get3A_6, %get3A_11 : vector<2000x1xf32>
    %add3A_12 = arith.constant 1.000000e+00 : f32
    %add3A_13 = vector.broadcast %add3A_12 : f32 to vector<2000x1xf32>
    %add3A_14 = arith.addf %add3A, %add3A_13 : vector<2000x1xf32>
    %rsqrt3A = math.rsqrt %add3A_14 : vector<2000x1xf32>
    %mul3A = vector.broadcast %rsqrt3A : vector<2000x1xf32> to vector<2000x64xf32>
    %mul3A_15 = arith.mulf %get3A_1, %mul3A : vector<2000x64xf32>
    %swap3A = arith.constant 0 : index
    %swap3A_16 = arith.constant 0 : index
    %swap3A_17 = vector.load %arg3[%swap3A, %swap3A_16] : memref<2000x64xf32, #tpu.memory_space<vmem>>, vector<2000x64xf32>
    tpu.vector_store %arg3[%swap3A, %swap3A_16], %mul3A_15 {strides = array<i32>} : memref<2000x64xf32, #tpu.memory_space<vmem>>, vector<2000x64xf32>,
    return
  }
  func.func @transform_0(%arg0: i32) -> (i32, i32) {
    %c0_i32 = arith.constant 0 : i32
    %c0_i32_0 = arith.constant 0 : i32
    return %arg0, %c0_i32 : i32, i32
  }
  func.func @transform_1(%arg0: i32) -> (i32, i32, i32) {
    %c0_i32 = arith.constant 0 : i32
    %c0_i32_0 = arith.constant 0 : i32
    %c0_i32_1 = arith.constant 0 : i32
    return %c0_i32, %arg0, %c0_i32_0 : i32, i32, i32
  }
  func.func @transform_2(%arg0: i32) -> (i32, i32) {
    %c0_i32 = arith.constant 0 : i32
    %c0_i32_0 = arith.constant 0 : i32
    return %arg0, %c0_i32 : i32, i32
  }
}

module attributes {stable_mosaic.version = 14 : i64} {
  func.func @_tc_layer2_body(%arg0: i32, %arg1: memref<2000x64xf32, #tpu.memory_space<vmem>>, %arg2: memref<2x2000x64xf32, #tpu.memory_space<vmem>>, %arg3: memref<2x2000x16xf32, #tpu.memory_space<vmem>>, %arg4: memref<64x64xf32, #tpu.memory_space<vmem>>, %arg5: memref<1x64xf32, #tpu.memory_space<vmem>>, %arg6: memref<2000x64xf32, #tpu.memory_space<vmem>>) attributes {dimension_semantics = [#tpu.dimension_semantics<arbitrary>], iteration_bounds = array<i64: 5>, scalar_prefetch = 0 : i64, scratch_operands = 0 : i64, tpu.core_type = #tpu.core_type<tc>, window_params = [{transform_indices = @transform_0, window_bounds = array<i64: 2000, 64>}, {transform_indices = @transform_1, window_bounds = array<i64: 2, 2000, 64>}, {transform_indices = @transform_2, window_bounds = array<i64: 2, 2000, 16>}, {pipeline_mode = #tpu.pipeline_mode<synchronous>, transform_indices = @transform_3, window_bounds = array<i64: 64, 64>}, {pipeline_mode = #tpu.pipeline_mode<synchronous>, transform_indices = @transform_4, window_bounds = array<i64: 1, 64>}, {transform_indices = @transform_5, window_bounds = array<i64: 2000, 64>}]} {
    %get3A = arith.constant 0 : index
    %get3A_0 = arith.constant 0 : index
    %get3A_1 = arith.constant 0 : index
    %get3A_2 = vector.load %arg3[%get3A, %get3A_0, %get3A_1] : memref<2x2000x16xf32, #tpu.memory_space<vmem>>, vector<1x2000x1xf32>
    %get3A_3 = vector.shape_cast %get3A_2 : vector<1x2000x1xf32> to vector<2000x1xf32>
    %get3A_4 = arith.constant 1 : index
    %get3A_5 = arith.constant 0 : index
    %get3A_6 = arith.constant 0 : index
    %get3A_7 = vector.load %arg3[%get3A_4, %get3A_5, %get3A_6] : memref<2x2000x16xf32, #tpu.memory_space<vmem>>, vector<1x2000x1xf32>
    %get3A_8 = vector.shape_cast %get3A_7 : vector<1x2000x1xf32> to vector<2000x1xf32>
    %add3A = arith.addf %get3A_3, %get3A_8 : vector<2000x1xf32>
    %add3A_9 = arith.constant 1.000000e+00 : f32
    %add3A_10 = vector.broadcast %add3A_9 : f32 to vector<2000x1xf32>
    %add3A_11 = arith.addf %add3A, %add3A_10 : vector<2000x1xf32>
    %rsqrt3A = math.rsqrt %add3A_11 : vector<2000x1xf32>
    %mul3A = arith.mulf %rsqrt3A, %rsqrt3A : vector<2000x1xf32>
    %get3A_12 = arith.constant 0 : index
    %get3A_13 = arith.constant 0 : index
    %get3A_14 = arith.constant 0 : index
    %get3A_15 = vector.load %arg2[%get3A_12, %get3A_13, %get3A_14] : memref<2x2000x64xf32, #tpu.memory_space<vmem>>, vector<1x2000x64xf32>
    %get3A_16 = vector.shape_cast %get3A_15 : vector<1x2000x64xf32> to vector<2000x64xf32>
    %get3A_17 = arith.constant 1 : index
    %get3A_18 = arith.constant 0 : index
    %get3A_19 = arith.constant 0 : index
    %get3A_20 = vector.load %arg2[%get3A_17, %get3A_18, %get3A_19] : memref<2x2000x64xf32, #tpu.memory_space<vmem>>, vector<1x2000x64xf32>
    %get3A_21 = vector.shape_cast %get3A_20 : vector<1x2000x64xf32> to vector<2000x64xf32>
    %add3A_22 = arith.addf %get3A_16, %get3A_21 : vector<2000x64xf32>
    %mul3A_23 = vector.broadcast %mul3A : vector<2000x1xf32> to vector<2000x64xf32>
    %mul3A_24 = arith.mulf %mul3A_23, %add3A_22 : vector<2000x64xf32>
    %mul3A_25 = arith.mulf %mul3A, %rsqrt3A : vector<2000x1xf32>
    %get3A_26 = arith.constant 0 : index
    %get3A_27 = arith.constant 0 : index
    %get3A_28 = vector.load %arg1[%get3A_26, %get3A_27] : memref<2000x64xf32, #tpu.memory_space<vmem>>, vector<2000x64xf32>
    %mul3A_29 = vector.broadcast %mul3A_25 : vector<2000x1xf32> to vector<2000x64xf32>
    %mul3A_30 = arith.mulf %mul3A_29, %get3A_28 : vector<2000x64xf32>
    %add3A_31 = arith.addf %mul3A_24, %mul3A_30 : vector<2000x64xf32>
    %get3A_32 = arith.constant 0 : index
    %get3A_33 = arith.constant 0 : index
    %get3A_34 = vector.load %arg5[%get3A_32, %get3A_33] : memref<1x64xf32, #tpu.memory_space<vmem>>, vector<1x64xf32>
    %mul3A_35 = vector.broadcast %rsqrt3A : vector<2000x1xf32> to vector<2000x64xf32>
    %mul3A_36 = vector.broadcast %get3A_34 : vector<1x64xf32> to vector<2000x64xf32>
    %mul3A_37 = arith.mulf %mul3A_35, %mul3A_36 : vector<2000x64xf32>
    %add3A_38 = arith.addf %add3A_31, %mul3A_37 : vector<2000x64xf32>
    %max3A = arith.constant 0.000000e+00 : f32
    %max3A_39 = vector.broadcast %max3A : f32 to vector<2000x64xf32>
    %max3A_40 = arith.maximumf %add3A_38, %max3A_39 : vector<2000x64xf32>
    %get3A_41 = arith.constant 0 : index
    %get3A_42 = arith.constant 0 : index
    %get3A_43 = vector.load %arg4[%get3A_41, %get3A_42] : memref<64x64xf32, #tpu.memory_space<vmem>>, vector<64x64xf32>
    %dot_general3A = arith.constant dense<0.000000e+00> : vector<2000x64xf32>
    %dot_general3A_44 = tpu.matmul %max3A_40, %get3A_43, %dot_general3A {dimension_numbers = #tpu.dot_dimension_numbers<[1], [0], [0], [1], [0, 0, 1, 1], [], []>, transpose_lhs_hint = false} : vector<2000x64xf32>, vector<64x64xf32>, vector<2000x64xf32> -> vector<2000x64xf32>
    %swap3A = arith.constant 0 : index
    %swap3A_45 = arith.constant 0 : index
    %swap3A_46 = vector.load %arg6[%swap3A, %swap3A_45] : memref<2000x64xf32, #tpu.memory_space<vmem>>, vector<2000x64xf32>
    tpu.vector_store %arg6[%swap3A, %swap3A_45], %dot_general3A_44 {strides = array<i32>} : memref<2000x64xf32, #tpu.memory_space<vmem>>, vector<2000x64xf32>,
    return
  }
  func.func @transform_0(%arg0: i32) -> (i32, i32) {
    %c0_i32 = arith.constant 0 : i32
    %c0_i32_0 = arith.constant 0 : i32
    return %arg0, %c0_i32 : i32, i32
  }
  func.func @transform_1(%arg0: i32) -> (i32, i32, i32) {
    %c0_i32 = arith.constant 0 : i32
    %c0_i32_0 = arith.constant 0 : i32
    %c0_i32_1 = arith.constant 0 : i32
    return %c0_i32, %arg0, %c0_i32_0 : i32, i32, i32
  }
  func.func @transform_2(%arg0: i32) -> (i32, i32, i32) {
    %c0_i32 = arith.constant 0 : i32
    %c0_i32_0 = arith.constant 0 : i32
    %c0_i32_1 = arith.constant 0 : i32
    return %c0_i32, %arg0, %c0_i32_0 : i32, i32, i32
  }
  func.func @transform_3(%arg0: i32) -> (i32, i32) {
    %c0_i32 = arith.constant 0 : i32
    %c0_i32_0 = arith.constant 0 : i32
    %c0_i32_1 = arith.constant 0 : i32
    return %c0_i32, %c0_i32_0 : i32, i32
  }
  func.func @transform_4(%arg0: i32) -> (i32, i32) {
    %c0_i32 = arith.constant 0 : i32
    %c0_i32_0 = arith.constant 0 : i32
    %c0_i32_1 = arith.constant 0 : i32
    return %c0_i32, %c0_i32_0 : i32, i32
  }
  func.func @transform_5(%arg0: i32) -> (i32, i32) {
    %c0_i32 = arith.constant 0 : i32
    %c0_i32_0 = arith.constant 0 : i32
    return %arg0, %c0_i32 : i32, i32
  }
}

module attributes {stable_mosaic.version = 14 : i64} {
  func.func @_tc_final_body(%arg0: i32, %arg1: memref<2000x64xf32, #tpu.memory_space<vmem>>, %arg2: memref<2x2000x64xf32, #tpu.memory_space<vmem>>, %arg3: memref<2x2000x16xf32, #tpu.memory_space<vmem>>, %arg4: memref<1x64xf32, #tpu.memory_space<vmem>>, %arg5: memref<64x10xf32, #tpu.memory_space<vmem>>, %arg6: memref<1x10xf32, #tpu.memory_space<vmem>>, %arg7: memref<1x10xf32, #tpu.memory_space<vmem>>, %arg8: memref<1x64xf32, #tpu.memory_space<vmem>>) attributes {dimension_semantics = [#tpu.dimension_semantics<arbitrary>], iteration_bounds = array<i64: 5>, scalar_prefetch = 0 : i64, scratch_operands = 1 : i64, tpu.core_type = #tpu.core_type<tc>, window_params = [{transform_indices = @transform_0, window_bounds = array<i64: 2000, 64>}, {transform_indices = @transform_1, window_bounds = array<i64: 2, 2000, 64>}, {transform_indices = @transform_2, window_bounds = array<i64: 2, 2000, 16>}, {pipeline_mode = #tpu.pipeline_mode<synchronous>, transform_indices = @transform_3, window_bounds = array<i64: 1, 64>}, {pipeline_mode = #tpu.pipeline_mode<synchronous>, transform_indices = @transform_4, window_bounds = array<i64: 64, 10>}, {pipeline_mode = #tpu.pipeline_mode<synchronous>, transform_indices = @transform_5, window_bounds = array<i64: 1, 10>}, {pipeline_mode = #tpu.pipeline_mode<synchronous>, transform_indices = @transform_6, window_bounds = array<i64: 1, 10>}]} {
    %get3A = arith.constant 0 : index
    %get3A_0 = arith.constant 0 : index
    %get3A_1 = arith.constant 0 : index
    %get3A_2 = vector.load %arg3[%get3A, %get3A_0, %get3A_1] : memref<2x2000x16xf32, #tpu.memory_space<vmem>>, vector<1x2000x1xf32>
    %get3A_3 = vector.shape_cast %get3A_2 : vector<1x2000x1xf32> to vector<2000x1xf32>
    %get3A_4 = arith.constant 1 : index
    %get3A_5 = arith.constant 0 : index
    %get3A_6 = arith.constant 0 : index
    %get3A_7 = vector.load %arg3[%get3A_4, %get3A_5, %get3A_6] : memref<2x2000x16xf32, #tpu.memory_space<vmem>>, vector<1x2000x1xf32>
    %get3A_8 = vector.shape_cast %get3A_7 : vector<1x2000x1xf32> to vector<2000x1xf32>
    %add3A = arith.addf %get3A_3, %get3A_8 : vector<2000x1xf32>
    %add3A_9 = arith.constant 1.000000e+00 : f32
    %add3A_10 = vector.broadcast %add3A_9 : f32 to vector<2000x1xf32>
    %add3A_11 = arith.addf %add3A, %add3A_10 : vector<2000x1xf32>
    %rsqrt3A = math.rsqrt %add3A_11 : vector<2000x1xf32>
    %get3A_12 = arith.constant 0 : index
    %get3A_13 = arith.constant 0 : index
    %get3A_14 = arith.constant 0 : index
    %get3A_15 = vector.load %arg2[%get3A_12, %get3A_13, %get3A_14] : memref<2x2000x64xf32, #tpu.memory_space<vmem>>, vector<1x2000x64xf32>
    %get3A_16 = vector.shape_cast %get3A_15 : vector<1x2000x64xf32> to vector<2000x64xf32>
    %get3A_17 = arith.constant 1 : index
    %get3A_18 = arith.constant 0 : index
    %get3A_19 = arith.constant 0 : index
    %get3A_20 = vector.load %arg2[%get3A_17, %get3A_18, %get3A_19] : memref<2x2000x64xf32, #tpu.memory_space<vmem>>, vector<1x2000x64xf32>
    %get3A_21 = vector.shape_cast %get3A_20 : vector<1x2000x64xf32> to vector<2000x64xf32>
    %add3A_22 = arith.addf %get3A_16, %get3A_21 : vector<2000x64xf32>
    %get3A_23 = arith.constant 0 : index
    %get3A_24 = arith.constant 0 : index
    %get3A_25 = vector.load %arg1[%get3A_23, %get3A_24] : memref<2000x64xf32, #tpu.memory_space<vmem>>, vector<2000x64xf32>
    %add3A_26 = arith.addf %add3A_22, %get3A_25 : vector<2000x64xf32>
    %mul3A = vector.broadcast %rsqrt3A : vector<2000x1xf32> to vector<2000x64xf32>
    %mul3A_27 = arith.mulf %mul3A, %add3A_26 : vector<2000x64xf32>
    %get3A_28 = arith.constant 0 : index
    %get3A_29 = arith.constant 0 : index
    %get3A_30 = vector.load %arg4[%get3A_28, %get3A_29] : memref<1x64xf32, #tpu.memory_space<vmem>>, vector<1x64xf32>
    %add3A_31 = vector.broadcast %get3A_30 : vector<1x64xf32> to vector<2000x64xf32>
    %add3A_32 = arith.addf %mul3A_27, %add3A_31 : vector<2000x64xf32>
    %max3A = arith.constant 0.000000e+00 : f32
    %max3A_33 = vector.broadcast %max3A : f32 to vector<2000x64xf32>
    %max3A_34 = arith.maximumf %add3A_32, %max3A_33 : vector<2000x64xf32>
    %reduce_sum3A = arith.constant dense<0.000000e+00> : vector<64xf32>
    %reduce_sum3A_35 = vector.multi_reduction <add>, %max3A_34, %reduce_sum3A [0] : vector<2000x64xf32> to vector<64xf32>
    %broadcast_in_dim3A = vector.shape_cast %reduce_sum3A_35 : vector<64xf32> to vector<1x64xf32>
    %eq3A = arith.constant 0 : i32
    %eq3A_36 = arith.cmpi eq, %arg0, %eq3A : i32
    %convert_element_type3A = arith.extui %eq3A_36 : i1 to i32
    %cond3A = arith.constant 0 : i32
    %cond3A_37 = arith.cmpi ne, %convert_element_type3A, %cond3A : i32
    scf.if %cond3A_37 {
      %swap3A = arith.constant 0 : index
      %swap3A_47 = arith.constant 0 : index
      %swap3A_48 = vector.load %arg8[%swap3A, %swap3A_47] : memref<1x64xf32, #tpu.memory_space<vmem>>, vector<1x64xf32>
      tpu.vector_store %arg8[%swap3A, %swap3A_47], %broadcast_in_dim3A {strides = array<i32>} : memref<1x64xf32, #tpu.memory_space<vmem>>, vector<1x64xf32>,
    } else {
    }
    %gt3A = arith.constant 0 : i32
    %gt3A_38 = arith.cmpi sgt, %arg0, %gt3A : i32
    %convert_element_type3A_39 = arith.extui %gt3A_38 : i1 to i32
    %cond3A_40 = arith.constant 0 : i32
    %cond3A_41 = arith.cmpi ne, %convert_element_type3A_39, %cond3A_40 : i32
    scf.if %cond3A_41 {
      %get3A_47 = arith.constant 0 : index
      %get3A_48 = arith.constant 0 : index
      %get3A_49 = vector.load %arg8[%get3A_47, %get3A_48] : memref<1x64xf32, #tpu.memory_space<vmem>>, vector<1x64xf32>
      %add3A_50 = arith.addf %get3A_49, %broadcast_in_dim3A : vector<1x64xf32>
      %swap3A = arith.constant 0 : index
      %swap3A_51 = arith.constant 0 : index
      %swap3A_52 = vector.load %arg8[%swap3A, %swap3A_51] : memref<1x64xf32, #tpu.memory_space<vmem>>, vector<1x64xf32>
      tpu.vector_store %arg8[%swap3A, %swap3A_51], %add3A_50 {strides = array<i32>} : memref<1x64xf32, #tpu.memory_space<vmem>>, vector<1x64xf32>,
    } else {
    }
    %eq3A_42 = arith.constant 4 : i32
    %eq3A_43 = arith.cmpi eq, %arg0, %eq3A_42 : i32
    %convert_element_type3A_44 = arith.extui %eq3A_43 : i1 to i32
    %cond3A_45 = arith.constant 0 : i32
    %cond3A_46 = arith.cmpi ne, %convert_element_type3A_44, %cond3A_45 : i32
    scf.if %cond3A_46 {
      %get3A_47 = arith.constant 0 : index
      %get3A_48 = arith.constant 0 : index
      %get3A_49 = vector.load %arg8[%get3A_47, %get3A_48] : memref<1x64xf32, #tpu.memory_space<vmem>>, vector<1x64xf32>
      %mul3A_50 = arith.constant 9.99999974E-5 : f32
      %mul3A_51 = vector.broadcast %mul3A_50 : f32 to vector<1x64xf32>
      %mul3A_52 = arith.mulf %get3A_49, %mul3A_51 : vector<1x64xf32>
      %get3A_53 = arith.constant 0 : index
      %get3A_54 = arith.constant 0 : index
      %get3A_55 = vector.load %arg5[%get3A_53, %get3A_54] : memref<64x10xf32, #tpu.memory_space<vmem>>, vector<64x10xf32>
      %dot_general3A = arith.constant dense<0.000000e+00> : vector<1x10xf32>
      %dot_general3A_56 = tpu.matmul %mul3A_52, %get3A_55, %dot_general3A {dimension_numbers = #tpu.dot_dimension_numbers<[1], [0], [0], [1], [0, 0, 1, 1], [], []>, transpose_lhs_hint = false} : vector<1x64xf32>, vector<64x10xf32>, vector<1x10xf32> -> vector<1x10xf32>
      %get3A_57 = arith.constant 0 : index
      %get3A_58 = arith.constant 0 : index
      %get3A_59 = vector.load %arg6[%get3A_57, %get3A_58] : memref<1x10xf32, #tpu.memory_space<vmem>>, vector<1x10xf32>
      %add3A_60 = arith.addf %dot_general3A_56, %get3A_59 : vector<1x10xf32>
      %swap3A = arith.constant 0 : index
      %swap3A_61 = arith.constant 0 : index
      %swap3A_62 = vector.load %arg7[%swap3A, %swap3A_61] : memref<1x10xf32, #tpu.memory_space<vmem>>, vector<1x10xf32>
      tpu.vector_store %arg7[%swap3A, %swap3A_61], %add3A_60 {strides = array<i32>} : memref<1x10xf32, #tpu.memory_space<vmem>>, vector<1x10xf32>,
    } else {
    }
    return
  }
  func.func @transform_0(%arg0: i32) -> (i32, i32) {
    %c0_i32 = arith.constant 0 : i32
    %c0_i32_0 = arith.constant 0 : i32
    return %arg0, %c0_i32 : i32, i32
  }
  func.func @transform_1(%arg0: i32) -> (i32, i32, i32) {
    %c0_i32 = arith.constant 0 : i32
    %c0_i32_0 = arith.constant 0 : i32
    %c0_i32_1 = arith.constant 0 : i32
    return %c0_i32, %arg0, %c0_i32_0 : i32, i32, i32
  }
  func.func @transform_2(%arg0: i32) -> (i32, i32, i32) {
    %c0_i32 = arith.constant 0 : i32
    %c0_i32_0 = arith.constant 0 : i32
    %c0_i32_1 = arith.constant 0 : i32
    return %c0_i32, %arg0, %c0_i32_0 : i32, i32, i32
  }
  func.func @transform_3(%arg0: i32) -> (i32, i32) {
    %c0_i32 = arith.constant 0 : i32
    %c0_i32_0 = arith.constant 0 : i32
    %c0_i32_1 = arith.constant 0 : i32
    return %c0_i32, %c0_i32_0 : i32, i32
  }
  func.func @transform_4(%arg0: i32) -> (i32, i32) {
    %c0_i32 = arith.constant 0 : i32
    %c0_i32_0 = arith.constant 0 : i32
    %c0_i32_1 = arith.constant 0 : i32
    return %c0_i32, %c0_i32_0 : i32, i32
  }
  func.func @transform_5(%arg0: i32) -> (i32, i32) {
    %c0_i32 = arith.constant 0 : i32
    %c0_i32_0 = arith.constant 0 : i32
    %c0_i32_1 = arith.constant 0 : i32
    return %c0_i32, %c0_i32_0 : i32, i32
  }
  func.func @transform_6(%arg0: i32) -> (i32, i32) {
    %c0_i32 = arith.constant 0 : i32
    %c0_i32_0 = arith.constant 0 : i32
    %c0_i32_1 = arith.constant 0 : i32
    return %c0_i32, %c0_i32_0 : i32, i32
  }
}

</mosaic_0001>

<sc_bundles>
// kernel: kernel.12.cloned.1.call-start
scs
__scs_entry_jumppad:
0x0: {  	(pc) =	sbr.rel $0x88, $3  }
0x1: {  	(tag) =	ssettag $0x0;
	lr =	simm.s32 $0x1  }
0x2: {  	[smem:$0x3F99] =	sst lr;
	_ =	strace $0xD0000000  }
0x3: {  	_ = 	snop  }
0x4: {  	_ = 	snop  }
0x5: {  	_ = 	snop  }
0x6: {  	_ = 	snop  }
0x7: {  	_ = 	snop  }
__scs_overlays_trampoline_lowered:
0x8: {  	[smem:$0x3FA8] =	sst s0  }
0x9: {  	[smem:$0x3FA9] =	sst s1  }
0xa: {  	[smem:$0x3FAA] =	sst s2  }
0xb: {  	[smem:$0x3FAB] =	sst s3  }
0xc: {  	[smem:$0x3FAC] =	sst s4  }
0xd: {  	[smem:$0x3FAD] =	sst s5  }
0xe: {  	[smem:$0x3FAE] =	sst s6  }
0xf: {  	[smem:$0x3FAF] =	sst s7  }
0x10: {  	[smem:$0x3FB0] =	sst s8  }
0x11: {  	[smem:$0x3FB1] =	sst s9;
	s0 =	simm.s32 @!p0 $0x0  }
0x12: {  	s1 =	sld [smem:$0x3F97];
	s0 =	simm.s32 @p0 $0x1  }
0x13: {  	[smem:$0x3FB2] =	sst s0;
	s0 =	simm.s32 @!p1 $0x0  }
0x14: {  	s2 =	sld [smem:$0x3F96];
	s0 =	simm.s32 @p1 $0x1  }
0x15: {  	[smem:$0x3FB3] =	sst s0;
	s0 =	simm.s32 @!p2 $0x0  }
0x16: {  	s3 =	sld [smem:$0x3FDB];
	s0 =	simm.s32 @p2 $0x1  }
0x17: {  	s4 =	simm.s32 $0x1BF5;
	[smem:$0x3FB5] =	sst s0  }
0x18: {  	s0 =	sld [smem:$0x3F98];
	_ =	swait.ge [sflag:s4], $0x0  }
0x19: {  	s7 =	sld [smem:$0x3F99]  }
0x1a: {  	s8 =	sadd.s32 $0xFFFFE003, lr  }
0x1b: {  	s9 =	sadd.s32 $0xFFFFFEF7, lr;
	s5 =	simm.s32 $0xFFFFFFFF;
	p2 =	slt.u32 s8, $0xFFFFF086  }
0x1c: {  	p1 =	slt.u32 s9, $0xF7A;
	s5 =	simm.s32 @!p2 $0x0  }
0x1d: {  	s5 =	simm.s32 @p1 $0x1;
	p0 =	seq.s32 s7, s2  }
0x1e: {  	s7 =	smul.u32 @!p0 $0xF7A, s2;
	p2 =	seq.s32 @!p0 s5, $0x0  }
0x1f: {  	s9 =	smul.u32 $0xF7A, s1;
	s8 =	simm.s32 @!p0 $0x1BF5;
	p2 =	por !p2, p0  }
0x20: {  	[sflag:s8] =	ssyncset.s32 @!p0 $0xFFFFF086;
	s6 =	sadd.s32 @!p0 s3, s7;
	s7 =	simm.s32 @!p0 $0x108  }
0x21: {  	s3 =	sadd.s32 s3, s9;
	s6 =	sadd.s32 @!p0 $0x88, s6;
	s7 =	simm.s32 @p2 $0x1082  }
0x22: {  	[simem:s7], [sflag:s8] =	dma.local @!p0 [hbm:s6], $0xF7A  }
0x23: {  	s9 =	sor.u32 $0xD0000000, s2;
	s6 =	simm.s32 $0x108;
	_ =	swait.ge @!p0 [sflag:s8], $0x0  }
0x24: {  	s3 =	sadd.s32 $0x88, s3;
	s6 =	simm.s32 @!p1 $0x1082;
	[sflag:s4] =	ssyncset.s32 $0xFFFFF086  }
0x25: {  	[simem:s6], [sflag:s4] =	dma.local [hbm:s3], $0xF7A  }
0x26: {  	[smem:$0x3F99] =	sst s1;
	(tag) =	ssettag s2;
	_ =	strace s9  }
0x27: {  	s1 =	sld [smem:$0x3FA9]  }
0x28: {  	s2 =	sld [smem:$0x3FAA]  }
0x29: {  	s4 =	sld [smem:$0x3FAC]  }
0x2a: {  	p0 =	seq.s32 s5, $0x0;
	s5 =	sld [smem:$0x3FAD]  }
0x2b: {  	s6 =	sld [smem:$0x3FAE]  }
0x2c: {  	s7 =	sld [smem:$0x3FAF]  }
0x2d: {  	s3 =	simm.s32 $0x108;
	s8 =	sld [smem:$0x3FB0]  }
0x2e: {  	s3 =	simm.s32 @!p0 $0x1082;
	s9 =	sld [smem:$0x3FB1]  }
0x2f: {  	lr =	sadd.s32 s0, s3;
	s0 =	sld [smem:$0x3FA8]  }
0x30: {  	s3 =	sld [smem:$0x3FAB]  }
0x31: {  	[smem:$0x3FB4] =	sst s10  }
0x32: {  	s10 =	sld [smem:$0x3FB2];
	_ =	sdelay $0x3  }
0x33: {  	p0 =	seq.s32 s10, $0x1;
	s10 =	sld [smem:$0x3FB4];
	_ =	sdelay $0x3  }
0x34: {  	[smem:$0x3FB4] =	sst s10  }
0x35: {  	s10 =	sld [smem:$0x3FB3];
	_ =	sdelay $0x3  }
0x36: {  	p1 =	seq.s32 s10, $0x1;
	s10 =	sld [smem:$0x3FB4];
	_ =	sdelay $0x3  }
0x37: {  	[smem:$0x3FB4] =	sst s10  }
0x38: {  	s10 =	sld [smem:$0x3FB5]  }
0x39: {  	_ = 	snop;
	(pc) =	sbr.ind lr, $3  }
0x3a: {  	_ = 	snop  }
0x3b: {  	_ = 	snop  }
0x3c: {  	p2 =	seq.s32 s10, $0x1;
	s10 =	sld [smem:$0x3FB4]  }
0x3d: {  	_ =	shalt  }
0x3e: {  	_ =	shalt  }
0x3f: {  	_ =	shalt  }
0x40: {  	_ =	shalt  }
0x41: {  	_ =	shalt  }
0x42: {  	_ =	shalt  }
0x43: {  	_ =	shalt  }
0x44: {  	_ =	shalt  }
0x45: {  	_ =	shalt  }
0x46: {  	_ =	shalt  }
0x47: {  	_ =	shalt  }
0x48: {  	_ =	shalt  }
0x49: {  	_ =	shalt  }
0x4a: {  	_ =	shalt  }
0x4b: {  	_ =	shalt  }
0x4c: {  	_ =	shalt  }
0x4d: {  	_ =	shalt  }
0x4e: {  	_ =	shalt  }
0x4f: {  	_ =	shalt  }
0x50: {  	_ =	shalt  }
0x51: {  	_ =	shalt  }
0x52: {  	_ =	shalt  }
0x53: {  	_ =	shalt  }
0x54: {  	_ =	shalt  }
0x55: {  	_ =	shalt  }
0x56: {  	_ =	shalt  }
0x57: {  	_ =	shalt  }
0x58: {  	_ =	shalt  }
0x59: {  	_ =	shalt  }
0x5a: {  	_ =	shalt  }
0x5b: {  	_ =	shalt  }
0x5c: {  	_ =	shalt  }
0x5d: {  	_ =	shalt  }
0x5e: {  	_ =	shalt  }
0x5f: {  	_ =	shalt  }
0x60: {  	_ =	shalt  }
0x61: {  	_ =	shalt  }
0x62: {  	_ =	shalt  }
0x63: {  	_ =	shalt  }
0x64: {  	_ =	shalt  }
0x65: {  	_ =	shalt  }
0x66: {  	_ =	shalt  }
0x67: {  	_ =	shalt  }
0x68: {  	_ =	shalt  }
0x69: {  	_ =	shalt  }
0x6a: {  	_ =	shalt  }
0x6b: {  	_ =	shalt  }
0x6c: {  	_ =	shalt  }
0x6d: {  	_ =	shalt  }
0x6e: {  	_ =	shalt  }
0x6f: {  	_ =	shalt  }
0x70: {  	_ =	shalt  }
0x71: {  	_ =	shalt  }
0x72: {  	_ =	shalt  }
0x73: {  	_ =	shalt  }
0x74: {  	_ =	shalt  }
0x75: {  	_ =	shalt  }
0x76: {  	_ =	shalt  }
0x77: {  	_ =	shalt  }
0x78: {  	_ =	shalt  }
0x79: {  	_ =	shalt  }
0x7a: {  	_ =	shalt  }
0x7b: {  	_ =	shalt  }
0x7c: {  	_ =	shalt  }
0x7d: {  	_ =	shalt  }
0x7e: {  	_ =	shalt  }
0x7f: {  	_ =	shalt  }
0x80: {  	_ =	shalt  }
0x81: {  	_ =	shalt  }
0x82: {  	_ =	shalt  }
0x83: {  	_ =	shalt  }
0x84: {  	_ =	shalt  }
0x85: {  	_ =	shalt  }
0x86: {  	_ =	shalt  }
0x87: {  	_ =	shalt  }
.Lfunc_end0:
.L_simem_size_0:
called_computation.1_lowered:
.L_overlay_start_0:
0x88: {  	s2 =	sld [smem:$0x3FD9]  }
0x89: {  	s3 =	sld [smem:$0x3FFE];
	_ =	sdelay $0x1  }
0x8a: {  	s1 =	srdreg.scid  }
0x8b: {  	s0 =	sand.u32 $0x1, s1  }
0x8c: {  	s16 =	sshll.u32 s0, $0xA;
	s2 =	sadd.s32 s3, s2  }
0x8d: {  	s2 =	sadd.s32 s2, s16  }
0x8e: {  	[smem:$0x3FC0] =	sst s2  }
0x8f: {  	_ = 	snop  }
0x90: {  	(tm) =	ssettm $0x1  }
0x91: {  	s17 =	sld [smem:$0x3FFB];
	_ =	sdelay $0x3  }
0x92: {  	_ =	strace s17  }
0x93: {  	s2 =	sld [smem:$0x3FFC];
	_ =	sdelay $0x3  }
0x94: {  	_ =	strace s2  }
0x95: {  	s2 =	sld [smem:$0x3FFD];
	_ =	sdelay $0x3  }
0x96: {  	_ =	strace s2  }
0x97: {  	_ =	strace $0x8FFFFFFF  }
0x98: {  	s18 =	sld [smem:$0x3FDB];
	_ =	sdelay $0x1  }
0x99: {  	s19 =	simm.s32 $_scs_section_size  }
0x9a: {  	s4 =	simm.s32 $_size__tile_overlayer_lowered;
	s5 =	simm.s32 $_tile_overlayer_lowered  }
0x9b: {  	s22 =	simm.s32 $0x1BFF;
	s21 =	sshll.u32 s5, $0x1;
	s2 =	sadd.s32 s19, s18  }
0x9c: {  	s6 =	simm.s32 $0x0;
	s20 =	sshll.u32 s4, $0x1;
	s4 =	sadd.s32 s21, s2  }
0x9d: {  	[timem:s6], [sflag:s22] =	dma.local [hbm:s4], s20  }
0x9e: {  	_ =	swait.ge [sflag:s22], s20  }
0x9f: {  	s3 =	ssub.s32 $0x0, s20;
	[sflag:s22] =	ssyncset.done $0x0  }
0xa0: {  	[sflag:s22] =	ssyncadd.s32 s3;
	_ =	sdelay $0x1  }
0xa1: {  	s23 =	simm.s32 $0x1B8B  }
0xa2: {  	_ =	swait.ge [sflag:s23], $0x1  }
0xa3: {  	[sflag:s23] =	ssyncset.done $0x0  }
0xa4: {  	s25 =	simm.s32 $0x1B8E;
	s24 =	sld [smem:$0x3FFE];
	[sflag:s23] =	ssyncadd.s32 $0xFFFFFFFF  }
0xa5: {  	s26 =	simm.s32 $execute0_lowered;
	[smem:$0x3FD2] =	sst s25  }
0xa6: {  	s4 =	sshll.u32 s26, $0x1;
	_ =	strace $0x80000049;
	[dreg:$0x1] =	wrdreg $0xFFFFFFFF  }
0xa7: {  	s28 =	simm.s32 $_size_execute0_lowered;
	s2 =	sadd.s32 s2, s4;
	[dreg:$0x0] =	wrdreg $0x0  }
0xa8: {  	s4 =	sshll.u32 s28, $0x1;
	[dreg:$0x2] =	wrdreg s2  }
0xa9: {  	[dreg:$0x3] =	wrdreg s4  }
0xaa: {  	[dreg:$0x4] =	wrdreg $0xC0  }
0xab: {  	_ =	task [dreg:s6], $0x5FFFF  }
0xac: {  	[dreg:$0x1] =	wrdreg $0xFFFFFFFF  }
0xad: {  	[dreg:$0x0] =	wrdreg $0x60  }
0xae: {  	[dreg:$0x2] =	wrdreg s24  }
0xaf: {  	[dreg:$0x3] =	wrdreg $0x68000  }
0xb0: {  	[dreg:$0x4] =	wrdreg $0x9  }
0xb1: {  	_ =	task.clear_ibuf [dreg:s6], $0x5FFFF;
	_ =	strace $0x90000049  }
0xb2: {  	s29 =	simm.s32 $0x9;
	_ =	strace $0x8000004B  }
0xb3: {  	_ =	swait.ge [sflag:s29], $0x1  }
0xb4: {  	[sflag:s29] =	ssyncadd.s32 $0xFFFFFFFF  }
0xb5: {  	_ =	strace $0x9000004B  }
0xb6: {  	_ =	sfence  }
0xb7: {  	s30 =	sld [smem:$0x0];
	_ =	sdelay $0x2  }
0xb8: {  	s31 =	sshll.u32 s1, $0xD;
	s1 =	sshrl.u32 s1, $0x2  }
0xb9: {  	s3 =	sand.u32 $0x4000, s31;
	s1 =	sadd.s32 s1, s30  }
0xba: {  	s0 =	sor.u32 s3, s0;
	s1 =	sshll.u32 s1, $0x11  }
0xbb: {  	s0 =	sor.u32 s1, s0  }
0xbc: {  	s0 =	sadd.s32 $0x8F2B, s0  }
0xbd: {  	[sflag:s0] =	ssyncadd.remote.s32 $0x1  }
0xbe: {  	_ =	sfence.sel $0xFFFF  }
0xbf: {  	[dreg:$0x0] =	wrdreg $0xFFFFFFFF;
	(pc) =	sbr.abs _section_cstart, $3  }
0xc0: {  	[dreg:$0x1] =	wrdreg $0xFFFFFFFF  }
0xc1: {  	_ =	task.clear_ibuf [dreg:s6], $0x2FFFF;
	_ =	strace $0x9FFFFFFF  }
0xc2: {  	(tm) =	ssettm $0x7FFFFFFF  }
0xc3: {  	_ =	shalt  }
tec
execute0_lowered:
.L_overlay_start_1:
0x0: {  	(tag) =	ssettag $0x1  }
0x1: {  	s9 =	rddreg [dreg:$0x0]  }
0x2: {  	s2 =	rddreg [dreg:$0x1]  }
0x3: {  	s3 =	srdreg.scid;
	s1 =	stileid.u32;
	s20 =	simm.s32 $0x2800  }
0x4: {  	s21 =	simm.s32 $0x3;
	s22 =	simm.s32 $0x80;
	s23 =	simm.s32 $0x4800  }
0x5: {  	s24 =	simm.s32 $0x1;
	s25 =	simm.s32 $0x2;
	s10 =	smul.u32 $0xA000, s1  }
0x6: {  	s26 =	simm.s32 $0x0;
	s5 =	sand.u32 $0x1, s3;
	s12 =	smul.u32 $0x28000, s1  }
0x7: {  	s3 =	simm.s32 $0x0;
	s4 =	sshll.u32 s5, $0x4;
	s6 =	smul.u32 $0xA0000, s5  }
0x8: {  	[smem:$0x7FF] =	sst s3;
	s11 =	ssub.s32 $0x2, s5;
	s5 =	simm.s32 $0xA  }
0x9: {  	s7 =	sor.u32 s1, s4;
	_ =	strace $0x8000004A;
	s4 =	sadd.s32 $0x8D000, s9  }
0xa: {  	s30 =	sshrl.u32 s11, $0x1;
	s31 =	sshrl.u32 s12, $0x2;
	s8 =	smul.u32 $0x280, s7  }
0xb: {  	s6 =	sadd.s32 s10, s6;
	p0 =	seq.s32 s7, $0x1F;
	s17 =	ssub.s32 s11, s30  }
0xc: {  	s10 =	sadd.s32 s10, s2;
	s14 =	sadd.s32 s31, s2;
	s6 =	sshrl.u32 s6, $0x3  }
0xd: {  	s5 =	simm.s32 @!p0 $0x28;
	s11 =	sadd.s32 $0x2000, s14;
	s12 =	sadd.s32 $0x4000, s14  }
0xe: {  	s13 =	sadd.s32 $0x6000, s14;
	s14 =	sadd.s32 $0x8000, s14;
	s17 =	smax.u32 s17, $0x1  }
0xf: {  	s8 =	sadd.s32 s8, s9;
	s16 =	sadd.s32 s6, s9;
	s18 =	sshrl.u32 s5, $0x1  }
0x10: {  	s6 =	sadd.s32 $0x1E00, s8;
	s7 =	sadd.s32 $0x6E00, s8;
	s8 =	sadd.s32 $0x6B80, s9  }
0x11: {  	v0 =	vimm.f32 $0.0e+00;
	s9 =	sadd.s32 $0xBB80, s9;
	s16 =	sadd.s32 $0xA0A00, s16;
	s18 =	sadd.s32 $0xFFFFFFFF, s18  }
.LBB2_1:
0x12: {  	s28 =	simm.s32 @p0 $0x0;
	s29 =	simm.s32 @p0 $0x3  }
0x13: {  	[tilespmem:s28], [sflag:$0x3] =	stream.linear.gather @p0 [hbm4b:s8+s28], $0x500, $0x38;
	[tilespmem:$0x10800] =	vst v63  }
0x14: {  	_ =	swait.ge @p0 [sflag:s29], $0x500  }
0x15: {  	[sflag:s29] =	ssyncset.done @p0 $0x0  }
0x16: {  	s30 =	simm.s32 @p0 $0x1400;
	[sflag:s29] =	ssyncadd.s32 @p0 $0xFFFFFB00  }
0x17: {  	[tilespmem:s30], [sflag:$0x3] =	stream.linear.gather @p0 [hbm4b:s9+s28], $0x500, $0x38;
	[tilespmem:$0x10800] =	vst v63  }
0x18: {  	_ =	swait.ge @p0 [sflag:s29], $0x500  }
0x19: {  	[sflag:s29] =	ssyncset.done @p0 $0x0  }
0x1a: {  	s28 =	simm.s32 @!p0 $0x0;
	[sflag:s29] =	ssyncadd.s32 @p0 $0xFFFFFB00;
	s29 =	simm.s32 @!p0 $0x3  }
0x1b: {  	[tilespmem:s28], [sflag:$0x3] =	stream.linear.gather @!p0 [hbm4b:s6+s28], $0x1400, $0x38;
	[tilespmem:$0x10800] =	vst v63  }
0x1c: {  	_ =	swait.ge @!p0 [sflag:s29], $0x1400  }
0x1d: {  	[sflag:s29] =	ssyncset.done @!p0 $0x0  }
0x1e: {  	s30 =	simm.s32 @!p0 $0x1400;
	[sflag:s29] =	ssyncadd.s32 @!p0 $0xFFFFEC00  }
0x1f: {  	[tilespmem:s30], [sflag:$0x3] =	stream.linear.gather @!p0 [hbm4b:s7+s28], $0x1400, $0x38;
	[tilespmem:$0x10800] =	vst v63  }
0x20: {  	_ =	swait.ge @!p0 [sflag:s29], $0x1400  }
0x21: {  	[sflag:s29] =	ssyncset.done @!p0 $0x0  }
0x22: {  	s28 =	simm.s32 $0x0;
	[sflag:s29] =	ssyncadd.s32 @!p0 $0xFFFFEC00;
	s29 =	simm.s32 $0x100  }
.LBB2_2:
0x23: {  	p1 =	sne.s32 s29, $0x7F00;
	[tilespmem:s28+$0x2830] =	vst v0;
	s30 =	smov.u32 s29;
	s29 =	sadd.s32 $0x100, s29  }
.Ltmp0:
0x24: {  	[tilespmem:s28+$0x2820] =	vst v0;
	(pc) =	sbr.rel @p1 .LBB2_2-.Ltmp0, $3  }
0x25: {  	[tilespmem:s28+$0x2800] =	vst v0  }
0x26: {  	[tilespmem:s28+$0x2810] =	vst v0;
	_ =	sdelay $0x1  }
0x27: {  	s28 =	sshra.s32 s30, $0x2  }
0x28: {  	[tilespmem:s28+$0x2830] =	vst v0  }
0x29: {  	[tilespmem:s28+$0x2820] =	vst v0  }
0x2a: {  	[tilespmem:s28+$0x2800] =	vst v0  }
0x2b: {  	[tilespmem:s28+$0x2810] =	vst v0  }
0x2c: {  	[spmem:s10] =	stream.linear.scatter [tilespmem:s20], [sflag:$0x3], $0x2000, $0x38;
	[tilespmem:$0x10800] =	vst v63  }
0x2d: {  	_ =	swait.ge [sflag:s21], $0x2000  }
0x2e: {  	[sflag:s21] =	ssyncset.done $0x0  }
0x2f: {  	[sflag:s21] =	ssyncadd.s32 $0xFFFFE000  }
0x30: {  	[spmem:s11] =	stream.linear.scatter [tilespmem:s20], [sflag:$0x3], $0x2000, $0x38;
	[tilespmem:$0x10800] =	vst v63  }
0x31: {  	_ =	swait.ge [sflag:s21], $0x2000  }
0x32: {  	[sflag:s21] =	ssyncset.done $0x0  }
0x33: {  	[sflag:s21] =	ssyncadd.s32 $0xFFFFE000  }
0x34: {  	[spmem:s12] =	stream.linear.scatter [tilespmem:s20], [sflag:$0x3], $0x2000, $0x38;
	[tilespmem:$0x10800] =	vst v63  }
0x35: {  	_ =	swait.ge [sflag:s21], $0x2000  }
0x36: {  	[sflag:s21] =	ssyncset.done $0x0  }
0x37: {  	[sflag:s21] =	ssyncadd.s32 $0xFFFFE000  }
0x38: {  	[spmem:s13] =	stream.linear.scatter [tilespmem:s20], [sflag:$0x3], $0x2000, $0x38;
	[tilespmem:$0x10800] =	vst v63  }
0x39: {  	_ =	swait.ge [sflag:s21], $0x2000  }
0x3a: {  	s31 =	sadd.s32 $0xFFFFFFFF, s18;
	[sflag:s21] =	ssyncset.done $0x0  }
0x3b: {  	p2 =	sne.s32 s31, $0x0;
	[sflag:s21] =	ssyncadd.s32 $0xFFFFE000  }
0x3c: {  	[spmem:s14] =	stream.linear.scatter [tilespmem:s20], [sflag:$0x3], $0x2000, $0x38;
	[tilespmem:$0x10800] =	vst v63  }
.Ltmp1:
0x3d: {  	_ =	swait.ge [sflag:s21], $0x2000;
	(pc) =	sbr.rel @!p2 .LBB2_7-.Ltmp1, $4  }
0x3e: {  	[sflag:s21] =	ssyncset.done $0x0  }
0x3f: {  	s29 =	simm.s32 $0x100;
	s30 =	simm.s32 $0x2;
	[sflag:s21] =	ssyncadd.s32 $0xFFFFE000  }
0x40: {  	s28 =	simm.s32 $0x1480;
	p1 =	por $0x0, $0x0;
	[bflag:$0x0] =	sbarrier.arrive $0xFFFF  }
0x41: {  	[tilespmem:s20], [sflag:$0x1] =	stream.indirect.gather [hbm4b:s4+s22], $0x40, s3, s22, $0xb8;
	[tilespmem:$0x10800] =	vst v63  }
0x42: {  	s30 =	simm.s32 $0x80  }
0x43: {  	[tilespmem:s23], [sflag:$0x2] =	stream.indirect.gather [hbm4b:s4+s22], $0x40, s30, s22, $0xb8;
	[tilespmem:$0x10800] =	vst v63  }
0x44: {  	_ =	swait.ge [sflag:s24], $0x2000  }
0x45: {  	[sflag:s24] =	ssyncset.done $0x0  }
0x46: {  	s30 =	simm.s32 $0x1400;
	[sflag:s24] =	ssyncadd.s32 $0xFFFFE000  }
0x47: {  	[spmem:s2] =	stream.indirect.scatter.add.f32 [tilespmem:s20], [sflag:$0x3], $0x40, s30, s22, $0xb8;
	[tilespmem:$0x10800] =	vst v63  }
0x48: {  	_ =	swait.ge [sflag:s21], $0x2000  }
0x49: {  	p1 =	sle.u32 s5, $0x2;
	s31 =	sadd.s32 $0xFFFFFFFF, s31;
	[sflag:s21] =	ssyncset.done $0x0  }
0x4a: {  	s0 =	simm.s32 @!p1 $0x2800;
	s30 =	simm.s32 @!p1 $0x80;
	[sflag:s21] =	ssyncadd.s32 $0xFFFFE000  }
0x4b: {  	[tilespmem:s0], [sflag:$0x1] =	stream.indirect.gather @!p1 [hbm4b:s4+s30], $0x40, s29, s30, $0xb8;
	[tilespmem:$0x10800] =	vst v63  }
0x4c: {  	p2 =	sne.s32 s31, $0x0;
	_ =	swait.ge [sflag:s25], $0x2000  }
.Ltmp2:
0x4d: {  	[sflag:s25] =	ssyncset.done $0x0;
	(pc) =	sbr.rel @!p2 .LBB2_7-.Ltmp2, $4  }
0x4e: {  	[sflag:s25] =	ssyncadd.s32 $0xFFFFE000  }
0x4f: {  	[spmem:s2] =	stream.indirect.scatter.add.f32 [tilespmem:s23], [sflag:$0x3], $0x40, s28, s22, $0xb8;
	[tilespmem:$0x10800] =	vst v63  }
0x50: {  	s29 =	simm.s32 $0x200;
	s30 =	simm.s32 $0x4;
	_ =	swait.ge [sflag:s21], $0x2000  }
0x51: {  	p1 =	por $0x1, $0x1;
	s28 =	simm.s32 $0x1580;
	[sflag:s21] =	ssyncset.done $0x0  }
.LBB2_5:
0x52: {  	s31 =	sadd.s32 $0xFFFFFFFF, s31;
	s0 =	sadd.s32 $0xFFFFFF80, s29;
	[sflag:s21] =	ssyncadd.s32 $0xFFFFE000  }
0x53: {  	[tilespmem:s23], [sflag:$0x2] =	stream.indirect.gather [hbm4b:s4+s22], $0x40, s0, s22, $0xb8;
	[tilespmem:$0x10800] =	vst v63  }
0x54: {  	p2 =	sne.s32 s31, $0x0;
	_ =	swait.ge [sflag:s24], $0x2000  }
0x55: {  	[sflag:s24] =	ssyncset.done $0x0  }
0x56: {  	s0 =	sadd.s32 $0xFFFFFF80, s28;
	[sflag:s24] =	ssyncadd.s32 $0xFFFFE000  }
0x57: {  	[spmem:s2] =	stream.indirect.scatter.add.f32 [tilespmem:s20], [sflag:$0x3], $0x40, s0, s22, $0xb8;
	[tilespmem:$0x10800] =	vst v63  }
0x58: {  	_ =	swait.ge [sflag:s21], $0x2000  }
0x59: {  	p3 =	sge.u32 s30, s5;
	[sflag:s21] =	ssyncset.done $0x0  }
0x5a: {  	s15 =	simm.s32 @!p3 $0x2800;
	s0 =	simm.s32 @!p3 $0x80;
	[sflag:s21] =	ssyncadd.s32 $0xFFFFE000  }
0x5b: {  	[tilespmem:s15], [sflag:$0x1] =	stream.indirect.gather @!p3 [hbm4b:s4+s0], $0x40, s29, s0, $0xb8;
	[tilespmem:$0x10800] =	vst v63  }
0x5c: {  	_ =	swait.ge [sflag:s25], $0x2000  }
.Ltmp3:
0x5d: {  	[sflag:s25] =	ssyncset.done $0x0;
	(pc) =	sbr.rel @p2 .LBB2_5-.Ltmp3, $4  }
0x5e: {  	s19 =	sadd.s32 $0x100, s29;
	[sflag:s25] =	ssyncadd.s32 $0xFFFFE000  }
0x5f: {  	[spmem:s2] =	stream.indirect.scatter.add.f32 [tilespmem:s23], [sflag:$0x3], $0x40, s28, s22, $0xb8;
	[tilespmem:$0x10800] =	vst v63  }
0x60: {  	s30 =	sadd.s32 $0x2, s30;
	s15 =	sadd.s32 $0x100, s28;
	_ =	swait.ge [sflag:s21], $0x2000  }
0x61: {  	s29 =	smov.u32 s19;
	s28 =	smov.u32 s15;
	[sflag:s21] =	ssyncset.done $0x0  }
0x62: {  	s29 =	smov.u32 s19;
	s28 =	smov.u32 s15  }
.LBB2_7:
0x63: {  	s0 =	sadd.s32 $0xFFFFFF80, s29;
	[sflag:s21] =	ssyncadd.s32 @p1 $0xFFFFE000  }
0x64: {  	[tilespmem:s23], [sflag:$0x2] =	stream.indirect.gather [hbm4b:s4+s22], $0x40, s0, s22, $0xb8;
	[tilespmem:$0x10800] =	vst v63  }
0x65: {  	_ =	swait.ge [sflag:s24], $0x2000  }
0x66: {  	[sflag:s24] =	ssyncset.done $0x0  }
0x67: {  	s31 =	sadd.s32 $0xFFFFFF80, s28;
	[sflag:s24] =	ssyncadd.s32 $0xFFFFE000  }
0x68: {  	[spmem:s2] =	stream.indirect.scatter.add.f32 [tilespmem:s20], [sflag:$0x3], $0x40, s31, s22, $0xb8;
	[tilespmem:$0x10800] =	vst v63  }
0x69: {  	_ =	swait.ge [sflag:s21], $0x2000  }
0x6a: {  	p1 =	sge.u32 s30, s5;
	[sflag:s21] =	ssyncset.done $0x0  }
0x6b: {  	s0 =	simm.s32 @!p1 $0x80;
	s31 =	simm.s32 @!p1 $0x2800;
	[sflag:s21] =	ssyncadd.s32 $0xFFFFE000  }
0x6c: {  	[tilespmem:s31], [sflag:$0x1] =	stream.indirect.gather @!p1 [hbm4b:s4+s0], $0x40, s29, s0, $0xb8;
	[tilespmem:$0x10800] =	vst v63  }
0x6d: {  	_ =	swait.ge [sflag:s25], $0x2000  }
0x6e: {  	[sflag:s25] =	ssyncset.done $0x0  }
0x6f: {  	[sflag:s25] =	ssyncadd.s32 $0xFFFFE000  }
0x70: {  	[spmem:s2] =	stream.indirect.scatter.add.f32 [tilespmem:s23], [sflag:$0x3], $0x40, s28, s22, $0xb8;
	[tilespmem:$0x10800] =	vst v63  }
0x71: {  	_ =	swait.ge [sflag:s21], $0x2000  }
0x72: {  	[sflag:s21] =	ssyncset.done $0x0  }
0x73: {  	s31 =	sadd.s32 $0x80, s19;
	[sflag:s21] =	ssyncadd.s32 $0xFFFFE000  }
0x74: {  	[tilespmem:s23], [sflag:$0x2] =	stream.indirect.gather [hbm4b:s4+s22], $0x40, s31, s22, $0xb8;
	[tilespmem:$0x10800] =	vst v63  }
0x75: {  	_ =	swait.ge [sflag:s24], $0x2000  }
0x76: {  	[sflag:s24] =	ssyncset.done $0x0  }
0x77: {  	s31 =	sadd.s32 $0x80, s15;
	[sflag:s24] =	ssyncadd.s32 $0xFFFFE000  }
0x78: {  	[spmem:s2] =	stream.indirect.scatter.add.f32 [tilespmem:s20], [sflag:$0x3], $0x40, s31, s22, $0xb8;
	[tilespmem:$0x10800] =	vst v63  }
0x79: {  	s31 =	sadd.s32 $0x2, s30;
	_ =	swait.ge [sflag:s21], $0x2000  }
0x7a: {  	s29 =	sadd.s32 $0x100, s29;
	p1 =	sge.u32 s31, s5;
	[sflag:s21] =	ssyncset.done $0x0  }
0x7b: {  	s0 =	simm.s32 @!p1 $0x80;
	s30 =	simm.s32 @!p1 $0x2800;
	[sflag:s21] =	ssyncadd.s32 $0xFFFFE000  }
0x7c: {  	[tilespmem:s30], [sflag:$0x1] =	stream.indirect.gather @!p1 [hbm4b:s4+s0], $0x40, s29, s0, $0xb8;
	[tilespmem:$0x10800] =	vst v63  }
0x7d: {  	_ =	swait.ge [sflag:s25], $0x2000  }
0x7e: {  	[sflag:s25] =	ssyncset.done $0x0  }
0x7f: {  	s29 =	sadd.s32 $0x100, s28;
	[sflag:s25] =	ssyncadd.s32 $0xFFFFE000  }
0x80: {  	[spmem:s2] =	stream.indirect.scatter.add.f32 [tilespmem:s23], [sflag:$0x3], $0x40, s29, s22, $0xb8;
	[tilespmem:$0x10800] =	vst v63  }
0x81: {  	_ =	swait.ge [sflag:s21], $0x2000  }
0x82: {  	s26 =	sadd.s32 $0x1, s26;
	s31 =	sshrl.u32 s10, $0x3;
	[sflag:s21] =	ssyncset.done $0x0  }
0x83: {  	s30 =	sshll.u32 s1, $0x6;
	p1 =	sne.s32 s26, s17;
	[sflag:s21] =	ssyncadd.s32 $0xFFFFE000  }
.Ltmp4:
0x84: {  	s0 =	sor.u32 $0x1C03, s30;
	[bflag:$0x0] =	sbarrier.arrive $0xFFFF;
	(pc) =	sbr.rel @p1 .LBB2_1-.Ltmp4, $4  }
0x85: {  	[hbm:s16], [sflag:s0] =	dma.local [spmem:s31], $0x1400  }
0x86: {  	_ =	swait.ge [sflag:s21], $0x1400  }
0x87: {  	[sflag:s21] =	ssyncset.done $0x0  }
0x88: {  	[sflag:s21] =	ssyncadd.s32 $0xFFFFEC00  }
0x89: {  	_ =	sfence.sel $0x180000  }
0x8a: {  	[bflag:$0x0] =	sbarrier.arrive $0xFFFF  }
0x8b: {  	_ =	strace $0x9000004A  }
0x8c: {  	[bflag:$0x2] =	sbarrier.arrive $0xFFFF  }
0x8d: {  	p0 =	sne.s32 s1, $0x0;
	s0 =	rddreg [dreg:$0x2]  }
0x8e: {  	s0 =	sadd.s32 @!p0 $0x100000, s0  }
0x8f: {  	[sflag:s0] =	ssyncadd.tile.s32 @!p0 $0x1;
	_ =	shalt  }
.Lfunc_end2:
_tile_overlayer_lowered:
.L_overlay_start_2:
0x90: {  	(tag) =	ssettag $0x2  }
0x91: {  	s0 =	rddreg [dreg:$0x0];
	s2 =	stileid.u32  }
0x92: {  	s1 =	rddreg [dreg:$0x1];
	p0 =	sne.s32 s2, $0x0  }
0x93: {  	s3 =	rddreg [dreg:$0x2];
	[bflag:$0x3] =	sbarrier.arrive $0xFFFF;
	s2 =	simm.s32 @!p0 $0x1C03  }
0x94: {  	[timem:s3], [sflag:s2] =	dma.local @!p0 [hbm:s0], s1  }
0x95: {  	s0 =	simm.s32 @!p0 $0x3  }
0x96: {  	_ =	swait.ge @!p0 [sflag:s0], s1  }
0x97: {  	s1 =	ssub.s32 @!p0 $0x0, s1;
	[sflag:s0] =	ssyncset.done @!p0 $0x0  }
0x98: {  	[sflag:s0] =	ssyncadd.s32 @!p0 s1  }
0x99: {  	[bflag:$0x3] =	sbarrier.arrive $0xFFFF  }
0x9a: {  	_ =	shalt  }

// kernel: kernel.15.cloned.1.call-start
scs
__scs_entry_jumppad:
0x0: {  	(pc) =	sbr.rel $0x88, $3  }
0x1: {  	(tag) =	ssettag $0x0;
	lr =	simm.s32 $0x1  }
0x2: {  	[smem:$0x3F99] =	sst lr;
	_ =	strace $0xD0000000  }
0x3: {  	_ = 	snop  }
0x4: {  	_ = 	snop  }
0x5: {  	_ = 	snop  }
0x6: {  	_ = 	snop  }
0x7: {  	_ = 	snop  }
__scs_overlays_trampoline_lowered:
0x8: {  	[smem:$0x3FA8] =	sst s0  }
0x9: {  	[smem:$0x3FA9] =	sst s1  }
0xa: {  	[smem:$0x3FAA] =	sst s2  }
0xb: {  	[smem:$0x3FAB] =	sst s3  }
0xc: {  	[smem:$0x3FAC] =	sst s4  }
0xd: {  	[smem:$0x3FAD] =	sst s5  }
0xe: {  	[smem:$0x3FAE] =	sst s6  }
0xf: {  	[smem:$0x3FAF] =	sst s7  }
0x10: {  	[smem:$0x3FB0] =	sst s8  }
0x11: {  	[smem:$0x3FB1] =	sst s9;
	s0 =	simm.s32 @!p0 $0x0  }
0x12: {  	s1 =	sld [smem:$0x3F97];
	s0 =	simm.s32 @p0 $0x1  }
0x13: {  	[smem:$0x3FB2] =	sst s0;
	s0 =	simm.s32 @!p1 $0x0  }
0x14: {  	s2 =	sld [smem:$0x3F96];
	s0 =	simm.s32 @p1 $0x1  }
0x15: {  	[smem:$0x3FB3] =	sst s0;
	s0 =	simm.s32 @!p2 $0x0  }
0x16: {  	s3 =	sld [smem:$0x3FDB];
	s0 =	simm.s32 @p2 $0x1  }
0x17: {  	s4 =	simm.s32 $0x1BF5;
	[smem:$0x3FB5] =	sst s0  }
0x18: {  	s0 =	sld [smem:$0x3F98];
	_ =	swait.ge [sflag:s4], $0x0  }
0x19: {  	s7 =	sld [smem:$0x3F99]  }
0x1a: {  	s8 =	sadd.s32 $0xFFFFE003, lr  }
0x1b: {  	s9 =	sadd.s32 $0xFFFFFEF7, lr;
	s5 =	simm.s32 $0xFFFFFFFF;
	p2 =	slt.u32 s8, $0xFFFFF086  }
0x1c: {  	p1 =	slt.u32 s9, $0xF7A;
	s5 =	simm.s32 @!p2 $0x0  }
0x1d: {  	s5 =	simm.s32 @p1 $0x1;
	p0 =	seq.s32 s7, s2  }
0x1e: {  	s7 =	smul.u32 @!p0 $0xF7A, s2;
	p2 =	seq.s32 @!p0 s5, $0x0  }
0x1f: {  	s9 =	smul.u32 $0xF7A, s1;
	s8 =	simm.s32 @!p0 $0x1BF5;
	p2 =	por !p2, p0  }
0x20: {  	[sflag:s8] =	ssyncset.s32 @!p0 $0xFFFFF086;
	s6 =	sadd.s32 @!p0 s3, s7;
	s7 =	simm.s32 @!p0 $0x108  }
0x21: {  	s3 =	sadd.s32 s3, s9;
	s6 =	sadd.s32 @!p0 $0x88, s6;
	s7 =	simm.s32 @p2 $0x1082  }
0x22: {  	[simem:s7], [sflag:s8] =	dma.local @!p0 [hbm:s6], $0xF7A  }
0x23: {  	s9 =	sor.u32 $0xD0000000, s2;
	s6 =	simm.s32 $0x108;
	_ =	swait.ge @!p0 [sflag:s8], $0x0  }
0x24: {  	s3 =	sadd.s32 $0x88, s3;
	s6 =	simm.s32 @!p1 $0x1082;
	[sflag:s4] =	ssyncset.s32 $0xFFFFF086  }
0x25: {  	[simem:s6], [sflag:s4] =	dma.local [hbm:s3], $0xF7A  }
0x26: {  	[smem:$0x3F99] =	sst s1;
	(tag) =	ssettag s2;
	_ =	strace s9  }
0x27: {  	s1 =	sld [smem:$0x3FA9]  }
0x28: {  	s2 =	sld [smem:$0x3FAA]  }
0x29: {  	s4 =	sld [smem:$0x3FAC]  }
0x2a: {  	p0 =	seq.s32 s5, $0x0;
	s5 =	sld [smem:$0x3FAD]  }
0x2b: {  	s6 =	sld [smem:$0x3FAE]  }
0x2c: {  	s7 =	sld [smem:$0x3FAF]  }
0x2d: {  	s3 =	simm.s32 $0x108;
	s8 =	sld [smem:$0x3FB0]  }
0x2e: {  	s3 =	simm.s32 @!p0 $0x1082;
	s9 =	sld [smem:$0x3FB1]  }
0x2f: {  	lr =	sadd.s32 s0, s3;
	s0 =	sld [smem:$0x3FA8]  }
0x30: {  	s3 =	sld [smem:$0x3FAB]  }
0x31: {  	[smem:$0x3FB4] =	sst s10  }
0x32: {  	s10 =	sld [smem:$0x3FB2];
	_ =	sdelay $0x3  }
0x33: {  	p0 =	seq.s32 s10, $0x1;
	s10 =	sld [smem:$0x3FB4];
	_ =	sdelay $0x3  }
0x34: {  	[smem:$0x3FB4] =	sst s10  }
0x35: {  	s10 =	sld [smem:$0x3FB3];
	_ =	sdelay $0x3  }
0x36: {  	p1 =	seq.s32 s10, $0x1;
	s10 =	sld [smem:$0x3FB4];
	_ =	sdelay $0x3  }
0x37: {  	[smem:$0x3FB4] =	sst s10  }
0x38: {  	s10 =	sld [smem:$0x3FB5]  }
0x39: {  	_ = 	snop;
	(pc) =	sbr.ind lr, $3  }
0x3a: {  	_ = 	snop  }
0x3b: {  	_ = 	snop  }
0x3c: {  	p2 =	seq.s32 s10, $0x1;
	s10 =	sld [smem:$0x3FB4]  }
0x3d: {  	_ =	shalt  }
0x3e: {  	_ =	shalt  }
0x3f: {  	_ =	shalt  }
0x40: {  	_ =	shalt  }
0x41: {  	_ =	shalt  }
0x42: {  	_ =	shalt  }
0x43: {  	_ =	shalt  }
0x44: {  	_ =	shalt  }
0x45: {  	_ =	shalt  }
0x46: {  	_ =	shalt  }
0x47: {  	_ =	shalt  }
0x48: {  	_ =	shalt  }
0x49: {  	_ =	shalt  }
0x4a: {  	_ =	shalt  }
0x4b: {  	_ =	shalt  }
0x4c: {  	_ =	shalt  }
0x4d: {  	_ =	shalt  }
0x4e: {  	_ =	shalt  }
0x4f: {  	_ =	shalt  }
0x50: {  	_ =	shalt  }
0x51: {  	_ =	shalt  }
0x52: {  	_ =	shalt  }
0x53: {  	_ =	shalt  }
0x54: {  	_ =	shalt  }
0x55: {  	_ =	shalt  }
0x56: {  	_ =	shalt  }
0x57: {  	_ =	shalt  }
0x58: {  	_ =	shalt  }
0x59: {  	_ =	shalt  }
0x5a: {  	_ =	shalt  }
0x5b: {  	_ =	shalt  }
0x5c: {  	_ =	shalt  }
0x5d: {  	_ =	shalt  }
0x5e: {  	_ =	shalt  }
0x5f: {  	_ =	shalt  }
0x60: {  	_ =	shalt  }
0x61: {  	_ =	shalt  }
0x62: {  	_ =	shalt  }
0x63: {  	_ =	shalt  }
0x64: {  	_ =	shalt  }
0x65: {  	_ =	shalt  }
0x66: {  	_ =	shalt  }
0x67: {  	_ =	shalt  }
0x68: {  	_ =	shalt  }
0x69: {  	_ =	shalt  }
0x6a: {  	_ =	shalt  }
0x6b: {  	_ =	shalt  }
0x6c: {  	_ =	shalt  }
0x6d: {  	_ =	shalt  }
0x6e: {  	_ =	shalt  }
0x6f: {  	_ =	shalt  }
0x70: {  	_ =	shalt  }
0x71: {  	_ =	shalt  }
0x72: {  	_ =	shalt  }
0x73: {  	_ =	shalt  }
0x74: {  	_ =	shalt  }
0x75: {  	_ =	shalt  }
0x76: {  	_ =	shalt  }
0x77: {  	_ =	shalt  }
0x78: {  	_ =	shalt  }
0x79: {  	_ =	shalt  }
0x7a: {  	_ =	shalt  }
0x7b: {  	_ =	shalt  }
0x7c: {  	_ =	shalt  }
0x7d: {  	_ =	shalt  }
0x7e: {  	_ =	shalt  }
0x7f: {  	_ =	shalt  }
0x80: {  	_ =	shalt  }
0x81: {  	_ =	shalt  }
0x82: {  	_ =	shalt  }
0x83: {  	_ =	shalt  }
0x84: {  	_ =	shalt  }
0x85: {  	_ =	shalt  }
0x86: {  	_ =	shalt  }
0x87: {  	_ =	shalt  }
.Lfunc_end0:
.L_simem_size_0:
called_computation.2_lowered:
.L_overlay_start_0:
0x88: {  	s2 =	sld [smem:$0x3FD9]  }
0x89: {  	s3 =	sld [smem:$0x3FFE];
	_ =	sdelay $0x1  }
0x8a: {  	s1 =	srdreg.scid  }
0x8b: {  	s0 =	sand.u32 $0x1, s1  }
0x8c: {  	s16 =	sshll.u32 s0, $0xA;
	s2 =	sadd.s32 s3, s2  }
0x8d: {  	s2 =	sadd.s32 s2, s16  }
0x8e: {  	[smem:$0x3FC0] =	sst s2  }
0x8f: {  	_ = 	snop  }
0x90: {  	(tm) =	ssettm $0x1  }
0x91: {  	s17 =	sld [smem:$0x3FFB];
	_ =	sdelay $0x3  }
0x92: {  	_ =	strace s17  }
0x93: {  	s2 =	sld [smem:$0x3FFC];
	_ =	sdelay $0x3  }
0x94: {  	_ =	strace s2  }
0x95: {  	s2 =	sld [smem:$0x3FFD];
	_ =	sdelay $0x3  }
0x96: {  	_ =	strace s2  }
0x97: {  	_ =	strace $0x8FFFFFFF  }
0x98: {  	s18 =	sld [smem:$0x3FDB];
	_ =	sdelay $0x1  }
0x99: {  	s19 =	simm.s32 $_scs_section_size  }
0x9a: {  	s4 =	simm.s32 $_size__tile_overlayer_lowered;
	s5 =	simm.s32 $_tile_overlayer_lowered  }
0x9b: {  	s22 =	simm.s32 $0x1BFF;
	s21 =	sshll.u32 s5, $0x1;
	s2 =	sadd.s32 s19, s18  }
0x9c: {  	s6 =	simm.s32 $0x0;
	s20 =	sshll.u32 s4, $0x1;
	s4 =	sadd.s32 s21, s2  }
0x9d: {  	[timem:s6], [sflag:s22] =	dma.local [hbm:s4], s20  }
0x9e: {  	_ =	swait.ge [sflag:s22], s20  }
0x9f: {  	s3 =	ssub.s32 $0x0, s20;
	[sflag:s22] =	ssyncset.done $0x0  }
0xa0: {  	[sflag:s22] =	ssyncadd.s32 s3;
	_ =	sdelay $0x1  }
0xa1: {  	s23 =	simm.s32 $0x1B8B  }
0xa2: {  	_ =	swait.ge [sflag:s23], $0x1  }
0xa3: {  	[sflag:s23] =	ssyncset.done $0x0  }
0xa4: {  	s25 =	simm.s32 $0x1B8E;
	s24 =	sld [smem:$0x3FFE];
	[sflag:s23] =	ssyncadd.s32 $0xFFFFFFFF  }
0xa5: {  	s26 =	simm.s32 $execute0_lowered;
	[smem:$0x3FD2] =	sst s25  }
0xa6: {  	s4 =	sshll.u32 s26, $0x1;
	_ =	strace $0x8000004C;
	[dreg:$0x1] =	wrdreg $0xFFFFFFFF  }
0xa7: {  	s28 =	simm.s32 $_size_execute0_lowered;
	s2 =	sadd.s32 s2, s4;
	[dreg:$0x0] =	wrdreg $0x0  }
0xa8: {  	s4 =	sshll.u32 s28, $0x1;
	[dreg:$0x2] =	wrdreg s2  }
0xa9: {  	[dreg:$0x3] =	wrdreg s4  }
0xaa: {  	[dreg:$0x4] =	wrdreg $0xC0  }
0xab: {  	_ =	task [dreg:s6], $0x5FFFF  }
0xac: {  	[dreg:$0x1] =	wrdreg $0xFFFFFFFF  }
0xad: {  	[dreg:$0x0] =	wrdreg $0x60  }
0xae: {  	[dreg:$0x2] =	wrdreg s24  }
0xaf: {  	[dreg:$0x3] =	wrdreg $0x68000  }
0xb0: {  	[dreg:$0x4] =	wrdreg $0x9  }
0xb1: {  	_ =	task.clear_ibuf [dreg:s6], $0x5FFFF;
	_ =	strace $0x9000004C  }
0xb2: {  	s29 =	simm.s32 $0x9;
	_ =	strace $0x8000004E  }
0xb3: {  	_ =	swait.ge [sflag:s29], $0x1  }
0xb4: {  	[sflag:s29] =	ssyncadd.s32 $0xFFFFFFFF  }
0xb5: {  	_ =	strace $0x9000004E  }
0xb6: {  	_ =	sfence  }
0xb7: {  	s30 =	sld [smem:$0x0];
	_ =	sdelay $0x2  }
0xb8: {  	s31 =	sshll.u32 s1, $0xD;
	s1 =	sshrl.u32 s1, $0x2  }
0xb9: {  	s3 =	sand.u32 $0x4000, s31;
	s1 =	sadd.s32 s1, s30  }
0xba: {  	s0 =	sor.u32 s3, s0;
	s1 =	sshll.u32 s1, $0x11  }
0xbb: {  	s0 =	sor.u32 s1, s0  }
0xbc: {  	s0 =	sadd.s32 $0x8F2B, s0  }
0xbd: {  	[sflag:s0] =	ssyncadd.remote.s32 $0x1  }
0xbe: {  	_ =	sfence.sel $0xFFFF  }
0xbf: {  	[dreg:$0x0] =	wrdreg $0xFFFFFFFF;
	(pc) =	sbr.abs _section_cstart, $3  }
0xc0: {  	[dreg:$0x1] =	wrdreg $0xFFFFFFFF  }
0xc1: {  	_ =	task.clear_ibuf [dreg:s6], $0x2FFFF;
	_ =	strace $0x9FFFFFFF  }
0xc2: {  	(tm) =	ssettm $0x7FFFFFFF  }
0xc3: {  	_ =	shalt  }
tec
execute0_lowered:
.L_overlay_start_1:
0x0: {  	(tag) =	ssettag $0x1  }
0x1: {  	s9 =	rddreg [dreg:$0x0]  }
0x2: {  	s2 =	rddreg [dreg:$0x1]  }
0x3: {  	s3 =	srdreg.scid;
	s1 =	stileid.u32;
	s20 =	simm.s32 $0x2800  }
0x4: {  	s21 =	simm.s32 $0x3;
	s22 =	simm.s32 $0x80;
	s23 =	simm.s32 $0x4800  }
0x5: {  	s24 =	simm.s32 $0x1;
	s25 =	simm.s32 $0x2;
	s10 =	smul.u32 $0xA000, s1  }
0x6: {  	s26 =	simm.s32 $0x0;
	s5 =	sand.u32 $0x1, s3;
	s12 =	smul.u32 $0x28000, s1  }
0x7: {  	s3 =	simm.s32 $0x0;
	s4 =	sshll.u32 s5, $0x4;
	s6 =	smul.u32 $0xA0000, s5  }
0x8: {  	[smem:$0x7FF] =	sst s3;
	s11 =	ssub.s32 $0x2, s5;
	s5 =	simm.s32 $0xA  }
0x9: {  	s7 =	sor.u32 s1, s4;
	_ =	strace $0x8000004D;
	s4 =	sadd.s32 $0xBE00, s9  }
0xa: {  	s30 =	sshrl.u32 s11, $0x1;
	s31 =	sshrl.u32 s12, $0x2;
	s8 =	smul.u32 $0x280, s7  }
0xb: {  	s6 =	sadd.s32 s10, s6;
	p0 =	seq.s32 s7, $0x1F;
	s17 =	ssub.s32 s11, s30  }
0xc: {  	s10 =	sadd.s32 s10, s2;
	s14 =	sadd.s32 s31, s2;
	s6 =	sshrl.u32 s6, $0x3  }
0xd: {  	s5 =	simm.s32 @!p0 $0x28;
	s11 =	sadd.s32 $0x2000, s14;
	s12 =	sadd.s32 $0x4000, s14  }
0xe: {  	s13 =	sadd.s32 $0x6000, s14;
	s14 =	sadd.s32 $0x8000, s14;
	s17 =	smax.u32 s17, $0x1  }
0xf: {  	s8 =	sadd.s32 s8, s9;
	s16 =	sadd.s32 s6, s9;
	s18 =	sshrl.u32 s5, $0x1  }
0x10: {  	s6 =	sadd.s32 $0x1E00, s8;
	s7 =	sadd.s32 $0x6E00, s8;
	s8 =	sadd.s32 $0x6B80, s9  }
0x11: {  	v0 =	vimm.f32 $0.0e+00;
	s9 =	sadd.s32 $0xBB80, s9;
	s16 =	sadd.s32 $0x8D000, s16;
	s18 =	sadd.s32 $0xFFFFFFFF, s18  }
.LBB2_1:
0x12: {  	s28 =	simm.s32 @p0 $0x0;
	s29 =	simm.s32 @p0 $0x3  }
0x13: {  	[tilespmem:s28], [sflag:$0x3] =	stream.linear.gather @p0 [hbm4b:s8+s28], $0x500, $0x38;
	[tilespmem:$0x10800] =	vst v63  }
0x14: {  	_ =	swait.ge @p0 [sflag:s29], $0x500  }
0x15: {  	[sflag:s29] =	ssyncset.done @p0 $0x0  }
0x16: {  	s30 =	simm.s32 @p0 $0x1400;
	[sflag:s29] =	ssyncadd.s32 @p0 $0xFFFFFB00  }
0x17: {  	[tilespmem:s30], [sflag:$0x3] =	stream.linear.gather @p0 [hbm4b:s9+s28], $0x500, $0x38;
	[tilespmem:$0x10800] =	vst v63  }
0x18: {  	_ =	swait.ge @p0 [sflag:s29], $0x500  }
0x19: {  	[sflag:s29] =	ssyncset.done @p0 $0x0  }
0x1a: {  	s28 =	simm.s32 @!p0 $0x0;
	[sflag:s29] =	ssyncadd.s32 @p0 $0xFFFFFB00;
	s29 =	simm.s32 @!p0 $0x3  }
0x1b: {  	[tilespmem:s28], [sflag:$0x3] =	stream.linear.gather @!p0 [hbm4b:s6+s28], $0x1400, $0x38;
	[tilespmem:$0x10800] =	vst v63  }
0x1c: {  	_ =	swait.ge @!p0 [sflag:s29], $0x1400  }
0x1d: {  	[sflag:s29] =	ssyncset.done @!p0 $0x0  }
0x1e: {  	s30 =	simm.s32 @!p0 $0x1400;
	[sflag:s29] =	ssyncadd.s32 @!p0 $0xFFFFEC00  }
0x1f: {  	[tilespmem:s30], [sflag:$0x3] =	stream.linear.gather @!p0 [hbm4b:s7+s28], $0x1400, $0x38;
	[tilespmem:$0x10800] =	vst v63  }
0x20: {  	_ =	swait.ge @!p0 [sflag:s29], $0x1400  }
0x21: {  	[sflag:s29] =	ssyncset.done @!p0 $0x0  }
0x22: {  	s28 =	simm.s32 $0x0;
	[sflag:s29] =	ssyncadd.s32 @!p0 $0xFFFFEC00;
	s29 =	simm.s32 $0x100  }
.LBB2_2:
0x23: {  	p1 =	sne.s32 s29, $0x7F00;
	[tilespmem:s28+$0x2830] =	vst v0;
	s30 =	smov.u32 s29;
	s29 =	sadd.s32 $0x100, s29  }
.Ltmp0:
0x24: {  	[tilespmem:s28+$0x2820] =	vst v0;
	(pc) =	sbr.rel @p1 .LBB2_2-.Ltmp0, $3  }
0x25: {  	[tilespmem:s28+$0x2800] =	vst v0  }
0x26: {  	[tilespmem:s28+$0x2810] =	vst v0;
	_ =	sdelay $0x1  }
0x27: {  	s28 =	sshra.s32 s30, $0x2  }
0x28: {  	[tilespmem:s28+$0x2830] =	vst v0  }
0x29: {  	[tilespmem:s28+$0x2820] =	vst v0  }
0x2a: {  	[tilespmem:s28+$0x2800] =	vst v0  }
0x2b: {  	[tilespmem:s28+$0x2810] =	vst v0  }
0x2c: {  	[spmem:s10] =	stream.linear.scatter [tilespmem:s20], [sflag:$0x3], $0x2000, $0x38;
	[tilespmem:$0x10800] =	vst v63  }
0x2d: {  	_ =	swait.ge [sflag:s21], $0x2000  }
0x2e: {  	[sflag:s21] =	ssyncset.done $0x0  }
0x2f: {  	[sflag:s21] =	ssyncadd.s32 $0xFFFFE000  }
0x30: {  	[spmem:s11] =	stream.linear.scatter [tilespmem:s20], [sflag:$0x3], $0x2000, $0x38;
	[tilespmem:$0x10800] =	vst v63  }
0x31: {  	_ =	swait.ge [sflag:s21], $0x2000  }
0x32: {  	[sflag:s21] =	ssyncset.done $0x0  }
0x33: {  	[sflag:s21] =	ssyncadd.s32 $0xFFFFE000  }
0x34: {  	[spmem:s12] =	stream.linear.scatter [tilespmem:s20], [sflag:$0x3], $0x2000, $0x38;
	[tilespmem:$0x10800] =	vst v63  }
0x35: {  	_ =	swait.ge [sflag:s21], $0x2000  }
0x36: {  	[sflag:s21] =	ssyncset.done $0x0  }
0x37: {  	[sflag:s21] =	ssyncadd.s32 $0xFFFFE000  }
0x38: {  	[spmem:s13] =	stream.linear.scatter [tilespmem:s20], [sflag:$0x3], $0x2000, $0x38;
	[tilespmem:$0x10800] =	vst v63  }
0x39: {  	_ =	swait.ge [sflag:s21], $0x2000  }
0x3a: {  	s31 =	sadd.s32 $0xFFFFFFFF, s18;
	[sflag:s21] =	ssyncset.done $0x0  }
0x3b: {  	p2 =	sne.s32 s31, $0x0;
	[sflag:s21] =	ssyncadd.s32 $0xFFFFE000  }
0x3c: {  	[spmem:s14] =	stream.linear.scatter [tilespmem:s20], [sflag:$0x3], $0x2000, $0x38;
	[tilespmem:$0x10800] =	vst v63  }
.Ltmp1:
0x3d: {  	_ =	swait.ge [sflag:s21], $0x2000;
	(pc) =	sbr.rel @!p2 .LBB2_7-.Ltmp1, $4  }
0x3e: {  	[sflag:s21] =	ssyncset.done $0x0  }
0x3f: {  	s29 =	simm.s32 $0x100;
	s30 =	simm.s32 $0x2;
	[sflag:s21] =	ssyncadd.s32 $0xFFFFE000  }
0x40: {  	s28 =	simm.s32 $0x1480;
	p1 =	por $0x0, $0x0;
	[bflag:$0x0] =	sbarrier.arrive $0xFFFF  }
0x41: {  	[tilespmem:s20], [sflag:$0x1] =	stream.indirect.gather [hbm4b:s4+s22], $0x40, s3, s22, $0xb8;
	[tilespmem:$0x10800] =	vst v63  }
0x42: {  	s30 =	simm.s32 $0x80  }
0x43: {  	[tilespmem:s23], [sflag:$0x2] =	stream.indirect.gather [hbm4b:s4+s22], $0x40, s30, s22, $0xb8;
	[tilespmem:$0x10800] =	vst v63  }
0x44: {  	_ =	swait.ge [sflag:s24], $0x2000  }
0x45: {  	[sflag:s24] =	ssyncset.done $0x0  }
0x46: {  	s30 =	simm.s32 $0x1400;
	[sflag:s24] =	ssyncadd.s32 $0xFFFFE000  }
0x47: {  	[spmem:s2] =	stream.indirect.scatter.add.f32 [tilespmem:s20], [sflag:$0x3], $0x40, s30, s22, $0xb8;
	[tilespmem:$0x10800] =	vst v63  }
0x48: {  	_ =	swait.ge [sflag:s21], $0x2000  }
0x49: {  	p1 =	sle.u32 s5, $0x2;
	s31 =	sadd.s32 $0xFFFFFFFF, s31;
	[sflag:s21] =	ssyncset.done $0x0  }
0x4a: {  	s0 =	simm.s32 @!p1 $0x2800;
	s30 =	simm.s32 @!p1 $0x80;
	[sflag:s21] =	ssyncadd.s32 $0xFFFFE000  }
0x4b: {  	[tilespmem:s0], [sflag:$0x1] =	stream.indirect.gather @!p1 [hbm4b:s4+s30], $0x40, s29, s30, $0xb8;
	[tilespmem:$0x10800] =	vst v63  }
0x4c: {  	p2 =	sne.s32 s31, $0x0;
	_ =	swait.ge [sflag:s25], $0x2000  }
.Ltmp2:
0x4d: {  	[sflag:s25] =	ssyncset.done $0x0;
	(pc) =	sbr.rel @!p2 .LBB2_7-.Ltmp2, $4  }
0x4e: {  	[sflag:s25] =	ssyncadd.s32 $0xFFFFE000  }
0x4f: {  	[spmem:s2] =	stream.indirect.scatter.add.f32 [tilespmem:s23], [sflag:$0x3], $0x40, s28, s22, $0xb8;
	[tilespmem:$0x10800] =	vst v63  }
0x50: {  	s29 =	simm.s32 $0x200;
	s30 =	simm.s32 $0x4;
	_ =	swait.ge [sflag:s21], $0x2000  }
0x51: {  	p1 =	por $0x1, $0x1;
	s28 =	simm.s32 $0x1580;
	[sflag:s21] =	ssyncset.done $0x0  }
.LBB2_5:
0x52: {  	s31 =	sadd.s32 $0xFFFFFFFF, s31;
	s0 =	sadd.s32 $0xFFFFFF80, s29;
	[sflag:s21] =	ssyncadd.s32 $0xFFFFE000  }
0x53: {  	[tilespmem:s23], [sflag:$0x2] =	stream.indirect.gather [hbm4b:s4+s22], $0x40, s0, s22, $0xb8;
	[tilespmem:$0x10800] =	vst v63  }
0x54: {  	p2 =	sne.s32 s31, $0x0;
	_ =	swait.ge [sflag:s24], $0x2000  }
0x55: {  	[sflag:s24] =	ssyncset.done $0x0  }
0x56: {  	s0 =	sadd.s32 $0xFFFFFF80, s28;
	[sflag:s24] =	ssyncadd.s32 $0xFFFFE000  }
0x57: {  	[spmem:s2] =	stream.indirect.scatter.add.f32 [tilespmem:s20], [sflag:$0x3], $0x40, s0, s22, $0xb8;
	[tilespmem:$0x10800] =	vst v63  }
0x58: {  	_ =	swait.ge [sflag:s21], $0x2000  }
0x59: {  	p3 =	sge.u32 s30, s5;
	[sflag:s21] =	ssyncset.done $0x0  }
0x5a: {  	s15 =	simm.s32 @!p3 $0x2800;
	s0 =	simm.s32 @!p3 $0x80;
	[sflag:s21] =	ssyncadd.s32 $0xFFFFE000  }
0x5b: {  	[tilespmem:s15], [sflag:$0x1] =	stream.indirect.gather @!p3 [hbm4b:s4+s0], $0x40, s29, s0, $0xb8;
	[tilespmem:$0x10800] =	vst v63  }
0x5c: {  	_ =	swait.ge [sflag:s25], $0x2000  }
.Ltmp3:
0x5d: {  	[sflag:s25] =	ssyncset.done $0x0;
	(pc) =	sbr.rel @p2 .LBB2_5-.Ltmp3, $4  }
0x5e: {  	s19 =	sadd.s32 $0x100, s29;
	[sflag:s25] =	ssyncadd.s32 $0xFFFFE000  }
0x5f: {  	[spmem:s2] =	stream.indirect.scatter.add.f32 [tilespmem:s23], [sflag:$0x3], $0x40, s28, s22, $0xb8;
	[tilespmem:$0x10800] =	vst v63  }
0x60: {  	s30 =	sadd.s32 $0x2, s30;
	s15 =	sadd.s32 $0x100, s28;
	_ =	swait.ge [sflag:s21], $0x2000  }
0x61: {  	s29 =	smov.u32 s19;
	s28 =	smov.u32 s15;
	[sflag:s21] =	ssyncset.done $0x0  }
0x62: {  	s29 =	smov.u32 s19;
	s28 =	smov.u32 s15  }
.LBB2_7:
0x63: {  	s0 =	sadd.s32 $0xFFFFFF80, s29;
	[sflag:s21] =	ssyncadd.s32 @p1 $0xFFFFE000  }
0x64: {  	[tilespmem:s23], [sflag:$0x2] =	stream.indirect.gather [hbm4b:s4+s22], $0x40, s0, s22, $0xb8;
	[tilespmem:$0x10800] =	vst v63  }
0x65: {  	_ =	swait.ge [sflag:s24], $0x2000  }
0x66: {  	[sflag:s24] =	ssyncset.done $0x0  }
0x67: {  	s31 =	sadd.s32 $0xFFFFFF80, s28;
	[sflag:s24] =	ssyncadd.s32 $0xFFFFE000  }
0x68: {  	[spmem:s2] =	stream.indirect.scatter.add.f32 [tilespmem:s20], [sflag:$0x3], $0x40, s31, s22, $0xb8;
	[tilespmem:$0x10800] =	vst v63  }
0x69: {  	_ =	swait.ge [sflag:s21], $0x2000  }
0x6a: {  	p1 =	sge.u32 s30, s5;
	[sflag:s21] =	ssyncset.done $0x0  }
0x6b: {  	s0 =	simm.s32 @!p1 $0x80;
	s31 =	simm.s32 @!p1 $0x2800;
	[sflag:s21] =	ssyncadd.s32 $0xFFFFE000  }
0x6c: {  	[tilespmem:s31], [sflag:$0x1] =	stream.indirect.gather @!p1 [hbm4b:s4+s0], $0x40, s29, s0, $0xb8;
	[tilespmem:$0x10800] =	vst v63  }
0x6d: {  	_ =	swait.ge [sflag:s25], $0x2000  }
0x6e: {  	[sflag:s25] =	ssyncset.done $0x0  }
0x6f: {  	[sflag:s25] =	ssyncadd.s32 $0xFFFFE000  }
0x70: {  	[spmem:s2] =	stream.indirect.scatter.add.f32 [tilespmem:s23], [sflag:$0x3], $0x40, s28, s22, $0xb8;
	[tilespmem:$0x10800] =	vst v63  }
0x71: {  	_ =	swait.ge [sflag:s21], $0x2000  }
0x72: {  	[sflag:s21] =	ssyncset.done $0x0  }
0x73: {  	s31 =	sadd.s32 $0x80, s19;
	[sflag:s21] =	ssyncadd.s32 $0xFFFFE000  }
0x74: {  	[tilespmem:s23], [sflag:$0x2] =	stream.indirect.gather [hbm4b:s4+s22], $0x40, s31, s22, $0xb8;
	[tilespmem:$0x10800] =	vst v63  }
0x75: {  	_ =	swait.ge [sflag:s24], $0x2000  }
0x76: {  	[sflag:s24] =	ssyncset.done $0x0  }
0x77: {  	s31 =	sadd.s32 $0x80, s15;
	[sflag:s24] =	ssyncadd.s32 $0xFFFFE000  }
0x78: {  	[spmem:s2] =	stream.indirect.scatter.add.f32 [tilespmem:s20], [sflag:$0x3], $0x40, s31, s22, $0xb8;
	[tilespmem:$0x10800] =	vst v63  }
0x79: {  	s31 =	sadd.s32 $0x2, s30;
	_ =	swait.ge [sflag:s21], $0x2000  }
0x7a: {  	s29 =	sadd.s32 $0x100, s29;
	p1 =	sge.u32 s31, s5;
	[sflag:s21] =	ssyncset.done $0x0  }
0x7b: {  	s0 =	simm.s32 @!p1 $0x80;
	s30 =	simm.s32 @!p1 $0x2800;
	[sflag:s21] =	ssyncadd.s32 $0xFFFFE000  }
0x7c: {  	[tilespmem:s30], [sflag:$0x1] =	stream.indirect.gather @!p1 [hbm4b:s4+s0], $0x40, s29, s0, $0xb8;
	[tilespmem:$0x10800] =	vst v63  }
0x7d: {  	_ =	swait.ge [sflag:s25], $0x2000  }
0x7e: {  	[sflag:s25] =	ssyncset.done $0x0  }
0x7f: {  	s29 =	sadd.s32 $0x100, s28;
	[sflag:s25] =	ssyncadd.s32 $0xFFFFE000  }
0x80: {  	[spmem:s2] =	stream.indirect.scatter.add.f32 [tilespmem:s23], [sflag:$0x3], $0x40, s29, s22, $0xb8;
	[tilespmem:$0x10800] =	vst v63  }
0x81: {  	_ =	swait.ge [sflag:s21], $0x2000  }
0x82: {  	s26 =	sadd.s32 $0x1, s26;
	s31 =	sshrl.u32 s10, $0x3;
	[sflag:s21] =	ssyncset.done $0x0  }
0x83: {  	s30 =	sshll.u32 s1, $0x6;
	p1 =	sne.s32 s26, s17;
	[sflag:s21] =	ssyncadd.s32 $0xFFFFE000  }
.Ltmp4:
0x84: {  	s0 =	sor.u32 $0x1C03, s30;
	[bflag:$0x0] =	sbarrier.arrive $0xFFFF;
	(pc) =	sbr.rel @p1 .LBB2_1-.Ltmp4, $4  }
0x85: {  	[hbm:s16], [sflag:s0] =	dma.local [spmem:s31], $0x1400  }
0x86: {  	_ =	swait.ge [sflag:s21], $0x1400  }
0x87: {  	[sflag:s21] =	ssyncset.done $0x0  }
0x88: {  	[sflag:s21] =	ssyncadd.s32 $0xFFFFEC00  }
0x89: {  	_ =	sfence.sel $0x180000  }
0x8a: {  	[bflag:$0x0] =	sbarrier.arrive $0xFFFF  }
0x8b: {  	_ =	strace $0x9000004D  }
0x8c: {  	[bflag:$0x2] =	sbarrier.arrive $0xFFFF  }
0x8d: {  	p0 =	sne.s32 s1, $0x0;
	s0 =	rddreg [dreg:$0x2]  }
0x8e: {  	s0 =	sadd.s32 @!p0 $0x100000, s0  }
0x8f: {  	[sflag:s0] =	ssyncadd.tile.s32 @!p0 $0x1;
	_ =	shalt  }
.Lfunc_end2:
_tile_overlayer_lowered:
.L_overlay_start_2:
0x90: {  	(tag) =	ssettag $0x2  }
0x91: {  	s0 =	rddreg [dreg:$0x0];
	s2 =	stileid.u32  }
0x92: {  	s1 =	rddreg [dreg:$0x1];
	p0 =	sne.s32 s2, $0x0  }
0x93: {  	s3 =	rddreg [dreg:$0x2];
	[bflag:$0x3] =	sbarrier.arrive $0xFFFF;
	s2 =	simm.s32 @!p0 $0x1C03  }
0x94: {  	[timem:s3], [sflag:s2] =	dma.local @!p0 [hbm:s0], s1  }
0x95: {  	s0 =	simm.s32 @!p0 $0x3  }
0x96: {  	_ =	swait.ge @!p0 [sflag:s0], s1  }
0x97: {  	s1 =	ssub.s32 @!p0 $0x0, s1;
	[sflag:s0] =	ssyncset.done @!p0 $0x0  }
0x98: {  	[sflag:s0] =	ssyncadd.s32 @!p0 s1  }
0x99: {  	[bflag:$0x3] =	sbarrier.arrive $0xFFFF  }
0x9a: {  	_ =	shalt  }

// kernel: kernel.9.cloned.1.call-start
scs
__scs_entry_jumppad:
0x0: {  	(pc) =	sbr.rel $0x88, $3  }
0x1: {  	(tag) =	ssettag $0x0;
	lr =	simm.s32 $0x1  }
0x2: {  	[smem:$0x3F99] =	sst lr;
	_ =	strace $0xD0000000  }
0x3: {  	_ = 	snop  }
0x4: {  	_ = 	snop  }
0x5: {  	_ = 	snop  }
0x6: {  	_ = 	snop  }
0x7: {  	_ = 	snop  }
__scs_overlays_trampoline_lowered:
0x8: {  	[smem:$0x3FA8] =	sst s0  }
0x9: {  	[smem:$0x3FA9] =	sst s1  }
0xa: {  	[smem:$0x3FAA] =	sst s2  }
0xb: {  	[smem:$0x3FAB] =	sst s3  }
0xc: {  	[smem:$0x3FAC] =	sst s4  }
0xd: {  	[smem:$0x3FAD] =	sst s5  }
0xe: {  	[smem:$0x3FAE] =	sst s6  }
0xf: {  	[smem:$0x3FAF] =	sst s7  }
0x10: {  	[smem:$0x3FB0] =	sst s8  }
0x11: {  	[smem:$0x3FB1] =	sst s9;
	s0 =	simm.s32 @!p0 $0x0  }
0x12: {  	s1 =	sld [smem:$0x3F97];
	s0 =	simm.s32 @p0 $0x1  }
0x13: {  	[smem:$0x3FB2] =	sst s0;
	s0 =	simm.s32 @!p1 $0x0  }
0x14: {  	s2 =	sld [smem:$0x3F96];
	s0 =	simm.s32 @p1 $0x1  }
0x15: {  	[smem:$0x3FB3] =	sst s0;
	s0 =	simm.s32 @!p2 $0x0  }
0x16: {  	s3 =	sld [smem:$0x3FDB];
	s0 =	simm.s32 @p2 $0x1  }
0x17: {  	s4 =	simm.s32 $0x1BF5;
	[smem:$0x3FB5] =	sst s0  }
0x18: {  	s0 =	sld [smem:$0x3F98];
	_ =	swait.ge [sflag:s4], $0x0  }
0x19: {  	s7 =	sld [smem:$0x3F99]  }
0x1a: {  	s8 =	sadd.s32 $0xFFFFE003, lr  }
0x1b: {  	s9 =	sadd.s32 $0xFFFFFEF7, lr;
	s5 =	simm.s32 $0xFFFFFFFF;
	p2 =	slt.u32 s8, $0xFFFFF086  }
0x1c: {  	p1 =	slt.u32 s9, $0xF7A;
	s5 =	simm.s32 @!p2 $0x0  }
0x1d: {  	s5 =	simm.s32 @p1 $0x1;
	p0 =	seq.s32 s7, s2  }
0x1e: {  	s7 =	smul.u32 @!p0 $0xF7A, s2;
	p2 =	seq.s32 @!p0 s5, $0x0  }
0x1f: {  	s9 =	smul.u32 $0xF7A, s1;
	s8 =	simm.s32 @!p0 $0x1BF5;
	p2 =	por !p2, p0  }
0x20: {  	[sflag:s8] =	ssyncset.s32 @!p0 $0xFFFFF086;
	s6 =	sadd.s32 @!p0 s3, s7;
	s7 =	simm.s32 @!p0 $0x108  }
0x21: {  	s3 =	sadd.s32 s3, s9;
	s6 =	sadd.s32 @!p0 $0x88, s6;
	s7 =	simm.s32 @p2 $0x1082  }
0x22: {  	[simem:s7], [sflag:s8] =	dma.local @!p0 [hbm:s6], $0xF7A  }
0x23: {  	s9 =	sor.u32 $0xD0000000, s2;
	s6 =	simm.s32 $0x108;
	_ =	swait.ge @!p0 [sflag:s8], $0x0  }
0x24: {  	s3 =	sadd.s32 $0x88, s3;
	s6 =	simm.s32 @!p1 $0x1082;
	[sflag:s4] =	ssyncset.s32 $0xFFFFF086  }
0x25: {  	[simem:s6], [sflag:s4] =	dma.local [hbm:s3], $0xF7A  }
0x26: {  	[smem:$0x3F99] =	sst s1;
	(tag) =	ssettag s2;
	_ =	strace s9  }
0x27: {  	s1 =	sld [smem:$0x3FA9]  }
0x28: {  	s2 =	sld [smem:$0x3FAA]  }
0x29: {  	s4 =	sld [smem:$0x3FAC]  }
0x2a: {  	p0 =	seq.s32 s5, $0x0;
	s5 =	sld [smem:$0x3FAD]  }
0x2b: {  	s6 =	sld [smem:$0x3FAE]  }
0x2c: {  	s7 =	sld [smem:$0x3FAF]  }
0x2d: {  	s3 =	simm.s32 $0x108;
	s8 =	sld [smem:$0x3FB0]  }
0x2e: {  	s3 =	simm.s32 @!p0 $0x1082;
	s9 =	sld [smem:$0x3FB1]  }
0x2f: {  	lr =	sadd.s32 s0, s3;
	s0 =	sld [smem:$0x3FA8]  }
0x30: {  	s3 =	sld [smem:$0x3FAB]  }
0x31: {  	[smem:$0x3FB4] =	sst s10  }
0x32: {  	s10 =	sld [smem:$0x3FB2];
	_ =	sdelay $0x3  }
0x33: {  	p0 =	seq.s32 s10, $0x1;
	s10 =	sld [smem:$0x3FB4];
	_ =	sdelay $0x3  }
0x34: {  	[smem:$0x3FB4] =	sst s10  }
0x35: {  	s10 =	sld [smem:$0x3FB3];
	_ =	sdelay $0x3  }
0x36: {  	p1 =	seq.s32 s10, $0x1;
	s10 =	sld [smem:$0x3FB4];
	_ =	sdelay $0x3  }
0x37: {  	[smem:$0x3FB4] =	sst s10  }
0x38: {  	s10 =	sld [smem:$0x3FB5]  }
0x39: {  	_ = 	snop;
	(pc) =	sbr.ind lr, $3  }
0x3a: {  	_ = 	snop  }
0x3b: {  	_ = 	snop  }
0x3c: {  	p2 =	seq.s32 s10, $0x1;
	s10 =	sld [smem:$0x3FB4]  }
0x3d: {  	_ =	shalt  }
0x3e: {  	_ =	shalt  }
0x3f: {  	_ =	shalt  }
0x40: {  	_ =	shalt  }
0x41: {  	_ =	shalt  }
0x42: {  	_ =	shalt  }
0x43: {  	_ =	shalt  }
0x44: {  	_ =	shalt  }
0x45: {  	_ =	shalt  }
0x46: {  	_ =	shalt  }
0x47: {  	_ =	shalt  }
0x48: {  	_ =	shalt  }
0x49: {  	_ =	shalt  }
0x4a: {  	_ =	shalt  }
0x4b: {  	_ =	shalt  }
0x4c: {  	_ =	shalt  }
0x4d: {  	_ =	shalt  }
0x4e: {  	_ =	shalt  }
0x4f: {  	_ =	shalt  }
0x50: {  	_ =	shalt  }
0x51: {  	_ =	shalt  }
0x52: {  	_ =	shalt  }
0x53: {  	_ =	shalt  }
0x54: {  	_ =	shalt  }
0x55: {  	_ =	shalt  }
0x56: {  	_ =	shalt  }
0x57: {  	_ =	shalt  }
0x58: {  	_ =	shalt  }
0x59: {  	_ =	shalt  }
0x5a: {  	_ =	shalt  }
0x5b: {  	_ =	shalt  }
0x5c: {  	_ =	shalt  }
0x5d: {  	_ =	shalt  }
0x5e: {  	_ =	shalt  }
0x5f: {  	_ =	shalt  }
0x60: {  	_ =	shalt  }
0x61: {  	_ =	shalt  }
0x62: {  	_ =	shalt  }
0x63: {  	_ =	shalt  }
0x64: {  	_ =	shalt  }
0x65: {  	_ =	shalt  }
0x66: {  	_ =	shalt  }
0x67: {  	_ =	shalt  }
0x68: {  	_ =	shalt  }
0x69: {  	_ =	shalt  }
0x6a: {  	_ =	shalt  }
0x6b: {  	_ =	shalt  }
0x6c: {  	_ =	shalt  }
0x6d: {  	_ =	shalt  }
0x6e: {  	_ =	shalt  }
0x6f: {  	_ =	shalt  }
0x70: {  	_ =	shalt  }
0x71: {  	_ =	shalt  }
0x72: {  	_ =	shalt  }
0x73: {  	_ =	shalt  }
0x74: {  	_ =	shalt  }
0x75: {  	_ =	shalt  }
0x76: {  	_ =	shalt  }
0x77: {  	_ =	shalt  }
0x78: {  	_ =	shalt  }
0x79: {  	_ =	shalt  }
0x7a: {  	_ =	shalt  }
0x7b: {  	_ =	shalt  }
0x7c: {  	_ =	shalt  }
0x7d: {  	_ =	shalt  }
0x7e: {  	_ =	shalt  }
0x7f: {  	_ =	shalt  }
0x80: {  	_ =	shalt  }
0x81: {  	_ =	shalt  }
0x82: {  	_ =	shalt  }
0x83: {  	_ =	shalt  }
0x84: {  	_ =	shalt  }
0x85: {  	_ =	shalt  }
0x86: {  	_ =	shalt  }
0x87: {  	_ =	shalt  }
.Lfunc_end0:
.L_simem_size_0:
called_computation_lowered:
.L_overlay_start_0:
0x88: {  	s2 =	sld [smem:$0x3FD9]  }
0x89: {  	s3 =	sld [smem:$0x3FFE];
	_ =	sdelay $0x1  }
0x8a: {  	s1 =	srdreg.scid  }
0x8b: {  	s0 =	sand.u32 $0x1, s1  }
0x8c: {  	s16 =	sshll.u32 s0, $0xA;
	s2 =	sadd.s32 s3, s2  }
0x8d: {  	s2 =	sadd.s32 s2, s16  }
0x8e: {  	[smem:$0x3FC0] =	sst s2  }
0x8f: {  	_ = 	snop  }
0x90: {  	(tm) =	ssettm $0x1  }
0x91: {  	s17 =	sld [smem:$0x3FFB];
	_ =	sdelay $0x3  }
0x92: {  	_ =	strace s17  }
0x93: {  	s2 =	sld [smem:$0x3FFC];
	_ =	sdelay $0x3  }
0x94: {  	_ =	strace s2  }
0x95: {  	s2 =	sld [smem:$0x3FFD];
	_ =	sdelay $0x3  }
0x96: {  	_ =	strace s2  }
0x97: {  	_ =	strace $0x8FFFFFFF  }
0x98: {  	s18 =	sld [smem:$0x3FDB];
	_ =	sdelay $0x1  }
0x99: {  	s19 =	simm.s32 $_scs_section_size  }
0x9a: {  	s4 =	simm.s32 $_size__tile_overlayer_lowered;
	s5 =	simm.s32 $_tile_overlayer_lowered  }
0x9b: {  	s22 =	simm.s32 $0x1BFF;
	s21 =	sshll.u32 s5, $0x1;
	s2 =	sadd.s32 s19, s18  }
0x9c: {  	s6 =	simm.s32 $0x0;
	s20 =	sshll.u32 s4, $0x1;
	s4 =	sadd.s32 s21, s2  }
0x9d: {  	[timem:s6], [sflag:s22] =	dma.local [hbm:s4], s20  }
0x9e: {  	_ =	swait.ge [sflag:s22], s20  }
0x9f: {  	s3 =	ssub.s32 $0x0, s20;
	[sflag:s22] =	ssyncset.done $0x0  }
0xa0: {  	[sflag:s22] =	ssyncadd.s32 s3;
	_ =	sdelay $0x1  }
0xa1: {  	s23 =	simm.s32 $0x1B8B  }
0xa2: {  	_ =	swait.ge [sflag:s23], $0x1  }
0xa3: {  	[sflag:s23] =	ssyncset.done $0x0  }
0xa4: {  	s25 =	simm.s32 $0x1B8E;
	s24 =	sld [smem:$0x3FFE];
	[sflag:s23] =	ssyncadd.s32 $0xFFFFFFFF  }
0xa5: {  	s26 =	simm.s32 $execute0_lowered;
	[smem:$0x3FD2] =	sst s25  }
0xa6: {  	s4 =	sshll.u32 s26, $0x1;
	_ =	strace $0x80000046;
	[dreg:$0x1] =	wrdreg $0xFFFFFFFF  }
0xa7: {  	s28 =	simm.s32 $_size_execute0_lowered;
	s2 =	sadd.s32 s2, s4;
	[dreg:$0x0] =	wrdreg $0x0  }
0xa8: {  	s4 =	sshll.u32 s28, $0x1;
	[dreg:$0x2] =	wrdreg s2  }
0xa9: {  	[dreg:$0x3] =	wrdreg s4  }
0xaa: {  	[dreg:$0x4] =	wrdreg $0xC0  }
0xab: {  	_ =	task [dreg:s6], $0x5FFFF  }
0xac: {  	[dreg:$0x1] =	wrdreg $0xFFFFFFFF  }
0xad: {  	[dreg:$0x0] =	wrdreg $0x60  }
0xae: {  	[dreg:$0x2] =	wrdreg s24  }
0xaf: {  	[dreg:$0x3] =	wrdreg $0x1C000  }
0xb0: {  	[dreg:$0x4] =	wrdreg $0x9  }
0xb1: {  	_ =	task.clear_ibuf [dreg:s6], $0x5FFFF;
	_ =	strace $0x90000046  }
0xb2: {  	s29 =	simm.s32 $0x9;
	_ =	strace $0x80000048  }
0xb3: {  	_ =	swait.ge [sflag:s29], $0x1  }
0xb4: {  	[sflag:s29] =	ssyncadd.s32 $0xFFFFFFFF  }
0xb5: {  	_ =	strace $0x90000048  }
0xb6: {  	_ =	sfence  }
0xb7: {  	s30 =	sld [smem:$0x0];
	_ =	sdelay $0x2  }
0xb8: {  	s31 =	sshll.u32 s1, $0xD;
	s1 =	sshrl.u32 s1, $0x2  }
0xb9: {  	s3 =	sand.u32 $0x4000, s31;
	s1 =	sadd.s32 s1, s30  }
0xba: {  	s0 =	sor.u32 s3, s0;
	s1 =	sshll.u32 s1, $0x11  }
0xbb: {  	s0 =	sor.u32 s1, s0  }
0xbc: {  	s0 =	sadd.s32 $0x8F2B, s0  }
0xbd: {  	[sflag:s0] =	ssyncadd.remote.s32 $0x1  }
0xbe: {  	_ =	sfence.sel $0xFFFF  }
0xbf: {  	[dreg:$0x0] =	wrdreg $0xFFFFFFFF;
	(pc) =	sbr.abs _section_cstart, $3  }
0xc0: {  	[dreg:$0x1] =	wrdreg $0xFFFFFFFF  }
0xc1: {  	_ =	task.clear_ibuf [dreg:s6], $0x2FFFF;
	_ =	strace $0x9FFFFFFF  }
0xc2: {  	(tm) =	ssettm $0x7FFFFFFF  }
0xc3: {  	_ =	shalt  }
tec
execute0_lowered:
.L_overlay_start_1:
0x0: {  	(tag) =	ssettag $0x1  }
0x1: {  	s6 =	rddreg [dreg:$0x0]  }
0x2: {  	s0 =	srdreg.scid;
	s2 =	rddreg [dreg:$0x1]  }
0x3: {  	s1 =	stileid.u32;
	s3 =	simm.s32 $0x0;
	s14 =	simm.s32 $0x1400  }
0x4: {  	s15 =	simm.s32 $0x1;
	s16 =	simm.s32 $0x80;
	s7 =	smul.u32 $0x2800, s1  }
0x5: {  	s4 =	sand.u32 $0x1, s0;
	s0 =	rddreg [dreg:$0x2];
	s10 =	smul.u32 $0xA000, s1  }
0x6: {  	[smem:$0x7FF] =	sst s3;
	s5 =	sshll.u32 s4, $0x4;
	s8 =	smul.u32 $0x28000, s4  }
0x7: {  	_ =	strace $0x80000047;
	s4 =	ssub.s32 $0x2, s4;
	s5 =	sor.u32 s1, s5  }
0x8: {  	s30 =	sshrl.u32 s4, $0x1;
	s31 =	sshrl.u32 s10, $0x2;
	s9 =	smul.u32 $0x280, s5  }
0x9: {  	s8 =	sadd.s32 s7, s8;
	s13 =	ssub.s32 s4, s30;
	p0 =	seq.s32 s5, $0x1F  }
0xa: {  	s4 =	simm.s32 $0xA;
	s7 =	sadd.s32 s7, s2;
	s11 =	sadd.s32 s31, s2  }
0xb: {  	s8 =	sshrl.u32 s8, $0x3;
	s4 =	simm.s32 @!p0 $0x28;
	s10 =	sadd.s32 $0x1800, s11  }
0xc: {  	s13 =	smax.u32 s13, $0x1;
	s9 =	sadd.s32 s9, s6;
	s12 =	sadd.s32 s8, s6  }
0xd: {  	s6 =	sadd.s32 $0xBB80, s6;
	s8 =	sadd.s32 $0x800, s11;
	s5 =	sadd.s32 $0x6E00, s9  }
0xe: {  	v0 =	vimm.f32 $0.0e+00;
	v1 =	vimm.f32 $1.000000000e+00;
	s9 =	sadd.s32 $0x1000, s11;
	s11 =	sadd.s32 $0x2000, s11;
	s12 =	sadd.s32 $0xBE00, s12  }
.LBB2_1:
0xf: {  	s17 =	simm.s32 @p0 $0x0  }
0x10: {  	[tilespmem:s17], [sflag:$0x1] =	stream.linear.gather @p0 [hbm4b:s6+s17], $0x500, $0x38;
	[tilespmem:$0x4400] =	vst v63  }
0x11: {  	s17 =	simm.s32 @p0 $0x1  }
0x12: {  	_ =	swait.ge @p0 [sflag:s17], $0x500  }
0x13: {  	[sflag:s17] =	ssyncset.done @p0 $0x0  }
0x14: {  	[sflag:s17] =	ssyncadd.s32 @p0 $0xFFFFFB00;
	s17 =	simm.s32 @!p0 $0x0  }
0x15: {  	[tilespmem:s17], [sflag:$0x1] =	stream.linear.gather @!p0 [hbm4b:s5+s17], $0x1400, $0x38;
	[tilespmem:$0x4400] =	vst v63  }
0x16: {  	s17 =	simm.s32 @!p0 $0x1  }
0x17: {  	_ =	swait.ge @!p0 [sflag:s17], $0x1400  }
0x18: {  	[sflag:s17] =	ssyncset.done @!p0 $0x0  }
0x19: {  	s18 =	simm.s32 $0x0;
	[sflag:s17] =	ssyncadd.s32 @!p0 $0xFFFFEC00;
	s17 =	simm.s32 $0x40  }
.LBB2_2:
0x1a: {  	p1 =	sne.s32 s17, $0x1FC0;
	[tilespmem:s18+$0x1400] =	vst v0;
	s18 =	smov.u32 s17;
	s17 =	sadd.s32 $0x40, s17  }
.Ltmp0:
0x1b: {  	(pc) =	sbr.rel @p1 .LBB2_2-.Ltmp0, $2  }
0x1c: {  	_ =	sdelay $0x2  }
0x1d: {  	s18 =	sshra.s32 s18, $0x2  }
0x1e: {  	[tilespmem:s18+$0x1400] =	vst v0  }
0x1f: {  	[spmem:s7] =	stream.linear.scatter [tilespmem:s14], [sflag:$0x1], $0x800, $0x38;
	[tilespmem:$0x4400] =	vst v63  }
0x20: {  	_ =	swait.ge [sflag:s15], $0x800  }
0x21: {  	[sflag:s15] =	ssyncset.done $0x0  }
0x22: {  	[sflag:s15] =	ssyncadd.s32 $0xFFFFF800  }
0x23: {  	[spmem:s8] =	stream.linear.scatter [tilespmem:s14], [sflag:$0x1], $0x800, $0x38;
	[tilespmem:$0x4400] =	vst v63  }
0x24: {  	_ =	swait.ge [sflag:s15], $0x800  }
0x25: {  	[sflag:s15] =	ssyncset.done $0x0  }
0x26: {  	[sflag:s15] =	ssyncadd.s32 $0xFFFFF800  }
0x27: {  	[spmem:s9] =	stream.linear.scatter [tilespmem:s14], [sflag:$0x1], $0x800, $0x38;
	[tilespmem:$0x4400] =	vst v63  }
0x28: {  	_ =	swait.ge [sflag:s15], $0x800  }
0x29: {  	[sflag:s15] =	ssyncset.done $0x0  }
0x2a: {  	[sflag:s15] =	ssyncadd.s32 $0xFFFFF800  }
0x2b: {  	[spmem:s10] =	stream.linear.scatter [tilespmem:s14], [sflag:$0x1], $0x800, $0x38;
	[tilespmem:$0x4400] =	vst v63  }
0x2c: {  	_ =	swait.ge [sflag:s15], $0x800  }
0x2d: {  	[sflag:s15] =	ssyncset.done $0x0  }
0x2e: {  	[sflag:s15] =	ssyncadd.s32 $0xFFFFF800  }
0x2f: {  	[spmem:s11] =	stream.linear.scatter [tilespmem:s14], [sflag:$0x1], $0x800, $0x38;
	[tilespmem:$0x4400] =	vst v63  }
0x30: {  	_ =	swait.ge [sflag:s15], $0x800  }
0x31: {  	[sflag:s15] =	ssyncset.done $0x0  }
0x32: {  	s17 =	simm.s32 $0x40;
	s18 =	simm.s32 $0x0;
	[sflag:s15] =	ssyncadd.s32 $0xFFFFF800  }
.LBB2_4:
0x33: {  	p1 =	sne.s32 s17, $0x1FC0;
	[tilespmem:s18+$0x1400] =	vst v1;
	s18 =	smov.u32 s17;
	s17 =	sadd.s32 $0x40, s17  }
.Ltmp1:
0x34: {  	(pc) =	sbr.rel @p1 .LBB2_4-.Ltmp1, $2  }
0x35: {  	_ =	sdelay $0x2  }
0x36: {  	s18 =	sshra.s32 s18, $0x2  }
0x37: {  	p1 =	sne.s32 s4, $0x1  }
.Ltmp2:
0x38: {  	[tilespmem:s18+$0x1400] =	vst v1;
	(pc) =	sbr.rel @!p1 .LBB2_7-.Ltmp2, $4  }
0x39: {  	s17 =	simm.s32 $0x0;
	[bflag:$0x0] =	sbarrier.arrive $0xFFFF  }
0x3a: {  	[spmem:s2] =	stream.indirect.scatter.add.f32 [tilespmem:s14], [sflag:$0x1], $0x10, s17, s16, $0xb8;
	[tilespmem:$0x4400] =	vst v63  }
0x3b: {  	_ =	swait.ge [sflag:s15], $0x800  }
0x3c: {  	s18 =	sadd.s32 $0xFFFFFFFF, s4;
	[sflag:s15] =	ssyncset.done $0x0  }
.LBB2_6:
0x3d: {  	p1 =	sne.s32 s18, $0x1;
	[sflag:s15] =	ssyncadd.s32 $0xFFFFF800;
	s17 =	sadd.s32 $0x80, s17  }
.Ltmp3:
0x3e: {  	s18 =	sadd.s32 $0xFFFFFFFF, s18;
	(pc) =	sbr.rel @p1 .LBB2_6-.Ltmp3, $4  }
0x3f: {  	_ = 	snop  }
0x40: {  	[spmem:s2] =	stream.indirect.scatter.add.f32 [tilespmem:s14], [sflag:$0x1], $0x10, s17, s16, $0xb8;
	[tilespmem:$0x4400] =	vst v63  }
0x41: {  	_ =	swait.ge [sflag:s15], $0x800  }
0x42: {  	[sflag:s15] =	ssyncset.done $0x0  }
.LBB2_7:
0x43: {  	[sflag:s15] =	ssyncadd.s32 $0xFFFFF800;
	s3 =	sadd.s32 $0x1, s3  }
0x44: {  	s17 =	sshll.u32 s1, $0x6;
	s18 =	sshrl.u32 s7, $0x3;
	p1 =	sne.s32 s3, s13  }
.Ltmp4:
0x45: {  	[bflag:$0x0] =	sbarrier.arrive $0xFFFF;
	s17 =	sor.u32 $0x1C01, s17;
	(pc) =	sbr.rel @p1 .LBB2_1-.Ltmp4, $4  }
0x46: {  	[hbm:s12], [sflag:s17] =	dma.local [spmem:s18], $0x500  }
0x47: {  	_ =	swait.ge [sflag:s15], $0x500  }
0x48: {  	[sflag:s15] =	ssyncset.done $0x0  }
0x49: {  	[sflag:s15] =	ssyncadd.s32 $0xFFFFFB00  }
0x4a: {  	_ =	sfence.sel $0x180000  }
0x4b: {  	[bflag:$0x0] =	sbarrier.arrive $0xFFFF  }
0x4c: {  	p0 =	sne.s32 s1, $0x0;
	_ =	strace $0x90000047  }
0x4d: {  	s0 =	sadd.s32 @!p0 $0x100000, s0;
	[bflag:$0x2] =	sbarrier.arrive $0xFFFF  }
0x4e: {  	[sflag:s0] =	ssyncadd.tile.s32 @!p0 $0x1;
	_ =	shalt  }
.Lfunc_end2:
_tile_overlayer_lowered:
.L_overlay_start_2:
0x4f: {  	(tag) =	ssettag $0x2  }
0x50: {  	s0 =	rddreg [dreg:$0x0];
	s2 =	stileid.u32  }
0x51: {  	s1 =	rddreg [dreg:$0x1];
	p0 =	sne.s32 s2, $0x0  }
0x52: {  	s3 =	rddreg [dreg:$0x2];
	[bflag:$0x3] =	sbarrier.arrive $0xFFFF;
	s2 =	simm.s32 @!p0 $0x1C01  }
0x53: {  	[timem:s3], [sflag:s2] =	dma.local @!p0 [hbm:s0], s1  }
0x54: {  	s0 =	simm.s32 @!p0 $0x1  }
0x55: {  	_ =	swait.ge @!p0 [sflag:s0], s1  }
0x56: {  	s1 =	ssub.s32 @!p0 $0x0, s1;
	[sflag:s0] =	ssyncset.done @!p0 $0x0  }
0x57: {  	[sflag:s0] =	ssyncadd.s32 @!p0 s1  }
0x58: {  	[bflag:$0x3] =	sbarrier.arrive $0xFFFF  }
0x59: {  	_ =	shalt  }

</sc_bundles>
